<compile_context>
chip_gen: v7x
topology: tpu7x:2x2x1
jax: 0.10.2.dev20260603
libtpu: 0.0.44.dev20260713+nightly
codegen_flags: <defaults>
</compile_context>

<pallas_src>
import functools

import jax
import jax.numpy as jnp
from jax import lax
from jax.experimental import pallas as pl
from jax.experimental.pallas import tpu as pltpu
from jax.experimental.pallas import tpu_sc as plsc

N = 10000
NPAD = 10240
D = 128
G = 64
NC, NS = 2, 16
NW = NC * NS
CHUNK = 128
CPT = 80
NSTAGE = 2
SPT = CPT // NSTAGE
EPAD = NW * CPT * CHUNK
ROWS_PT = NPAD // NS
BM = 1024

_MESH = plsc.VectorSubcoreMesh(
    core_axis_name="c", subcore_axis_name="s", num_cores=NC, num_subcores=NS)



@functools.partial(
    pl.kernel,
    out_type=jax.ShapeDtypeStruct((NW, NPAD // 128, 128), jnp.float32),
    mesh=_MESH,
    scratch_types=[
        pltpu.VMEM((CPT, CHUNK), jnp.int32),
        pltpu.VMEM((NPAD // 128, 128), jnp.float32),
    ],
    compiler_params=pltpu.CompilerParams(needs_layout_passes=False),
)
def _deg_kernel(dst_hbm, out_hbm, dstv, counts):
    cid = lax.axis_index("c")
    sid = lax.axis_index("s")
    wid = cid * NS + sid
    zero = jnp.zeros((16,), jnp.float32)

    def _z(i, _):
        for j in range(128 // 16):
            counts[i, pl.ds(j * 16, 16)] = zero
        return 0
    lax.fori_loop(0, NPAD // 128, _z, 0)

    pltpu.sync_copy(dst_hbm.at[wid], dstv)
    one = jnp.ones((16,), jnp.float32)

    def _s(i, _):
        for j in range(CHUNK // 16):
            idx = dstv[i, pl.ds(j * 16, 16)]
            row = lax.shift_right_logical(idx, 7)
            col = lax.bitwise_and(idx, 127)
            plsc.addupdate_scatter(counts, [row, col], one)
        return 0
    lax.fori_loop(0, CPT, _s, 0)

    pltpu.sync_copy(counts, out_hbm.at[wid])


def _scatter_body(src_hbm, dst_hbm, g_hbm, out_hbm,
                  srcv, dstv, buf0, buf1, acc, sem0, sem1):
    cid = lax.axis_index("c")
    sid = lax.axis_index("s")
    wid = cid * NS + sid

    def _z(i, _):
        for j in range(D // 16):
            buf0[i, pl.ds(j * 16, 16)] = jnp.zeros((16,), jnp.float32)
        return 0
    lax.fori_loop(0, CHUNK, _z, 0)
    for r in range(ROWS_PT // CHUNK):
        pltpu.sync_copy(buf0, acc.at[pl.ds(sid * ROWS_PT + r * CHUNK, CHUNK)])
    plsc.subcore_barrier()

    for s in range(NSTAGE):
        pltpu.sync_copy(src_hbm.at[wid, pl.ds(s * SPT, SPT)], srcv)
        pltpu.sync_copy(dst_hbm.at[wid, pl.ds(s * SPT, SPT)], dstv)
        pltpu.async_copy(g_hbm.at[srcv.at[0]], buf0, sem0)

        def _step(j, _):
            pltpu.async_copy(g_hbm.at[srcv.at[2 * j + 1]], buf1, sem1)
            pltpu.make_async_copy(g_hbm.at[srcv.at[2 * j]], buf0, sem0).wait()
            pltpu.sync_copy(buf0, acc.at[dstv.at[2 * j]], add=True)

            @pl.when(j < SPT // 2 - 1)
            def _():
                pltpu.async_copy(g_hbm.at[srcv.at[2 * j + 2]], buf0, sem0)

            pltpu.make_async_copy(g_hbm.at[srcv.at[2 * j + 1]], buf1, sem1).wait()
            pltpu.sync_copy(buf1, acc.at[dstv.at[2 * j + 1]], add=True)
            return 0

        lax.fori_loop(0, SPT // 2, _step, 0)
    plsc.subcore_barrier()
    pltpu.sync_copy(acc.at[pl.ds(sid * ROWS_PT, ROWS_PT)],
                    out_hbm.at[cid, pl.ds(sid * ROWS_PT, ROWS_PT)])


@functools.partial(
    pl.kernel,
    out_type=jax.ShapeDtypeStruct((NC, NPAD, D), jnp.float32),
    mesh=_MESH,
    scratch_types=[
        pltpu.VMEM((SPT, CHUNK), jnp.int32),
        pltpu.VMEM((SPT, CHUNK), jnp.int32),
        pltpu.VMEM((CHUNK, D), jnp.float32),
        pltpu.VMEM((CHUNK, D), jnp.float32),
        pltpu.VMEM_SHARED((NPAD, D), jnp.float32),
        pltpu.SemaphoreType.DMA,
        pltpu.SemaphoreType.DMA,
    ],
)
def _scatter_kernel(src_hbm, dst_hbm, g_hbm, out_hbm,
                    srcv, dstv, buf0, buf1, acc, sem0, sem1):
    _scatter_body(src_hbm, dst_hbm, g_hbm, out_hbm,
                  srcv, dstv, buf0, buf1, acc, sem0, sem1)



def _tc_a(x_ref, w_ref, d_ref, g_ref, dinv_ref):
    deg = jnp.sum(d_ref[:, :], axis=1, keepdims=True) + 1.0
    dinv = lax.rsqrt(deg)
    h = jnp.dot(x_ref[:, :], w_ref[:, :], preferred_element_type=jnp.float32)
    g_ref[:, :] = h * dinv
    dinv_ref[:, :] = jnp.broadcast_to(dinv, (BM, D))


def _tc_a_call(xp, W1, degT):
    return pl.pallas_call(
        _tc_a,
        grid=(NPAD // BM,),
        in_specs=[
            pl.BlockSpec((BM, D), lambda i: (i, 0)),
            pl.BlockSpec((D, D), lambda i: (0, 0)),
            pl.BlockSpec((BM, NW), lambda i: (i, 0)),
        ],
        out_specs=[pl.BlockSpec((BM, D), lambda i: (i, 0)),
                   pl.BlockSpec((BM, D), lambda i: (i, 0))],
        out_shape=[jax.ShapeDtypeStruct((NPAD, D), jnp.float32),
                   jax.ShapeDtypeStruct((NPAD, D), jnp.float32)],
    )(xp, W1, degT)


def _tc_b(p0_ref, p1_ref, g_ref, dinv_ref, b_ref, w_ref, gn_ref):
    z = (p0_ref[:, :] + p1_ref[:, :] + g_ref[:, :]) * dinv_ref[:, :] + b_ref[:, :]
    z = jnp.maximum(z, 0.0)
    gn_ref[:, :] = jnp.dot(z, w_ref[:, :],
                           preferred_element_type=jnp.float32) * dinv_ref[:, :]


def _tc_b_call(p0, p1, g, dinvb, b, Wn):
    return pl.pallas_call(
        _tc_b,
        grid=(NPAD // BM,),
        in_specs=[
            pl.BlockSpec((BM, D), lambda i: (i, 0)),
            pl.BlockSpec((BM, D), lambda i: (i, 0)),
            pl.BlockSpec((BM, D), lambda i: (i, 0)),
            pl.BlockSpec((BM, D), lambda i: (i, 0)),
            pl.BlockSpec((1, D), lambda i: (0, 0)),
            pl.BlockSpec((D, D), lambda i: (0, 0)),
        ],
        out_specs=pl.BlockSpec((BM, D), lambda i: (i, 0)),
        out_shape=jax.ShapeDtypeStruct((NPAD, D), jnp.float32),
    )(p0, p1, g, dinvb, b, Wn)


def _tc_c(p0_ref, p1_ref, g_ref, dinv_ref, b_ref, bat_ref, out_ref):
    i = pl.program_id(0)
    z = (p0_ref[:, :] + p1_ref[:, :] + g_ref[:, :]) * dinv_ref[:, :] + b_ref[:, :]
    ids = bat_ref[:, :]
    col = lax.broadcasted_iota(jnp.int32, (BM, G), 1)
    onehot = (ids == col).astype(jnp.float32)
    part = lax.dot_general(onehot, z, (((0,), (0,)), ((), ())),
                           preferred_element_type=jnp.float32)

    @pl.when(i == 0)
    def _():
        out_ref[:, :] = jnp.zeros((G, D), jnp.float32)

    out_ref[:, :] += part


def _tc_c_call(p0, p1, g, dinvb, b, bat):
    return pl.pallas_call(
        _tc_c,
        grid=(NPAD // BM,),
        in_specs=[
            pl.BlockSpec((BM, D), lambda i: (i, 0)),
            pl.BlockSpec((BM, D), lambda i: (i, 0)),
            pl.BlockSpec((BM, D), lambda i: (i, 0)),
            pl.BlockSpec((BM, D), lambda i: (i, 0)),
            pl.BlockSpec((1, D), lambda i: (0, 0)),
            pl.BlockSpec((BM, 1), lambda i: (i, 0)),
        ],
        out_specs=pl.BlockSpec((G, D), lambda i: (0, 0)),
        out_shape=jax.ShapeDtypeStruct((G, D), jnp.float32),
    )(p0, p1, g, dinvb, b, bat)



def kernel(x, edge_index, batch, W1, b1, W2, b2, W3, b3):
    x = x.astype(jnp.float32)
    src = edge_index[0].astype(jnp.int32)
    dst = edge_index[1].astype(jnp.int32)
    E = src.shape[0]
    pad = EPAD - E
    padidx = (jnp.arange(pad, dtype=jnp.int32) % (NPAD - N)) + N
    srcp = jnp.concatenate([src, padidx]).reshape(NW, CPT, CHUNK)
    dstp = jnp.concatenate([dst, padidx]).reshape(NW, CPT, CHUNK)
    xp = jnp.pad(x, ((0, NPAD - N), (0, 0)))
    batp = jnp.concatenate(
        [batch.astype(jnp.int32), jnp.full((NPAD - N,), G, jnp.int32)]).reshape(NPAD, 1)

    degp = _deg_kernel(dstp)
    degT = degp.reshape(NW, NPAD).T
    g1, dinvb = _tc_a_call(xp, W1, degT)
    p1 = _scatter_kernel(srcp, dstp, g1)
    g2 = _tc_b_call(p1[0], p1[1], g1, dinvb, b1.reshape(1, D), W2)
    p2 = _scatter_kernel(srcp, dstp, g2)
    g3 = _tc_b_call(p2[0], p2[1], g2, dinvb, b2.reshape(1, D), W3)
    p3 = _scatter_kernel(srcp, dstp, g3)
    return _tc_c_call(p3[0], p3[1], g3, dinvb, b3.reshape(1, D), batp)

# --- scband reference (transcript-rebuilt; emitter-appended) ---
"""Pipeline reference for scband-gcn-90744069030482 (READ-ONLY COPY).

The authoritative reference and input builder live on the scoring server;
editing this copy changes nothing except your own understanding.
"""

import jax, jax.numpy as jnp
import numpy as np

N_NODES = 10000
N_EDGES = 320000
D_IN = 128
D_HID = 128
D_OUT = 128
N_GRAPHS = 64


def setup_inputs(seed: int = 0) -> dict:
    key = jax.random.key(seed)
    k = jax.random.split(key, 10)
    x = jax.random.normal(k[0], (N_NODES, D_IN), dtype=jnp.float32)
    edge_index = jax.random.randint(k[1], (2, N_EDGES), 0, N_NODES, dtype=jnp.int64 if jax.config.jax_enable_x64 else jnp.int32).astype(jnp.int32)
    batch = jnp.sort(jax.random.randint(k[2], (N_NODES,), 0, N_GRAPHS)).astype(jnp.int32)
    s1 = 1.0 / np.sqrt(D_IN)
    s2 = 1.0 / np.sqrt(D_HID)
    W1 = jax.random.uniform(k[3], (D_IN, D_HID), jnp.float32, -s1, s1)
    b1 = jnp.zeros((D_HID,), jnp.float32)
    W2 = jax.random.uniform(k[4], (D_HID, D_HID), jnp.float32, -s2, s2)
    b2 = jnp.zeros((D_HID,), jnp.float32)
    W3 = jax.random.uniform(k[5], (D_HID, D_OUT), jnp.float32, -s2, s2)
    b3 = jnp.zeros((D_OUT,), jnp.float32)
    return {"x": x, "edge_index": edge_index, "batch": batch,
            "W1": W1, "b1": b1, "W2": W2, "b2": b2, "W3": W3, "b3": b3}


def _gcn_conv(x, src, dst, W, b, num_nodes):
    # add self loops
    loop = jnp.arange(num_nodes, dtype=src.dtype)
    src_sl = jnp.concatenate([src, loop])
    dst_sl = jnp.concatenate([dst, loop])
    deg = jnp.zeros((num_nodes,), jnp.float32).at[dst_sl].add(1.0)
    deg_inv_sqrt = jnp.where(deg > 0, 1.0 / jnp.sqrt(deg), 0.0)
    norm = deg_inv_sqrt[src_sl] * deg_inv_sqrt[dst_sl]
    h = x @ W
    msg = h[src_sl] * norm[:, None]
    out = jnp.zeros((num_nodes, W.shape[1]), jnp.float32).at[dst_sl].add(msg)
    return out + b


def reference(x, edge_index, batch, W1, b1, W2, b2, W3, b3):
    x = x.astype(jnp.float32)
    src, dst = edge_index[0], edge_index[1]
    num_nodes = x.shape[0]
    # layer 1 + relu
    h = _gcn_conv(x, src, dst, W1, b1, num_nodes)
    h = jax.nn.relu(h)
    # layer 2 + relu
    h = _gcn_conv(h, src, dst, W2, b2, num_nodes)
    h = jax.nn.relu(h)
    # layer 3 (no relu)
    h = _gcn_conv(h, src, dst, W3, b3, num_nodes)
    # global_add_pool over batch segment ids
    pooled = jax.ops.segment_sum(h, batch, num_segments=N_GRAPHS)
    return pooled


if False:  # reference __main__ guard neutralized (emitter)
    inp = setup_inputs()
    out = reference(**inp)
    print(out.shape)

if __name__ == "__main__":
    import jax
    _d = setup_inputs()
    print(jax.jit(kernel)(*tuple(_d.values())))

</pallas_src>

<mosaic_0001>
#map = affine_map<(d0, d1) -> (0, 0, 0)>
#map1 = affine_map<(d0, d1) -> (0, 0)>
module attributes {stable_mosaic.version = 14 : i64} {
  func.func @_scatter_kernel(%arg0: i32, %arg1: i32, %arg2: memref<32x80x128xi32, #tpu.memory_space<hbm>>, %arg3: memref<32x80x128xi32, #tpu.memory_space<hbm>>, %arg4: memref<10240x128xf32, #tpu.memory_space<hbm>>, %arg5: memref<2x10240x128xf32, #tpu.memory_space<hbm>>, %arg6: memref<40x128xi32, #tpu.memory_space<vmem>>, %arg7: memref<40x128xi32, #tpu.memory_space<vmem>>, %arg8: memref<128x128xf32, #tpu.memory_space<vmem>>, %arg9: memref<128x128xf32, #tpu.memory_space<vmem>>, %arg10: memref<10240x128xf32, #tpu.memory_space<vmem_shared>>, %arg11: memref<!tpu.dma_semaphore, #tpu.memory_space<semaphore_mem>>, %arg12: memref<!tpu.dma_semaphore, #tpu.memory_space<semaphore_mem>>) attributes {dimension_semantics = [#tpu.dimension_semantics<core_parallel>, #tpu.dimension_semantics<subcore_parallel>], iteration_bounds = array<i64: 2, 16>, scalar_prefetch = 0 : i64, scratch_operands = 7 : i64, tpu.core_type = #tpu.core_type<sc_vector_subcore>, window_params = [{transform_indices = #map}, {transform_indices = #map}, {transform_indices = #map1}, {transform_indices = #map}]} {
    %mul3A = arith.constant 16 : i32
    %mul3A_0 = arith.muli %arg0, %mul3A : i32
    %add3A = arith.addi %mul3A_0, %arg1 : i32
    %scan3A = arith.constant 0 : i32
    %scan3A_1 = arith.constant 0 : i32
    %scan3A_2 = arith.constant 128 : i32
    %scan3A_3 = arith.addi %scan3A_1, %scan3A_2 : i32
    %scan3A_4 = arith.constant 1 : i32
    %scan3A_5 = scf.for %scan3A_59 = %scan3A_1 to %scan3A_3 step %scan3A_4 iter_args(%scan3A_60 = %scan3A) -> (i32)  : i32 {
      %broadcast_in_dim3A = arith.constant 0.000000e+00 : f32
      %broadcast_in_dim3A_61 = vector.broadcast %broadcast_in_dim3A : f32 to vector<16xf32>
      %swap3A = arith.index_cast %scan3A_59 : i32 to index
      %swap3A_62 = arith.constant 0 : index
      %swap3A_63 = tpu.vector_load %arg8[%swap3A, %swap3A_62] {strides = array<i32>} : memref<128x128xf32, #tpu.memory_space<vmem>>, vector<1x16xf32>,
      %swap3A_64 = vector.shape_cast %swap3A_63 : vector<1x16xf32> to vector<16xf32>
      %swap3A_65 = vector.shape_cast %broadcast_in_dim3A_61 : vector<16xf32> to vector<1x16xf32>
      tpu.vector_store %arg8[%swap3A, %swap3A_62], %swap3A_65 {strides = array<i32>} : memref<128x128xf32, #tpu.memory_space<vmem>>, vector<1x16xf32>,
      %broadcast_in_dim3A_66 = arith.constant 0.000000e+00 : f32
      %broadcast_in_dim3A_67 = vector.broadcast %broadcast_in_dim3A_66 : f32 to vector<16xf32>
      %swap3A_68 = arith.index_cast %scan3A_59 : i32 to index
      %swap3A_69 = arith.constant 16 : index
      %swap3A_70 = tpu.vector_load %arg8[%swap3A_68, %swap3A_69] {strides = array<i32>} : memref<128x128xf32, #tpu.memory_space<vmem>>, vector<1x16xf32>,
      %swap3A_71 = vector.shape_cast %swap3A_70 : vector<1x16xf32> to vector<16xf32>
      %swap3A_72 = vector.shape_cast %broadcast_in_dim3A_67 : vector<16xf32> to vector<1x16xf32>
      tpu.vector_store %arg8[%swap3A_68, %swap3A_69], %swap3A_72 {strides = array<i32>} : memref<128x128xf32, #tpu.memory_space<vmem>>, vector<1x16xf32>,
      %broadcast_in_dim3A_73 = arith.constant 0.000000e+00 : f32
      %broadcast_in_dim3A_74 = vector.broadcast %broadcast_in_dim3A_73 : f32 to vector<16xf32>
      %swap3A_75 = arith.index_cast %scan3A_59 : i32 to index
      %swap3A_76 = arith.constant 32 : index
      %swap3A_77 = tpu.vector_load %arg8[%swap3A_75, %swap3A_76] {strides = array<i32>} : memref<128x128xf32, #tpu.memory_space<vmem>>, vector<1x16xf32>,
      %swap3A_78 = vector.shape_cast %swap3A_77 : vector<1x16xf32> to vector<16xf32>
      %swap3A_79 = vector.shape_cast %broadcast_in_dim3A_74 : vector<16xf32> to vector<1x16xf32>
      tpu.vector_store %arg8[%swap3A_75, %swap3A_76], %swap3A_79 {strides = array<i32>} : memref<128x128xf32, #tpu.memory_space<vmem>>, vector<1x16xf32>,
      %broadcast_in_dim3A_80 = arith.constant 0.000000e+00 : f32
      %broadcast_in_dim3A_81 = vector.broadcast %broadcast_in_dim3A_80 : f32 to vector<16xf32>
      %swap3A_82 = arith.index_cast %scan3A_59 : i32 to index
      %swap3A_83 = arith.constant 48 : index
      %swap3A_84 = tpu.vector_load %arg8[%swap3A_82, %swap3A_83] {strides = array<i32>} : memref<128x128xf32, #tpu.memory_space<vmem>>, vector<1x16xf32>,
      %swap3A_85 = vector.shape_cast %swap3A_84 : vector<1x16xf32> to vector<16xf32>
      %swap3A_86 = vector.shape_cast %broadcast_in_dim3A_81 : vector<16xf32> to vector<1x16xf32>
      tpu.vector_store %arg8[%swap3A_82, %swap3A_83], %swap3A_86 {strides = array<i32>} : memref<128x128xf32, #tpu.memory_space<vmem>>, vector<1x16xf32>,
      %broadcast_in_dim3A_87 = arith.constant 0.000000e+00 : f32
      %broadcast_in_dim3A_88 = vector.broadcast %broadcast_in_dim3A_87 : f32 to vector<16xf32>
      %swap3A_89 = arith.index_cast %scan3A_59 : i32 to index
      %swap3A_90 = arith.constant 64 : index
      %swap3A_91 = tpu.vector_load %arg8[%swap3A_89, %swap3A_90] {strides = array<i32>} : memref<128x128xf32, #tpu.memory_space<vmem>>, vector<1x16xf32>,
      %swap3A_92 = vector.shape_cast %swap3A_91 : vector<1x16xf32> to vector<16xf32>
      %swap3A_93 = vector.shape_cast %broadcast_in_dim3A_88 : vector<16xf32> to vector<1x16xf32>
      tpu.vector_store %arg8[%swap3A_89, %swap3A_90], %swap3A_93 {strides = array<i32>} : memref<128x128xf32, #tpu.memory_space<vmem>>, vector<1x16xf32>,
      %broadcast_in_dim3A_94 = arith.constant 0.000000e+00 : f32
      %broadcast_in_dim3A_95 = vector.broadcast %broadcast_in_dim3A_94 : f32 to vector<16xf32>
      %swap3A_96 = arith.index_cast %scan3A_59 : i32 to index
      %swap3A_97 = arith.constant 80 : index
      %swap3A_98 = tpu.vector_load %arg8[%swap3A_96, %swap3A_97] {strides = array<i32>} : memref<128x128xf32, #tpu.memory_space<vmem>>, vector<1x16xf32>,
      %swap3A_99 = vector.shape_cast %swap3A_98 : vector<1x16xf32> to vector<16xf32>
      %swap3A_100 = vector.shape_cast %broadcast_in_dim3A_95 : vector<16xf32> to vector<1x16xf32>
      tpu.vector_store %arg8[%swap3A_96, %swap3A_97], %swap3A_100 {strides = array<i32>} : memref<128x128xf32, #tpu.memory_space<vmem>>, vector<1x16xf32>,
      %broadcast_in_dim3A_101 = arith.constant 0.000000e+00 : f32
      %broadcast_in_dim3A_102 = vector.broadcast %broadcast_in_dim3A_101 : f32 to vector<16xf32>
      %swap3A_103 = arith.index_cast %scan3A_59 : i32 to index
      %swap3A_104 = arith.constant 96 : index
      %swap3A_105 = tpu.vector_load %arg8[%swap3A_103, %swap3A_104] {strides = array<i32>} : memref<128x128xf32, #tpu.memory_space<vmem>>, vector<1x16xf32>,
      %swap3A_106 = vector.shape_cast %swap3A_105 : vector<1x16xf32> to vector<16xf32>
      %swap3A_107 = vector.shape_cast %broadcast_in_dim3A_102 : vector<16xf32> to vector<1x16xf32>
      tpu.vector_store %arg8[%swap3A_103, %swap3A_104], %swap3A_107 {strides = array<i32>} : memref<128x128xf32, #tpu.memory_space<vmem>>, vector<1x16xf32>,
      %broadcast_in_dim3A_108 = arith.constant 0.000000e+00 : f32
      %broadcast_in_dim3A_109 = vector.broadcast %broadcast_in_dim3A_108 : f32 to vector<16xf32>
      %swap3A_110 = arith.index_cast %scan3A_59 : i32 to index
      %swap3A_111 = arith.constant 112 : index
      %swap3A_112 = tpu.vector_load %arg8[%swap3A_110, %swap3A_111] {strides = array<i32>} : memref<128x128xf32, #tpu.memory_space<vmem>>, vector<1x16xf32>,
      %swap3A_113 = vector.shape_cast %swap3A_112 : vector<1x16xf32> to vector<16xf32>
      %swap3A_114 = vector.shape_cast %broadcast_in_dim3A_109 : vector<16xf32> to vector<1x16xf32>
      tpu.vector_store %arg8[%swap3A_110, %swap3A_111], %swap3A_114 {strides = array<i32>} : memref<128x128xf32, #tpu.memory_space<vmem>>, vector<1x16xf32>,
      %scan3A_115 = arith.constant 0 : i32
      scf.yield %scan3A_115 : i32
    }
    %scan3A_6 = arith.constant 128 : i32
    %mul3A_7 = arith.constant 640 : i32
    %mul3A_8 = arith.muli %arg1, %mul3A_7 : i32
    %add3A_9 = arith.constant 0 : i32
    %add3A_10 = arith.addi %mul3A_8, %add3A_9 : i32
    "tpu.region"() ({
      %run_scoped3A = tpu.sem_alloc : memref<!tpu.dma_semaphore, #tpu.memory_space<semaphore_mem>>
      %dma_start3A_59 = arith.constant 0 : i32
      %dma_start3A_60 = tpu.memref_slice %arg10[%add3A_10, %dma_start3A_59] : memref<10240x128xf32, #tpu.memory_space<vmem_shared>> -> memref<128x128xf32, #tpu.memory_space<vmem_shared>>
      %dma_start3A_61 = arith.constant 0 : i32
      %dma_start3A_62 = tpu.memref_slice %arg10[%add3A_10, %dma_start3A_61] : memref<10240x128xf32, #tpu.memory_space<vmem_shared>> -> memref<128x128xf32, #tpu.memory_space<vmem_shared>>
      tpu.enqueue_dma source(%arg8 : memref<128x128xf32, #tpu.memory_space<vmem>>) target(%dma_start3A_62 : memref<128x128xf32, #tpu.memory_space<vmem_shared>>) target_semaphore(%run_scoped3A : memref<!tpu.dma_semaphore, #tpu.memory_space<semaphore_mem>>)
      %dma_wait3A = arith.constant 0 : i32
      %dma_wait3A_63 = tpu.memref_slice %arg10[%add3A_10, %dma_wait3A] : memref<10240x128xf32, #tpu.memory_space<vmem_shared>> -> memref<128x128xf32, #tpu.memory_space<vmem_shared>>
      %dma_wait3A_64 = arith.constant 0 : i32
      %dma_wait3A_65 = tpu.memref_slice %arg10[%add3A_10, %dma_wait3A_64] : memref<10240x128xf32, #tpu.memory_space<vmem_shared>> -> memref<128x128xf32, #tpu.memory_space<vmem_shared>>
      tpu.wait_dma2 semaphore(%run_scoped3A : memref<!tpu.dma_semaphore, #tpu.memory_space<semaphore_mem>>) src(%arg8 : memref<128x128xf32, #tpu.memory_space<vmem>>) dst(%dma_wait3A_65 : memref<128x128xf32, #tpu.memory_space<vmem_shared>>)
      tpu.yield
    }) : () -> ()
    %mul3A_11 = arith.constant 640 : i32
    %mul3A_12 = arith.muli %arg1, %mul3A_11 : i32
    %add3A_13 = arith.constant 128 : i32
    %add3A_14 = arith.addi %mul3A_12, %add3A_13 : i32
    "tpu.region"() ({
      %run_scoped3A = tpu.sem_alloc : memref<!tpu.dma_semaphore, #tpu.memory_space<semaphore_mem>>
      %dma_start3A_59 = arith.constant 0 : i32
      %dma_start3A_60 = tpu.memref_slice %arg10[%add3A_14, %dma_start3A_59] : memref<10240x128xf32, #tpu.memory_space<vmem_shared>> -> memref<128x128xf32, #tpu.memory_space<vmem_shared>>
      %dma_start3A_61 = arith.constant 0 : i32
      %dma_start3A_62 = tpu.memref_slice %arg10[%add3A_14, %dma_start3A_61] : memref<10240x128xf32, #tpu.memory_space<vmem_shared>> -> memref<128x128xf32, #tpu.memory_space<vmem_shared>>
      tpu.enqueue_dma source(%arg8 : memref<128x128xf32, #tpu.memory_space<vmem>>) target(%dma_start3A_62 : memref<128x128xf32, #tpu.memory_space<vmem_shared>>) target_semaphore(%run_scoped3A : memref<!tpu.dma_semaphore, #tpu.memory_space<semaphore_mem>>)
      %dma_wait3A = arith.constant 0 : i32
      %dma_wait3A_63 = tpu.memref_slice %arg10[%add3A_14, %dma_wait3A] : memref<10240x128xf32, #tpu.memory_space<vmem_shared>> -> memref<128x128xf32, #tpu.memory_space<vmem_shared>>
      %dma_wait3A_64 = arith.constant 0 : i32
      %dma_wait3A_65 = tpu.memref_slice %arg10[%add3A_14, %dma_wait3A_64] : memref<10240x128xf32, #tpu.memory_space<vmem_shared>> -> memref<128x128xf32, #tpu.memory_space<vmem_shared>>
      tpu.wait_dma2 semaphore(%run_scoped3A : memref<!tpu.dma_semaphore, #tpu.memory_space<semaphore_mem>>) src(%arg8 : memref<128x128xf32, #tpu.memory_space<vmem>>) dst(%dma_wait3A_65 : memref<128x128xf32, #tpu.memory_space<vmem_shared>>)
      tpu.yield
    }) : () -> ()
    %mul3A_15 = arith.constant 640 : i32
    %mul3A_16 = arith.muli %arg1, %mul3A_15 : i32
    %add3A_17 = arith.constant 256 : i32
    %add3A_18 = arith.addi %mul3A_16, %add3A_17 : i32
    "tpu.region"() ({
      %run_scoped3A = tpu.sem_alloc : memref<!tpu.dma_semaphore, #tpu.memory_space<semaphore_mem>>
      %dma_start3A_59 = arith.constant 0 : i32
      %dma_start3A_60 = tpu.memref_slice %arg10[%add3A_18, %dma_start3A_59] : memref<10240x128xf32, #tpu.memory_space<vmem_shared>> -> memref<128x128xf32, #tpu.memory_space<vmem_shared>>
      %dma_start3A_61 = arith.constant 0 : i32
      %dma_start3A_62 = tpu.memref_slice %arg10[%add3A_18, %dma_start3A_61] : memref<10240x128xf32, #tpu.memory_space<vmem_shared>> -> memref<128x128xf32, #tpu.memory_space<vmem_shared>>
      tpu.enqueue_dma source(%arg8 : memref<128x128xf32, #tpu.memory_space<vmem>>) target(%dma_start3A_62 : memref<128x128xf32, #tpu.memory_space<vmem_shared>>) target_semaphore(%run_scoped3A : memref<!tpu.dma_semaphore, #tpu.memory_space<semaphore_mem>>)
      %dma_wait3A = arith.constant 0 : i32
      %dma_wait3A_63 = tpu.memref_slice %arg10[%add3A_18, %dma_wait3A] : memref<10240x128xf32, #tpu.memory_space<vmem_shared>> -> memref<128x128xf32, #tpu.memory_space<vmem_shared>>
      %dma_wait3A_64 = arith.constant 0 : i32
      %dma_wait3A_65 = tpu.memref_slice %arg10[%add3A_18, %dma_wait3A_64] : memref<10240x128xf32, #tpu.memory_space<vmem_shared>> -> memref<128x128xf32, #tpu.memory_space<vmem_shared>>
      tpu.wait_dma2 semaphore(%run_scoped3A : memref<!tpu.dma_semaphore, #tpu.memory_space<semaphore_mem>>) src(%arg8 : memref<128x128xf32, #tpu.memory_space<vmem>>) dst(%dma_wait3A_65 : memref<128x128xf32, #tpu.memory_space<vmem_shared>>)
      tpu.yield
    }) : () -> ()
    %mul3A_19 = arith.constant 640 : i32
    %mul3A_20 = arith.muli %arg1, %mul3A_19 : i32
    %add3A_21 = arith.constant 384 : i32
    %add3A_22 = arith.addi %mul3A_20, %add3A_21 : i32
    "tpu.region"() ({
      %run_scoped3A = tpu.sem_alloc : memref<!tpu.dma_semaphore, #tpu.memory_space<semaphore_mem>>
      %dma_start3A_59 = arith.constant 0 : i32
      %dma_start3A_60 = tpu.memref_slice %arg10[%add3A_22, %dma_start3A_59] : memref<10240x128xf32, #tpu.memory_space<vmem_shared>> -> memref<128x128xf32, #tpu.memory_space<vmem_shared>>
      %dma_start3A_61 = arith.constant 0 : i32
      %dma_start3A_62 = tpu.memref_slice %arg10[%add3A_22, %dma_start3A_61] : memref<10240x128xf32, #tpu.memory_space<vmem_shared>> -> memref<128x128xf32, #tpu.memory_space<vmem_shared>>
      tpu.enqueue_dma source(%arg8 : memref<128x128xf32, #tpu.memory_space<vmem>>) target(%dma_start3A_62 : memref<128x128xf32, #tpu.memory_space<vmem_shared>>) target_semaphore(%run_scoped3A : memref<!tpu.dma_semaphore, #tpu.memory_space<semaphore_mem>>)
      %dma_wait3A = arith.constant 0 : i32
      %dma_wait3A_63 = tpu.memref_slice %arg10[%add3A_22, %dma_wait3A] : memref<10240x128xf32, #tpu.memory_space<vmem_shared>> -> memref<128x128xf32, #tpu.memory_space<vmem_shared>>
      %dma_wait3A_64 = arith.constant 0 : i32
      %dma_wait3A_65 = tpu.memref_slice %arg10[%add3A_22, %dma_wait3A_64] : memref<10240x128xf32, #tpu.memory_space<vmem_shared>> -> memref<128x128xf32, #tpu.memory_space<vmem_shared>>
      tpu.wait_dma2 semaphore(%run_scoped3A : memref<!tpu.dma_semaphore, #tpu.memory_space<semaphore_mem>>) src(%arg8 : memref<128x128xf32, #tpu.memory_space<vmem>>) dst(%dma_wait3A_65 : memref<128x128xf32, #tpu.memory_space<vmem_shared>>)
      tpu.yield
    }) : () -> ()
    %mul3A_23 = arith.constant 640 : i32
    %mul3A_24 = arith.muli %arg1, %mul3A_23 : i32
    %add3A_25 = arith.constant 512 : i32
    %add3A_26 = arith.addi %mul3A_24, %add3A_25 : i32
    "tpu.region"() ({
      %run_scoped3A = tpu.sem_alloc : memref<!tpu.dma_semaphore, #tpu.memory_space<semaphore_mem>>
      %dma_start3A_59 = arith.constant 0 : i32
      %dma_start3A_60 = tpu.memref_slice %arg10[%add3A_26, %dma_start3A_59] : memref<10240x128xf32, #tpu.memory_space<vmem_shared>> -> memref<128x128xf32, #tpu.memory_space<vmem_shared>>
      %dma_start3A_61 = arith.constant 0 : i32
      %dma_start3A_62 = tpu.memref_slice %arg10[%add3A_26, %dma_start3A_61] : memref<10240x128xf32, #tpu.memory_space<vmem_shared>> -> memref<128x128xf32, #tpu.memory_space<vmem_shared>>
      tpu.enqueue_dma source(%arg8 : memref<128x128xf32, #tpu.memory_space<vmem>>) target(%dma_start3A_62 : memref<128x128xf32, #tpu.memory_space<vmem_shared>>) target_semaphore(%run_scoped3A : memref<!tpu.dma_semaphore, #tpu.memory_space<semaphore_mem>>)
      %dma_wait3A = arith.constant 0 : i32
      %dma_wait3A_63 = tpu.memref_slice %arg10[%add3A_26, %dma_wait3A] : memref<10240x128xf32, #tpu.memory_space<vmem_shared>> -> memref<128x128xf32, #tpu.memory_space<vmem_shared>>
      %dma_wait3A_64 = arith.constant 0 : i32
      %dma_wait3A_65 = tpu.memref_slice %arg10[%add3A_26, %dma_wait3A_64] : memref<10240x128xf32, #tpu.memory_space<vmem_shared>> -> memref<128x128xf32, #tpu.memory_space<vmem_shared>>
      tpu.wait_dma2 semaphore(%run_scoped3A : memref<!tpu.dma_semaphore, #tpu.memory_space<semaphore_mem>>) src(%arg8 : memref<128x128xf32, #tpu.memory_space<vmem>>) dst(%dma_wait3A_65 : memref<128x128xf32, #tpu.memory_space<vmem_shared>>)
      tpu.yield
    }) : () -> ()
    %barrier3A = arith.constant 0 : index
    tpu.barrier barrier_id(%barrier3A)
    "tpu.region"() ({
      %run_scoped3A = tpu.sem_alloc : memref<!tpu.dma_semaphore, #tpu.memory_space<semaphore_mem>>
      %dma_start3A_59 = arith.constant 0 : i32
      %dma_start3A_60 = arith.constant 0 : i32
      %dma_start3A_61 = tpu.memref_slice %arg2[%add3A, %dma_start3A_59, %dma_start3A_60] : memref<32x80x128xi32, #tpu.memory_space<hbm>> -> memref<1x40x128xi32, #tpu.memory_space<hbm>>
      %dma_start3A_62 = tpu.memref_squeeze %dma_start3A_61 : memref<1x40x128xi32, #tpu.memory_space<hbm>> -> memref<40x128xi32, #tpu.memory_space<hbm>>
      %dma_start3A_63 = arith.constant 0 : i32
      %dma_start3A_64 = arith.constant 0 : i32
      %dma_start3A_65 = tpu.memref_slice %arg2[%add3A, %dma_start3A_63, %dma_start3A_64] : memref<32x80x128xi32, #tpu.memory_space<hbm>> -> memref<1x40x128xi32, #tpu.memory_space<hbm>>
      %dma_start3A_66 = tpu.memref_squeeze %dma_start3A_65 : memref<1x40x128xi32, #tpu.memory_space<hbm>> -> memref<40x128xi32, #tpu.memory_space<hbm>>
      tpu.enqueue_dma source(%dma_start3A_66 : memref<40x128xi32, #tpu.memory_space<hbm>>) target(%arg6 : memref<40x128xi32, #tpu.memory_space<vmem>>) target_semaphore(%run_scoped3A : memref<!tpu.dma_semaphore, #tpu.memory_space<semaphore_mem>>)
      %dma_wait3A = arith.constant 0 : i32
      %dma_wait3A_67 = arith.constant 0 : i32
      %dma_wait3A_68 = tpu.memref_slice %arg2[%add3A, %dma_wait3A, %dma_wait3A_67] : memref<32x80x128xi32, #tpu.memory_space<hbm>> -> memref<1x40x128xi32, #tpu.memory_space<hbm>>
      %dma_wait3A_69 = tpu.memref_squeeze %dma_wait3A_68 : memref<1x40x128xi32, #tpu.memory_space<hbm>> -> memref<40x128xi32, #tpu.memory_space<hbm>>
      %dma_wait3A_70 = arith.constant 0 : i32
      %dma_wait3A_71 = arith.constant 0 : i32
      %dma_wait3A_72 = tpu.memref_slice %arg2[%add3A, %dma_wait3A_70, %dma_wait3A_71] : memref<32x80x128xi32, #tpu.memory_space<hbm>> -> memref<1x40x128xi32, #tpu.memory_space<hbm>>
      %dma_wait3A_73 = tpu.memref_squeeze %dma_wait3A_72 : memref<1x40x128xi32, #tpu.memory_space<hbm>> -> memref<40x128xi32, #tpu.memory_space<hbm>>
      tpu.wait_dma2 semaphore(%run_scoped3A : memref<!tpu.dma_semaphore, #tpu.memory_space<semaphore_mem>>) src(%dma_wait3A_73 : memref<40x128xi32, #tpu.memory_space<hbm>>) dst(%arg6 : memref<40x128xi32, #tpu.memory_space<vmem>>)
      tpu.yield
    }) : () -> ()
    "tpu.region"() ({
      %run_scoped3A = tpu.sem_alloc : memref<!tpu.dma_semaphore, #tpu.memory_space<semaphore_mem>>
      %dma_start3A_59 = arith.constant 0 : i32
      %dma_start3A_60 = arith.constant 0 : i32
      %dma_start3A_61 = tpu.memref_slice %arg3[%add3A, %dma_start3A_59, %dma_start3A_60] : memref<32x80x128xi32, #tpu.memory_space<hbm>> -> memref<1x40x128xi32, #tpu.memory_space<hbm>>
      %dma_start3A_62 = tpu.memref_squeeze %dma_start3A_61 : memref<1x40x128xi32, #tpu.memory_space<hbm>> -> memref<40x128xi32, #tpu.memory_space<hbm>>
      %dma_start3A_63 = arith.constant 0 : i32
      %dma_start3A_64 = arith.constant 0 : i32
      %dma_start3A_65 = tpu.memref_slice %arg3[%add3A, %dma_start3A_63, %dma_start3A_64] : memref<32x80x128xi32, #tpu.memory_space<hbm>> -> memref<1x40x128xi32, #tpu.memory_space<hbm>>
      %dma_start3A_66 = tpu.memref_squeeze %dma_start3A_65 : memref<1x40x128xi32, #tpu.memory_space<hbm>> -> memref<40x128xi32, #tpu.memory_space<hbm>>
      tpu.enqueue_dma source(%dma_start3A_66 : memref<40x128xi32, #tpu.memory_space<hbm>>) target(%arg7 : memref<40x128xi32, #tpu.memory_space<vmem>>) target_semaphore(%run_scoped3A : memref<!tpu.dma_semaphore, #tpu.memory_space<semaphore_mem>>)
      %dma_wait3A = arith.constant 0 : i32
      %dma_wait3A_67 = arith.constant 0 : i32
      %dma_wait3A_68 = tpu.memref_slice %arg3[%add3A, %dma_wait3A, %dma_wait3A_67] : memref<32x80x128xi32, #tpu.memory_space<hbm>> -> memref<1x40x128xi32, #tpu.memory_space<hbm>>
      %dma_wait3A_69 = tpu.memref_squeeze %dma_wait3A_68 : memref<1x40x128xi32, #tpu.memory_space<hbm>> -> memref<40x128xi32, #tpu.memory_space<hbm>>
      %dma_wait3A_70 = arith.constant 0 : i32
      %dma_wait3A_71 = arith.constant 0 : i32
      %dma_wait3A_72 = tpu.memref_slice %arg3[%add3A, %dma_wait3A_70, %dma_wait3A_71] : memref<32x80x128xi32, #tpu.memory_space<hbm>> -> memref<1x40x128xi32, #tpu.memory_space<hbm>>
      %dma_wait3A_73 = tpu.memref_squeeze %dma_wait3A_72 : memref<1x40x128xi32, #tpu.memory_space<hbm>> -> memref<40x128xi32, #tpu.memory_space<hbm>>
      tpu.wait_dma2 semaphore(%run_scoped3A : memref<!tpu.dma_semaphore, #tpu.memory_space<semaphore_mem>>) src(%dma_wait3A_73 : memref<40x128xi32, #tpu.memory_space<hbm>>) dst(%arg7 : memref<40x128xi32, #tpu.memory_space<vmem>>)
      tpu.yield
    }) : () -> ()
    %dma_start3A = arith.constant 0 : i32
    %dma_start3A_27 = arith.constant 0 : i32
    %dma_start3A_28 = tpu.memref_slice %arg6[%dma_start3A, %dma_start3A_27] : memref<40x128xi32, #tpu.memory_space<vmem>> -> memref<1x128xi32, #tpu.memory_space<vmem>>
    %dma_start3A_29 = tpu.memref_squeeze %dma_start3A_28 : memref<1x128xi32, #tpu.memory_space<vmem>> -> memref<128xi32, #tpu.memory_space<vmem>>
    %dma_start3A_30 = arith.constant 0 : i32
    %dma_start3A_31 = arith.constant 0 : i32
    %dma_start3A_32 = tpu.memref_slice %arg4[%dma_start3A_30, %dma_start3A_31] : memref<10240x128xf32, #tpu.memory_space<hbm>> -> memref<10240x128xf32, #tpu.memory_space<hbm>>
    tpu.enqueue_indirect_dma source(%dma_start3A_32 : memref<10240x128xf32, #tpu.memory_space<hbm>>) target(%arg8 : memref<128x128xf32, #tpu.memory_space<vmem>>) offsets(%dma_start3A_29 : memref<128xi32, #tpu.memory_space<vmem>>) semaphore(%arg11 : memref<!tpu.dma_semaphore, #tpu.memory_space<semaphore_mem>>)
    %scan3A_33 = arith.constant 0 : i32
    %scan3A_34 = arith.constant 0 : i32
    %scan3A_35 = arith.constant 20 : i32
    %scan3A_36 = arith.addi %scan3A_34, %scan3A_35 : i32
    %scan3A_37 = arith.constant 1 : i32
    %scan3A_38 = scf.for %scan3A_59 = %scan3A_34 to %scan3A_36 step %scan3A_37 iter_args(%scan3A_60 = %scan3A_33) -> (i32)  : i32 {
      %mul3A_61 = arith.constant 2 : i32
      %mul3A_62 = arith.muli %mul3A_61, %scan3A_59 : i32
      %add3A_63 = arith.constant 1 : i32
      %add3A_64 = arith.addi %mul3A_62, %add3A_63 : i32
      %dma_start3A_65 = arith.constant 0 : i32
      %dma_start3A_66 = tpu.memref_slice %arg6[%add3A_64, %dma_start3A_65] : memref<40x128xi32, #tpu.memory_space<vmem>> -> memref<1x128xi32, #tpu.memory_space<vmem>>
      %dma_start3A_67 = tpu.memref_squeeze %dma_start3A_66 : memref<1x128xi32, #tpu.memory_space<vmem>> -> memref<128xi32, #tpu.memory_space<vmem>>
      %dma_start3A_68 = arith.constant 0 : i32
      %dma_start3A_69 = arith.constant 0 : i32
      %dma_start3A_70 = tpu.memref_slice %arg4[%dma_start3A_68, %dma_start3A_69] : memref<10240x128xf32, #tpu.memory_space<hbm>> -> memref<10240x128xf32, #tpu.memory_space<hbm>>
      tpu.enqueue_indirect_dma source(%dma_start3A_70 : memref<10240x128xf32, #tpu.memory_space<hbm>>) target(%arg9 : memref<128x128xf32, #tpu.memory_space<vmem>>) offsets(%dma_start3A_67 : memref<128xi32, #tpu.memory_space<vmem>>) semaphore(%arg12 : memref<!tpu.dma_semaphore, #tpu.memory_space<semaphore_mem>>)
      %mul3A_71 = arith.constant 2 : i32
      %mul3A_72 = arith.muli %mul3A_71, %scan3A_59 : i32
      %dma_wait3A = arith.constant 0 : i32
      %dma_wait3A_73 = tpu.memref_slice %arg6[%mul3A_72, %dma_wait3A] : memref<40x128xi32, #tpu.memory_space<vmem>> -> memref<1x128xi32, #tpu.memory_space<vmem>>
      %dma_wait3A_74 = tpu.memref_squeeze %dma_wait3A_73 : memref<1x128xi32, #tpu.memory_space<vmem>> -> memref<128xi32, #tpu.memory_space<vmem>>
      %dma_wait3A_75 = arith.constant 0 : i32
      %dma_wait3A_76 = arith.constant 0 : i32
      %dma_wait3A_77 = tpu.memref_slice %arg4[%dma_wait3A_75, %dma_wait3A_76] : memref<10240x128xf32, #tpu.memory_space<hbm>> -> memref<10240x128xf32, #tpu.memory_space<hbm>>
      tpu.wait_indirect_dma semaphore(%arg11 : memref<!tpu.dma_semaphore, #tpu.memory_space<semaphore_mem>>) src(%dma_wait3A_77 : memref<10240x128xf32, #tpu.memory_space<hbm>>) dst(%arg8 : memref<128x128xf32, #tpu.memory_space<vmem>>)
      %mul3A_78 = arith.constant 2 : i32
      %mul3A_79 = arith.muli %mul3A_78, %scan3A_59 : i32
      "tpu.region"() ({
        %run_scoped3A = tpu.sem_alloc : memref<!tpu.dma_semaphore, #tpu.memory_space<semaphore_mem>>
        %dma_start3A_97 = arith.constant 0 : i32
        %dma_start3A_98 = tpu.memref_slice %arg7[%mul3A_79, %dma_start3A_97] : memref<40x128xi32, #tpu.memory_space<vmem>> -> memref<1x128xi32, #tpu.memory_space<vmem>>
        %dma_start3A_99 = tpu.memref_squeeze %dma_start3A_98 : memref<1x128xi32, #tpu.memory_space<vmem>> -> memref<128xi32, #tpu.memory_space<vmem>>
        %dma_start3A_100 = arith.constant 0 : i32
        %dma_start3A_101 = arith.constant 0 : i32
        %dma_start3A_102 = tpu.memref_slice %arg10[%dma_start3A_100, %dma_start3A_101] : memref<10240x128xf32, #tpu.memory_space<vmem_shared>> -> memref<10240x128xf32, #tpu.memory_space<vmem_shared>>
        tpu.enqueue_indirect_dma source(%arg8 : memref<128x128xf32, #tpu.memory_space<vmem>>) target(%dma_start3A_102 : memref<10240x128xf32, #tpu.memory_space<vmem_shared>>) offsets(%dma_start3A_99 : memref<128xi32, #tpu.memory_space<vmem>>) semaphore(%run_scoped3A : memref<!tpu.dma_semaphore, #tpu.memory_space<semaphore_mem>>) {add = true}
        %dma_wait3A_103 = arith.constant 0 : i32
        %dma_wait3A_104 = tpu.memref_slice %arg7[%mul3A_79, %dma_wait3A_103] : memref<40x128xi32, #tpu.memory_space<vmem>> -> memref<1x128xi32, #tpu.memory_space<vmem>>
        %dma_wait3A_105 = tpu.memref_squeeze %dma_wait3A_104 : memref<1x128xi32, #tpu.memory_space<vmem>> -> memref<128xi32, #tpu.memory_space<vmem>>
        %dma_wait3A_106 = arith.constant 0 : i32
        %dma_wait3A_107 = arith.constant 0 : i32
        %dma_wait3A_108 = tpu.memref_slice %arg10[%dma_wait3A_106, %dma_wait3A_107] : memref<10240x128xf32, #tpu.memory_space<vmem_shared>> -> memref<10240x128xf32, #tpu.memory_space<vmem_shared>>
        tpu.wait_indirect_dma semaphore(%run_scoped3A : memref<!tpu.dma_semaphore, #tpu.memory_space<semaphore_mem>>) src(%arg8 : memref<128x128xf32, #tpu.memory_space<vmem>>) dst(%dma_wait3A_108 : memref<10240x128xf32, #tpu.memory_space<vmem_shared>>)
        tpu.yield
      }) : () -> ()
      %lt3A = arith.constant 19 : i32
      %lt3A_80 = arith.cmpi slt, %scan3A_59, %lt3A : i32
      %convert_element_type3A = arith.extui %lt3A_80 : i1 to i32
      %cond3A = arith.constant 0 : i32
      %cond3A_81 = arith.cmpi ne, %convert_element_type3A, %cond3A : i32
      scf.if %cond3A_81 {
        %mul3A_97 = arith.constant 2 : i32
        %mul3A_98 = arith.muli %mul3A_97, %scan3A_59 : i32
        %add3A_99 = arith.constant 2 : i32
        %add3A_100 = arith.addi %mul3A_98, %add3A_99 : i32
        %dma_start3A_101 = arith.constant 0 : i32
        %dma_start3A_102 = tpu.memref_slice %arg6[%add3A_100, %dma_start3A_101] : memref<40x128xi32, #tpu.memory_space<vmem>> -> memref<1x128xi32, #tpu.memory_space<vmem>>
        %dma_start3A_103 = tpu.memref_squeeze %dma_start3A_102 : memref<1x128xi32, #tpu.memory_space<vmem>> -> memref<128xi32, #tpu.memory_space<vmem>>
        %dma_start3A_104 = arith.constant 0 : i32
        %dma_start3A_105 = arith.constant 0 : i32
        %dma_start3A_106 = tpu.memref_slice %arg4[%dma_start3A_104, %dma_start3A_105] : memref<10240x128xf32, #tpu.memory_space<hbm>> -> memref<10240x128xf32, #tpu.memory_space<hbm>>
        tpu.enqueue_indirect_dma source(%dma_start3A_106 : memref<10240x128xf32, #tpu.memory_space<hbm>>) target(%arg8 : memref<128x128xf32, #tpu.memory_space<vmem>>) offsets(%dma_start3A_103 : memref<128xi32, #tpu.memory_space<vmem>>) semaphore(%arg11 : memref<!tpu.dma_semaphore, #tpu.memory_space<semaphore_mem>>)
      } else {
      }
      %mul3A_82 = arith.constant 2 : i32
      %mul3A_83 = arith.muli %mul3A_82, %scan3A_59 : i32
      %add3A_84 = arith.constant 1 : i32
      %add3A_85 = arith.addi %mul3A_83, %add3A_84 : i32
      %dma_wait3A_86 = arith.constant 0 : i32
      %dma_wait3A_87 = tpu.memref_slice %arg6[%add3A_85, %dma_wait3A_86] : memref<40x128xi32, #tpu.memory_space<vmem>> -> memref<1x128xi32, #tpu.memory_space<vmem>>
      %dma_wait3A_88 = tpu.memref_squeeze %dma_wait3A_87 : memref<1x128xi32, #tpu.memory_space<vmem>> -> memref<128xi32, #tpu.memory_space<vmem>>
      %dma_wait3A_89 = arith.constant 0 : i32
      %dma_wait3A_90 = arith.constant 0 : i32
      %dma_wait3A_91 = tpu.memref_slice %arg4[%dma_wait3A_89, %dma_wait3A_90] : memref<10240x128xf32, #tpu.memory_space<hbm>> -> memref<10240x128xf32, #tpu.memory_space<hbm>>
      tpu.wait_indirect_dma semaphore(%arg12 : memref<!tpu.dma_semaphore, #tpu.memory_space<semaphore_mem>>) src(%dma_wait3A_91 : memref<10240x128xf32, #tpu.memory_space<hbm>>) dst(%arg9 : memref<128x128xf32, #tpu.memory_space<vmem>>)
      %mul3A_92 = arith.constant 2 : i32
      %mul3A_93 = arith.muli %mul3A_92, %scan3A_59 : i32
      %add3A_94 = arith.constant 1 : i32
      %add3A_95 = arith.addi %mul3A_93, %add3A_94 : i32
      "tpu.region"() ({
        %run_scoped3A = tpu.sem_alloc : memref<!tpu.dma_semaphore, #tpu.memory_space<semaphore_mem>>
        %dma_start3A_97 = arith.constant 0 : i32
        %dma_start3A_98 = tpu.memref_slice %arg7[%add3A_95, %dma_start3A_97] : memref<40x128xi32, #tpu.memory_space<vmem>> -> memref<1x128xi32, #tpu.memory_space<vmem>>
        %dma_start3A_99 = tpu.memref_squeeze %dma_start3A_98 : memref<1x128xi32, #tpu.memory_space<vmem>> -> memref<128xi32, #tpu.memory_space<vmem>>
        %dma_start3A_100 = arith.constant 0 : i32
        %dma_start3A_101 = arith.constant 0 : i32
        %dma_start3A_102 = tpu.memref_slice %arg10[%dma_start3A_100, %dma_start3A_101] : memref<10240x128xf32, #tpu.memory_space<vmem_shared>> -> memref<10240x128xf32, #tpu.memory_space<vmem_shared>>
        tpu.enqueue_indirect_dma source(%arg9 : memref<128x128xf32, #tpu.memory_space<vmem>>) target(%dma_start3A_102 : memref<10240x128xf32, #tpu.memory_space<vmem_shared>>) offsets(%dma_start3A_99 : memref<128xi32, #tpu.memory_space<vmem>>) semaphore(%run_scoped3A : memref<!tpu.dma_semaphore, #tpu.memory_space<semaphore_mem>>) {add = true}
        %dma_wait3A_103 = arith.constant 0 : i32
        %dma_wait3A_104 = tpu.memref_slice %arg7[%add3A_95, %dma_wait3A_103] : memref<40x128xi32, #tpu.memory_space<vmem>> -> memref<1x128xi32, #tpu.memory_space<vmem>>
        %dma_wait3A_105 = tpu.memref_squeeze %dma_wait3A_104 : memref<1x128xi32, #tpu.memory_space<vmem>> -> memref<128xi32, #tpu.memory_space<vmem>>
        %dma_wait3A_106 = arith.constant 0 : i32
        %dma_wait3A_107 = arith.constant 0 : i32
        %dma_wait3A_108 = tpu.memref_slice %arg10[%dma_wait3A_106, %dma_wait3A_107] : memref<10240x128xf32, #tpu.memory_space<vmem_shared>> -> memref<10240x128xf32, #tpu.memory_space<vmem_shared>>
        tpu.wait_indirect_dma semaphore(%run_scoped3A : memref<!tpu.dma_semaphore, #tpu.memory_space<semaphore_mem>>) src(%arg9 : memref<128x128xf32, #tpu.memory_space<vmem>>) dst(%dma_wait3A_108 : memref<10240x128xf32, #tpu.memory_space<vmem_shared>>)
        tpu.yield
      }) : () -> ()
      %scan3A_96 = arith.constant 0 : i32
      scf.yield %scan3A_96 : i32
    }
    %scan3A_39 = arith.constant 20 : i32
    "tpu.region"() ({
      %run_scoped3A = tpu.sem_alloc : memref<!tpu.dma_semaphore, #tpu.memory_space<semaphore_mem>>
      %dma_start3A_59 = arith.constant 40 : i32
      %dma_start3A_60 = arith.constant 0 : i32
      %dma_start3A_61 = tpu.memref_slice %arg2[%add3A, %dma_start3A_59, %dma_start3A_60] : memref<32x80x128xi32, #tpu.memory_space<hbm>> -> memref<1x40x128xi32, #tpu.memory_space<hbm>>
      %dma_start3A_62 = tpu.memref_squeeze %dma_start3A_61 : memref<1x40x128xi32, #tpu.memory_space<hbm>> -> memref<40x128xi32, #tpu.memory_space<hbm>>
      %dma_start3A_63 = arith.constant 40 : i32
      %dma_start3A_64 = arith.constant 0 : i32
      %dma_start3A_65 = tpu.memref_slice %arg2[%add3A, %dma_start3A_63, %dma_start3A_64] : memref<32x80x128xi32, #tpu.memory_space<hbm>> -> memref<1x40x128xi32, #tpu.memory_space<hbm>>
      %dma_start3A_66 = tpu.memref_squeeze %dma_start3A_65 : memref<1x40x128xi32, #tpu.memory_space<hbm>> -> memref<40x128xi32, #tpu.memory_space<hbm>>
      tpu.enqueue_dma source(%dma_start3A_66 : memref<40x128xi32, #tpu.memory_space<hbm>>) target(%arg6 : memref<40x128xi32, #tpu.memory_space<vmem>>) target_semaphore(%run_scoped3A : memref<!tpu.dma_semaphore, #tpu.memory_space<semaphore_mem>>)
      %dma_wait3A = arith.constant 40 : i32
      %dma_wait3A_67 = arith.constant 0 : i32
      %dma_wait3A_68 = tpu.memref_slice %arg2[%add3A, %dma_wait3A, %dma_wait3A_67] : memref<32x80x128xi32, #tpu.memory_space<hbm>> -> memref<1x40x128xi32, #tpu.memory_space<hbm>>
      %dma_wait3A_69 = tpu.memref_squeeze %dma_wait3A_68 : memref<1x40x128xi32, #tpu.memory_space<hbm>> -> memref<40x128xi32, #tpu.memory_space<hbm>>
      %dma_wait3A_70 = arith.constant 40 : i32
      %dma_wait3A_71 = arith.constant 0 : i32
      %dma_wait3A_72 = tpu.memref_slice %arg2[%add3A, %dma_wait3A_70, %dma_wait3A_71] : memref<32x80x128xi32, #tpu.memory_space<hbm>> -> memref<1x40x128xi32, #tpu.memory_space<hbm>>
      %dma_wait3A_73 = tpu.memref_squeeze %dma_wait3A_72 : memref<1x40x128xi32, #tpu.memory_space<hbm>> -> memref<40x128xi32, #tpu.memory_space<hbm>>
      tpu.wait_dma2 semaphore(%run_scoped3A : memref<!tpu.dma_semaphore, #tpu.memory_space<semaphore_mem>>) src(%dma_wait3A_73 : memref<40x128xi32, #tpu.memory_space<hbm>>) dst(%arg6 : memref<40x128xi32, #tpu.memory_space<vmem>>)
      tpu.yield
    }) : () -> ()
    "tpu.region"() ({
      %run_scoped3A = tpu.sem_alloc : memref<!tpu.dma_semaphore, #tpu.memory_space<semaphore_mem>>
      %dma_start3A_59 = arith.constant 40 : i32
      %dma_start3A_60 = arith.constant 0 : i32
      %dma_start3A_61 = tpu.memref_slice %arg3[%add3A, %dma_start3A_59, %dma_start3A_60] : memref<32x80x128xi32, #tpu.memory_space<hbm>> -> memref<1x40x128xi32, #tpu.memory_space<hbm>>
      %dma_start3A_62 = tpu.memref_squeeze %dma_start3A_61 : memref<1x40x128xi32, #tpu.memory_space<hbm>> -> memref<40x128xi32, #tpu.memory_space<hbm>>
      %dma_start3A_63 = arith.constant 40 : i32
      %dma_start3A_64 = arith.constant 0 : i32
      %dma_start3A_65 = tpu.memref_slice %arg3[%add3A, %dma_start3A_63, %dma_start3A_64] : memref<32x80x128xi32, #tpu.memory_space<hbm>> -> memref<1x40x128xi32, #tpu.memory_space<hbm>>
      %dma_start3A_66 = tpu.memref_squeeze %dma_start3A_65 : memref<1x40x128xi32, #tpu.memory_space<hbm>> -> memref<40x128xi32, #tpu.memory_space<hbm>>
      tpu.enqueue_dma source(%dma_start3A_66 : memref<40x128xi32, #tpu.memory_space<hbm>>) target(%arg7 : memref<40x128xi32, #tpu.memory_space<vmem>>) target_semaphore(%run_scoped3A : memref<!tpu.dma_semaphore, #tpu.memory_space<semaphore_mem>>)
      %dma_wait3A = arith.constant 40 : i32
      %dma_wait3A_67 = arith.constant 0 : i32
      %dma_wait3A_68 = tpu.memref_slice %arg3[%add3A, %dma_wait3A, %dma_wait3A_67] : memref<32x80x128xi32, #tpu.memory_space<hbm>> -> memref<1x40x128xi32, #tpu.memory_space<hbm>>
      %dma_wait3A_69 = tpu.memref_squeeze %dma_wait3A_68 : memref<1x40x128xi32, #tpu.memory_space<hbm>> -> memref<40x128xi32, #tpu.memory_space<hbm>>
      %dma_wait3A_70 = arith.constant 40 : i32
      %dma_wait3A_71 = arith.constant 0 : i32
      %dma_wait3A_72 = tpu.memref_slice %arg3[%add3A, %dma_wait3A_70, %dma_wait3A_71] : memref<32x80x128xi32, #tpu.memory_space<hbm>> -> memref<1x40x128xi32, #tpu.memory_space<hbm>>
      %dma_wait3A_73 = tpu.memref_squeeze %dma_wait3A_72 : memref<1x40x128xi32, #tpu.memory_space<hbm>> -> memref<40x128xi32, #tpu.memory_space<hbm>>
      tpu.wait_dma2 semaphore(%run_scoped3A : memref<!tpu.dma_semaphore, #tpu.memory_space<semaphore_mem>>) src(%dma_wait3A_73 : memref<40x128xi32, #tpu.memory_space<hbm>>) dst(%arg7 : memref<40x128xi32, #tpu.memory_space<vmem>>)
      tpu.yield
    }) : () -> ()
    %dma_start3A_40 = arith.constant 0 : i32
    %dma_start3A_41 = arith.constant 0 : i32
    %dma_start3A_42 = tpu.memref_slice %arg6[%dma_start3A_40, %dma_start3A_41] : memref<40x128xi32, #tpu.memory_space<vmem>> -> memref<1x128xi32, #tpu.memory_space<vmem>>
    %dma_start3A_43 = tpu.memref_squeeze %dma_start3A_42 : memref<1x128xi32, #tpu.memory_space<vmem>> -> memref<128xi32, #tpu.memory_space<vmem>>
    %dma_start3A_44 = arith.constant 0 : i32
    %dma_start3A_45 = arith.constant 0 : i32
    %dma_start3A_46 = tpu.memref_slice %arg4[%dma_start3A_44, %dma_start3A_45] : memref<10240x128xf32, #tpu.memory_space<hbm>> -> memref<10240x128xf32, #tpu.memory_space<hbm>>
    tpu.enqueue_indirect_dma source(%dma_start3A_46 : memref<10240x128xf32, #tpu.memory_space<hbm>>) target(%arg8 : memref<128x128xf32, #tpu.memory_space<vmem>>) offsets(%dma_start3A_43 : memref<128xi32, #tpu.memory_space<vmem>>) semaphore(%arg11 : memref<!tpu.dma_semaphore, #tpu.memory_space<semaphore_mem>>)
    %scan3A_47 = arith.constant 0 : i32
    %scan3A_48 = arith.constant 0 : i32
    %scan3A_49 = arith.constant 20 : i32
    %scan3A_50 = arith.addi %scan3A_48, %scan3A_49 : i32
    %scan3A_51 = arith.constant 1 : i32
    %scan3A_52 = scf.for %scan3A_59 = %scan3A_48 to %scan3A_50 step %scan3A_51 iter_args(%scan3A_60 = %scan3A_47) -> (i32)  : i32 {
      %mul3A_61 = arith.constant 2 : i32
      %mul3A_62 = arith.muli %mul3A_61, %scan3A_59 : i32
      %add3A_63 = arith.constant 1 : i32
      %add3A_64 = arith.addi %mul3A_62, %add3A_63 : i32
      %dma_start3A_65 = arith.constant 0 : i32
      %dma_start3A_66 = tpu.memref_slice %arg6[%add3A_64, %dma_start3A_65] : memref<40x128xi32, #tpu.memory_space<vmem>> -> memref<1x128xi32, #tpu.memory_space<vmem>>
      %dma_start3A_67 = tpu.memref_squeeze %dma_start3A_66 : memref<1x128xi32, #tpu.memory_space<vmem>> -> memref<128xi32, #tpu.memory_space<vmem>>
      %dma_start3A_68 = arith.constant 0 : i32
      %dma_start3A_69 = arith.constant 0 : i32
      %dma_start3A_70 = tpu.memref_slice %arg4[%dma_start3A_68, %dma_start3A_69] : memref<10240x128xf32, #tpu.memory_space<hbm>> -> memref<10240x128xf32, #tpu.memory_space<hbm>>
      tpu.enqueue_indirect_dma source(%dma_start3A_70 : memref<10240x128xf32, #tpu.memory_space<hbm>>) target(%arg9 : memref<128x128xf32, #tpu.memory_space<vmem>>) offsets(%dma_start3A_67 : memref<128xi32, #tpu.memory_space<vmem>>) semaphore(%arg12 : memref<!tpu.dma_semaphore, #tpu.memory_space<semaphore_mem>>)
      %mul3A_71 = arith.constant 2 : i32
      %mul3A_72 = arith.muli %mul3A_71, %scan3A_59 : i32
      %dma_wait3A = arith.constant 0 : i32
      %dma_wait3A_73 = tpu.memref_slice %arg6[%mul3A_72, %dma_wait3A] : memref<40x128xi32, #tpu.memory_space<vmem>> -> memref<1x128xi32, #tpu.memory_space<vmem>>
      %dma_wait3A_74 = tpu.memref_squeeze %dma_wait3A_73 : memref<1x128xi32, #tpu.memory_space<vmem>> -> memref<128xi32, #tpu.memory_space<vmem>>
      %dma_wait3A_75 = arith.constant 0 : i32
      %dma_wait3A_76 = arith.constant 0 : i32
      %dma_wait3A_77 = tpu.memref_slice %arg4[%dma_wait3A_75, %dma_wait3A_76] : memref<10240x128xf32, #tpu.memory_space<hbm>> -> memref<10240x128xf32, #tpu.memory_space<hbm>>
      tpu.wait_indirect_dma semaphore(%arg11 : memref<!tpu.dma_semaphore, #tpu.memory_space<semaphore_mem>>) src(%dma_wait3A_77 : memref<10240x128xf32, #tpu.memory_space<hbm>>) dst(%arg8 : memref<128x128xf32, #tpu.memory_space<vmem>>)
      %mul3A_78 = arith.constant 2 : i32
      %mul3A_79 = arith.muli %mul3A_78, %scan3A_59 : i32
      "tpu.region"() ({
        %run_scoped3A = tpu.sem_alloc : memref<!tpu.dma_semaphore, #tpu.memory_space<semaphore_mem>>
        %dma_start3A_97 = arith.constant 0 : i32
        %dma_start3A_98 = tpu.memref_slice %arg7[%mul3A_79, %dma_start3A_97] : memref<40x128xi32, #tpu.memory_space<vmem>> -> memref<1x128xi32, #tpu.memory_space<vmem>>
        %dma_start3A_99 = tpu.memref_squeeze %dma_start3A_98 : memref<1x128xi32, #tpu.memory_space<vmem>> -> memref<128xi32, #tpu.memory_space<vmem>>
        %dma_start3A_100 = arith.constant 0 : i32
        %dma_start3A_101 = arith.constant 0 : i32
        %dma_start3A_102 = tpu.memref_slice %arg10[%dma_start3A_100, %dma_start3A_101] : memref<10240x128xf32, #tpu.memory_space<vmem_shared>> -> memref<10240x128xf32, #tpu.memory_space<vmem_shared>>
        tpu.enqueue_indirect_dma source(%arg8 : memref<128x128xf32, #tpu.memory_space<vmem>>) target(%dma_start3A_102 : memref<10240x128xf32, #tpu.memory_space<vmem_shared>>) offsets(%dma_start3A_99 : memref<128xi32, #tpu.memory_space<vmem>>) semaphore(%run_scoped3A : memref<!tpu.dma_semaphore, #tpu.memory_space<semaphore_mem>>) {add = true}
        %dma_wait3A_103 = arith.constant 0 : i32
        %dma_wait3A_104 = tpu.memref_slice %arg7[%mul3A_79, %dma_wait3A_103] : memref<40x128xi32, #tpu.memory_space<vmem>> -> memref<1x128xi32, #tpu.memory_space<vmem>>
        %dma_wait3A_105 = tpu.memref_squeeze %dma_wait3A_104 : memref<1x128xi32, #tpu.memory_space<vmem>> -> memref<128xi32, #tpu.memory_space<vmem>>
        %dma_wait3A_106 = arith.constant 0 : i32
        %dma_wait3A_107 = arith.constant 0 : i32
        %dma_wait3A_108 = tpu.memref_slice %arg10[%dma_wait3A_106, %dma_wait3A_107] : memref<10240x128xf32, #tpu.memory_space<vmem_shared>> -> memref<10240x128xf32, #tpu.memory_space<vmem_shared>>
        tpu.wait_indirect_dma semaphore(%run_scoped3A : memref<!tpu.dma_semaphore, #tpu.memory_space<semaphore_mem>>) src(%arg8 : memref<128x128xf32, #tpu.memory_space<vmem>>) dst(%dma_wait3A_108 : memref<10240x128xf32, #tpu.memory_space<vmem_shared>>)
        tpu.yield
      }) : () -> ()
      %lt3A = arith.constant 19 : i32
      %lt3A_80 = arith.cmpi slt, %scan3A_59, %lt3A : i32
      %convert_element_type3A = arith.extui %lt3A_80 : i1 to i32
      %cond3A = arith.constant 0 : i32
      %cond3A_81 = arith.cmpi ne, %convert_element_type3A, %cond3A : i32
      scf.if %cond3A_81 {
        %mul3A_97 = arith.constant 2 : i32
        %mul3A_98 = arith.muli %mul3A_97, %scan3A_59 : i32
        %add3A_99 = arith.constant 2 : i32
        %add3A_100 = arith.addi %mul3A_98, %add3A_99 : i32
        %dma_start3A_101 = arith.constant 0 : i32
        %dma_start3A_102 = tpu.memref_slice %arg6[%add3A_100, %dma_start3A_101] : memref<40x128xi32, #tpu.memory_space<vmem>> -> memref<1x128xi32, #tpu.memory_space<vmem>>
        %dma_start3A_103 = tpu.memref_squeeze %dma_start3A_102 : memref<1x128xi32, #tpu.memory_space<vmem>> -> memref<128xi32, #tpu.memory_space<vmem>>
        %dma_start3A_104 = arith.constant 0 : i32
        %dma_start3A_105 = arith.constant 0 : i32
        %dma_start3A_106 = tpu.memref_slice %arg4[%dma_start3A_104, %dma_start3A_105] : memref<10240x128xf32, #tpu.memory_space<hbm>> -> memref<10240x128xf32, #tpu.memory_space<hbm>>
        tpu.enqueue_indirect_dma source(%dma_start3A_106 : memref<10240x128xf32, #tpu.memory_space<hbm>>) target(%arg8 : memref<128x128xf32, #tpu.memory_space<vmem>>) offsets(%dma_start3A_103 : memref<128xi32, #tpu.memory_space<vmem>>) semaphore(%arg11 : memref<!tpu.dma_semaphore, #tpu.memory_space<semaphore_mem>>)
      } else {
      }
      %mul3A_82 = arith.constant 2 : i32
      %mul3A_83 = arith.muli %mul3A_82, %scan3A_59 : i32
      %add3A_84 = arith.constant 1 : i32
      %add3A_85 = arith.addi %mul3A_83, %add3A_84 : i32
      %dma_wait3A_86 = arith.constant 0 : i32
      %dma_wait3A_87 = tpu.memref_slice %arg6[%add3A_85, %dma_wait3A_86] : memref<40x128xi32, #tpu.memory_space<vmem>> -> memref<1x128xi32, #tpu.memory_space<vmem>>
      %dma_wait3A_88 = tpu.memref_squeeze %dma_wait3A_87 : memref<1x128xi32, #tpu.memory_space<vmem>> -> memref<128xi32, #tpu.memory_space<vmem>>
      %dma_wait3A_89 = arith.constant 0 : i32
      %dma_wait3A_90 = arith.constant 0 : i32
      %dma_wait3A_91 = tpu.memref_slice %arg4[%dma_wait3A_89, %dma_wait3A_90] : memref<10240x128xf32, #tpu.memory_space<hbm>> -> memref<10240x128xf32, #tpu.memory_space<hbm>>
      tpu.wait_indirect_dma semaphore(%arg12 : memref<!tpu.dma_semaphore, #tpu.memory_space<semaphore_mem>>) src(%dma_wait3A_91 : memref<10240x128xf32, #tpu.memory_space<hbm>>) dst(%arg9 : memref<128x128xf32, #tpu.memory_space<vmem>>)
      %mul3A_92 = arith.constant 2 : i32
      %mul3A_93 = arith.muli %mul3A_92, %scan3A_59 : i32
      %add3A_94 = arith.constant 1 : i32
      %add3A_95 = arith.addi %mul3A_93, %add3A_94 : i32
      "tpu.region"() ({
        %run_scoped3A = tpu.sem_alloc : memref<!tpu.dma_semaphore, #tpu.memory_space<semaphore_mem>>
        %dma_start3A_97 = arith.constant 0 : i32
        %dma_start3A_98 = tpu.memref_slice %arg7[%add3A_95, %dma_start3A_97] : memref<40x128xi32, #tpu.memory_space<vmem>> -> memref<1x128xi32, #tpu.memory_space<vmem>>
        %dma_start3A_99 = tpu.memref_squeeze %dma_start3A_98 : memref<1x128xi32, #tpu.memory_space<vmem>> -> memref<128xi32, #tpu.memory_space<vmem>>
        %dma_start3A_100 = arith.constant 0 : i32
        %dma_start3A_101 = arith.constant 0 : i32
        %dma_start3A_102 = tpu.memref_slice %arg10[%dma_start3A_100, %dma_start3A_101] : memref<10240x128xf32, #tpu.memory_space<vmem_shared>> -> memref<10240x128xf32, #tpu.memory_space<vmem_shared>>
        tpu.enqueue_indirect_dma source(%arg9 : memref<128x128xf32, #tpu.memory_space<vmem>>) target(%dma_start3A_102 : memref<10240x128xf32, #tpu.memory_space<vmem_shared>>) offsets(%dma_start3A_99 : memref<128xi32, #tpu.memory_space<vmem>>) semaphore(%run_scoped3A : memref<!tpu.dma_semaphore, #tpu.memory_space<semaphore_mem>>) {add = true}
        %dma_wait3A_103 = arith.constant 0 : i32
        %dma_wait3A_104 = tpu.memref_slice %arg7[%add3A_95, %dma_wait3A_103] : memref<40x128xi32, #tpu.memory_space<vmem>> -> memref<1x128xi32, #tpu.memory_space<vmem>>
        %dma_wait3A_105 = tpu.memref_squeeze %dma_wait3A_104 : memref<1x128xi32, #tpu.memory_space<vmem>> -> memref<128xi32, #tpu.memory_space<vmem>>
        %dma_wait3A_106 = arith.constant 0 : i32
        %dma_wait3A_107 = arith.constant 0 : i32
        %dma_wait3A_108 = tpu.memref_slice %arg10[%dma_wait3A_106, %dma_wait3A_107] : memref<10240x128xf32, #tpu.memory_space<vmem_shared>> -> memref<10240x128xf32, #tpu.memory_space<vmem_shared>>
        tpu.wait_indirect_dma semaphore(%run_scoped3A : memref<!tpu.dma_semaphore, #tpu.memory_space<semaphore_mem>>) src(%arg9 : memref<128x128xf32, #tpu.memory_space<vmem>>) dst(%dma_wait3A_108 : memref<10240x128xf32, #tpu.memory_space<vmem_shared>>)
        tpu.yield
      }) : () -> ()
      %scan3A_96 = arith.constant 0 : i32
      scf.yield %scan3A_96 : i32
    }
    %scan3A_53 = arith.constant 20 : i32
    %barrier3A_54 = arith.constant 0 : index
    tpu.barrier barrier_id(%barrier3A_54)
    %mul3A_55 = arith.constant 640 : i32
    %mul3A_56 = arith.muli %arg1, %mul3A_55 : i32
    %mul3A_57 = arith.constant 640 : i32
    %mul3A_58 = arith.muli %arg1, %mul3A_57 : i32
    "tpu.region"() ({
      %run_scoped3A = tpu.sem_alloc : memref<!tpu.dma_semaphore, #tpu.memory_space<semaphore_mem>>
      %dma_start3A_59 = arith.constant 0 : i32
      %dma_start3A_60 = tpu.memref_slice %arg5[%arg0, %mul3A_58, %dma_start3A_59] : memref<2x10240x128xf32, #tpu.memory_space<hbm>> -> memref<1x640x128xf32, #tpu.memory_space<hbm>>
      %dma_start3A_61 = tpu.memref_squeeze %dma_start3A_60 : memref<1x640x128xf32, #tpu.memory_space<hbm>> -> memref<640x128xf32, #tpu.memory_space<hbm>>
      %dma_start3A_62 = arith.constant 0 : i32
      %dma_start3A_63 = tpu.memref_slice %arg10[%mul3A_56, %dma_start3A_62] : memref<10240x128xf32, #tpu.memory_space<vmem_shared>> -> memref<640x128xf32, #tpu.memory_space<vmem_shared>>
      tpu.enqueue_dma source(%dma_start3A_63 : memref<640x128xf32, #tpu.memory_space<vmem_shared>>) target(%dma_start3A_61 : memref<640x128xf32, #tpu.memory_space<hbm>>) target_semaphore(%run_scoped3A : memref<!tpu.dma_semaphore, #tpu.memory_space<semaphore_mem>>)
      %dma_wait3A = arith.constant 0 : i32
      %dma_wait3A_64 = tpu.memref_slice %arg5[%arg0, %mul3A_58, %dma_wait3A] : memref<2x10240x128xf32, #tpu.memory_space<hbm>> -> memref<1x640x128xf32, #tpu.memory_space<hbm>>
      %dma_wait3A_65 = tpu.memref_squeeze %dma_wait3A_64 : memref<1x640x128xf32, #tpu.memory_space<hbm>> -> memref<640x128xf32, #tpu.memory_space<hbm>>
      %dma_wait3A_66 = arith.constant 0 : i32
      %dma_wait3A_67 = tpu.memref_slice %arg10[%mul3A_56, %dma_wait3A_66] : memref<10240x128xf32, #tpu.memory_space<vmem_shared>> -> memref<640x128xf32, #tpu.memory_space<vmem_shared>>
      tpu.wait_dma2 semaphore(%run_scoped3A : memref<!tpu.dma_semaphore, #tpu.memory_space<semaphore_mem>>) src(%dma_wait3A_67 : memref<640x128xf32, #tpu.memory_space<vmem_shared>>) dst(%dma_wait3A_65 : memref<640x128xf32, #tpu.memory_space<hbm>>)
      tpu.yield
    }) : () -> ()
    return
  }
}

#map = affine_map<(d0, d1) -> (0, 0, 0)>
module attributes {stable_mosaic.version = 14 : i64} {
  func.func @_deg_kernel(%arg0: i32, %arg1: i32, %arg2: memref<32x80x128xi32, #tpu.memory_space<hbm>>, %arg3: memref<32x80x128xf32, #tpu.memory_space<hbm>>, %arg4: memref<80x128xi32, #tpu.memory_space<vmem>>, %arg5: memref<80x128xf32, #tpu.memory_space<vmem>>) attributes {dimension_semantics = [#tpu.dimension_semantics<core_parallel>, #tpu.dimension_semantics<subcore_parallel>], iteration_bounds = array<i64: 2, 16>, scalar_prefetch = 0 : i64, scratch_operands = 2 : i64, tpu.core_type = #tpu.core_type<sc_vector_subcore>, window_params = [{transform_indices = #map}, {transform_indices = #map}]} {
    %mul3A = arith.constant 16 : i32
    %mul3A_0 = arith.muli %arg0, %mul3A : i32
    %add3A = arith.addi %mul3A_0, %arg1 : i32
    %broadcast_in_dim3A = arith.constant 0.000000e+00 : f32
    %broadcast_in_dim3A_1 = vector.broadcast %broadcast_in_dim3A : f32 to vector<16xf32>
    %scan3A = arith.constant 0 : i32
    %scan3A_2 = arith.constant 0 : i32
    %scan3A_3 = arith.constant 80 : i32
    %scan3A_4 = arith.addi %scan3A_2, %scan3A_3 : i32
    %scan3A_5 = arith.constant 1 : i32
    %scan3A_6 = scf.for %scan3A_17 = %scan3A_2 to %scan3A_4 step %scan3A_5 iter_args(%scan3A_18 = %scan3A) -> (i32)  : i32 {
      %swap3A = arith.index_cast %scan3A_17 : i32 to index
      %swap3A_19 = arith.constant 0 : index
      %swap3A_20 = tpu.vector_load %arg5[%swap3A, %swap3A_19] {strides = array<i32>} : memref<80x128xf32, #tpu.memory_space<vmem>>, vector<16xf32>,
      tpu.vector_store %arg5[%swap3A, %swap3A_19], %broadcast_in_dim3A_1 {strides = array<i32>} : memref<80x128xf32, #tpu.memory_space<vmem>>, vector<16xf32>,
      %swap3A_21 = arith.index_cast %scan3A_17 : i32 to index
      %swap3A_22 = arith.constant 16 : index
      %swap3A_23 = tpu.vector_load %arg5[%swap3A_21, %swap3A_22] {strides = array<i32>} : memref<80x128xf32, #tpu.memory_space<vmem>>, vector<16xf32>,
      tpu.vector_store %arg5[%swap3A_21, %swap3A_22], %broadcast_in_dim3A_1 {strides = array<i32>} : memref<80x128xf32, #tpu.memory_space<vmem>>, vector<16xf32>,
      %swap3A_24 = arith.index_cast %scan3A_17 : i32 to index
      %swap3A_25 = arith.constant 32 : index
      %swap3A_26 = tpu.vector_load %arg5[%swap3A_24, %swap3A_25] {strides = array<i32>} : memref<80x128xf32, #tpu.memory_space<vmem>>, vector<16xf32>,
      tpu.vector_store %arg5[%swap3A_24, %swap3A_25], %broadcast_in_dim3A_1 {strides = array<i32>} : memref<80x128xf32, #tpu.memory_space<vmem>>, vector<16xf32>,
      %swap3A_27 = arith.index_cast %scan3A_17 : i32 to index
      %swap3A_28 = arith.constant 48 : index
      %swap3A_29 = tpu.vector_load %arg5[%swap3A_27, %swap3A_28] {strides = array<i32>} : memref<80x128xf32, #tpu.memory_space<vmem>>, vector<16xf32>,
      tpu.vector_store %arg5[%swap3A_27, %swap3A_28], %broadcast_in_dim3A_1 {strides = array<i32>} : memref<80x128xf32, #tpu.memory_space<vmem>>, vector<16xf32>,
      %swap3A_30 = arith.index_cast %scan3A_17 : i32 to index
      %swap3A_31 = arith.constant 64 : index
      %swap3A_32 = tpu.vector_load %arg5[%swap3A_30, %swap3A_31] {strides = array<i32>} : memref<80x128xf32, #tpu.memory_space<vmem>>, vector<16xf32>,
      tpu.vector_store %arg5[%swap3A_30, %swap3A_31], %broadcast_in_dim3A_1 {strides = array<i32>} : memref<80x128xf32, #tpu.memory_space<vmem>>, vector<16xf32>,
      %swap3A_33 = arith.index_cast %scan3A_17 : i32 to index
      %swap3A_34 = arith.constant 80 : index
      %swap3A_35 = tpu.vector_load %arg5[%swap3A_33, %swap3A_34] {strides = array<i32>} : memref<80x128xf32, #tpu.memory_space<vmem>>, vector<16xf32>,
      tpu.vector_store %arg5[%swap3A_33, %swap3A_34], %broadcast_in_dim3A_1 {strides = array<i32>} : memref<80x128xf32, #tpu.memory_space<vmem>>, vector<16xf32>,
      %swap3A_36 = arith.index_cast %scan3A_17 : i32 to index
      %swap3A_37 = arith.constant 96 : index
      %swap3A_38 = tpu.vector_load %arg5[%swap3A_36, %swap3A_37] {strides = array<i32>} : memref<80x128xf32, #tpu.memory_space<vmem>>, vector<16xf32>,
      tpu.vector_store %arg5[%swap3A_36, %swap3A_37], %broadcast_in_dim3A_1 {strides = array<i32>} : memref<80x128xf32, #tpu.memory_space<vmem>>, vector<16xf32>,
      %swap3A_39 = arith.index_cast %scan3A_17 : i32 to index
      %swap3A_40 = arith.constant 112 : index
      %swap3A_41 = tpu.vector_load %arg5[%swap3A_39, %swap3A_40] {strides = array<i32>} : memref<80x128xf32, #tpu.memory_space<vmem>>, vector<16xf32>,
      tpu.vector_store %arg5[%swap3A_39, %swap3A_40], %broadcast_in_dim3A_1 {strides = array<i32>} : memref<80x128xf32, #tpu.memory_space<vmem>>, vector<16xf32>,
      %scan3A_42 = arith.constant 0 : i32
      scf.yield %scan3A_42 : i32
    }
    %scan3A_7 = arith.constant 80 : i32
    "tpu.region"() ({
      %run_scoped3A = tpu.sem_alloc : memref<!tpu.dma_semaphore, #tpu.memory_space<semaphore_mem>>
      %dma_start3A = arith.constant 0 : i32
      %dma_start3A_17 = arith.constant 0 : i32
      %dma_start3A_18 = tpu.memref_slice %arg2[%add3A, %dma_start3A, %dma_start3A_17] : memref<32x80x128xi32, #tpu.memory_space<hbm>> -> memref<1x80x128xi32, #tpu.memory_space<hbm>>
      %dma_start3A_19 = tpu.memref_squeeze %dma_start3A_18 : memref<1x80x128xi32, #tpu.memory_space<hbm>> -> memref<80x128xi32, #tpu.memory_space<hbm>>
      %dma_start3A_20 = arith.constant 0 : i32
      %dma_start3A_21 = arith.constant 0 : i32
      %dma_start3A_22 = tpu.memref_slice %arg2[%add3A, %dma_start3A_20, %dma_start3A_21] : memref<32x80x128xi32, #tpu.memory_space<hbm>> -> memref<1x80x128xi32, #tpu.memory_space<hbm>>
      %dma_start3A_23 = tpu.memref_squeeze %dma_start3A_22 : memref<1x80x128xi32, #tpu.memory_space<hbm>> -> memref<80x128xi32, #tpu.memory_space<hbm>>
      tpu.enqueue_dma source(%dma_start3A_23 : memref<80x128xi32, #tpu.memory_space<hbm>>) target(%arg4 : memref<80x128xi32, #tpu.memory_space<vmem>>) target_semaphore(%run_scoped3A : memref<!tpu.dma_semaphore, #tpu.memory_space<semaphore_mem>>)
      %dma_wait3A = arith.constant 0 : i32
      %dma_wait3A_24 = arith.constant 0 : i32
      %dma_wait3A_25 = tpu.memref_slice %arg2[%add3A, %dma_wait3A, %dma_wait3A_24] : memref<32x80x128xi32, #tpu.memory_space<hbm>> -> memref<1x80x128xi32, #tpu.memory_space<hbm>>
      %dma_wait3A_26 = tpu.memref_squeeze %dma_wait3A_25 : memref<1x80x128xi32, #tpu.memory_space<hbm>> -> memref<80x128xi32, #tpu.memory_space<hbm>>
      %dma_wait3A_27 = arith.constant 0 : i32
      %dma_wait3A_28 = arith.constant 0 : i32
      %dma_wait3A_29 = tpu.memref_slice %arg2[%add3A, %dma_wait3A_27, %dma_wait3A_28] : memref<32x80x128xi32, #tpu.memory_space<hbm>> -> memref<1x80x128xi32, #tpu.memory_space<hbm>>
      %dma_wait3A_30 = tpu.memref_squeeze %dma_wait3A_29 : memref<1x80x128xi32, #tpu.memory_space<hbm>> -> memref<80x128xi32, #tpu.memory_space<hbm>>
      tpu.wait_dma2 semaphore(%run_scoped3A : memref<!tpu.dma_semaphore, #tpu.memory_space<semaphore_mem>>) src(%dma_wait3A_30 : memref<80x128xi32, #tpu.memory_space<hbm>>) dst(%arg4 : memref<80x128xi32, #tpu.memory_space<vmem>>)
      tpu.yield
    }) : () -> ()
    %broadcast_in_dim3A_8 = arith.constant 1.000000e+00 : f32
    %broadcast_in_dim3A_9 = vector.broadcast %broadcast_in_dim3A_8 : f32 to vector<16xf32>
    %scan3A_10 = arith.constant 0 : i32
    %scan3A_11 = arith.constant 0 : i32
    %scan3A_12 = arith.constant 80 : i32
    %scan3A_13 = arith.addi %scan3A_11, %scan3A_12 : i32
    %scan3A_14 = arith.constant 1 : i32
    %scan3A_15 = scf.for %scan3A_17 = %scan3A_11 to %scan3A_13 step %scan3A_14 iter_args(%scan3A_18 = %scan3A_10) -> (i32)  : i32 {
      %get3A = arith.index_cast %scan3A_17 : i32 to index
      %get3A_19 = arith.constant 0 : index
      %get3A_20 = tpu.vector_load %arg4[%get3A, %get3A_19] {strides = array<i32>} : memref<80x128xi32, #tpu.memory_space<vmem>>, vector<16xi32>,
      %shift_right_logical3A = arith.constant 7 : i32
      %shift_right_logical3A_21 = vector.broadcast %shift_right_logical3A : i32 to vector<16xi32>
      %shift_right_logical3A_22 = arith.shrui %get3A_20, %shift_right_logical3A_21 : vector<16xi32>
      %and3A = arith.constant 127 : i32
      %and3A_23 = vector.broadcast %and3A : i32 to vector<16xi32>
      %and3A_24 = arith.andi %get3A_20, %and3A_23 : vector<16xi32>
      tpu.vector_store_idx %arg5[%shift_right_logical3A_22, %and3A_24], %broadcast_in_dim3A_9 {add = true} : memref<80x128xf32, #tpu.memory_space<vmem>>[vector<16xi32>, vector<16xi32>], vector<16xf32>,
      %get3A_25 = arith.index_cast %scan3A_17 : i32 to index
      %get3A_26 = arith.constant 16 : index
      %get3A_27 = tpu.vector_load %arg4[%get3A_25, %get3A_26] {strides = array<i32>} : memref<80x128xi32, #tpu.memory_space<vmem>>, vector<16xi32>,
      %shift_right_logical3A_28 = arith.constant 7 : i32
      %shift_right_logical3A_29 = vector.broadcast %shift_right_logical3A_28 : i32 to vector<16xi32>
      %shift_right_logical3A_30 = arith.shrui %get3A_27, %shift_right_logical3A_29 : vector<16xi32>
      %and3A_31 = arith.constant 127 : i32
      %and3A_32 = vector.broadcast %and3A_31 : i32 to vector<16xi32>
      %and3A_33 = arith.andi %get3A_27, %and3A_32 : vector<16xi32>
      tpu.vector_store_idx %arg5[%shift_right_logical3A_30, %and3A_33], %broadcast_in_dim3A_9 {add = true} : memref<80x128xf32, #tpu.memory_space<vmem>>[vector<16xi32>, vector<16xi32>], vector<16xf32>,
      %get3A_34 = arith.index_cast %scan3A_17 : i32 to index
      %get3A_35 = arith.constant 32 : index
      %get3A_36 = tpu.vector_load %arg4[%get3A_34, %get3A_35] {strides = array<i32>} : memref<80x128xi32, #tpu.memory_space<vmem>>, vector<16xi32>,
      %shift_right_logical3A_37 = arith.constant 7 : i32
      %shift_right_logical3A_38 = vector.broadcast %shift_right_logical3A_37 : i32 to vector<16xi32>
      %shift_right_logical3A_39 = arith.shrui %get3A_36, %shift_right_logical3A_38 : vector<16xi32>
      %and3A_40 = arith.constant 127 : i32
      %and3A_41 = vector.broadcast %and3A_40 : i32 to vector<16xi32>
      %and3A_42 = arith.andi %get3A_36, %and3A_41 : vector<16xi32>
      tpu.vector_store_idx %arg5[%shift_right_logical3A_39, %and3A_42], %broadcast_in_dim3A_9 {add = true} : memref<80x128xf32, #tpu.memory_space<vmem>>[vector<16xi32>, vector<16xi32>], vector<16xf32>,
      %get3A_43 = arith.index_cast %scan3A_17 : i32 to index
      %get3A_44 = arith.constant 48 : index
      %get3A_45 = tpu.vector_load %arg4[%get3A_43, %get3A_44] {strides = array<i32>} : memref<80x128xi32, #tpu.memory_space<vmem>>, vector<16xi32>,
      %shift_right_logical3A_46 = arith.constant 7 : i32
      %shift_right_logical3A_47 = vector.broadcast %shift_right_logical3A_46 : i32 to vector<16xi32>
      %shift_right_logical3A_48 = arith.shrui %get3A_45, %shift_right_logical3A_47 : vector<16xi32>
      %and3A_49 = arith.constant 127 : i32
      %and3A_50 = vector.broadcast %and3A_49 : i32 to vector<16xi32>
      %and3A_51 = arith.andi %get3A_45, %and3A_50 : vector<16xi32>
      tpu.vector_store_idx %arg5[%shift_right_logical3A_48, %and3A_51], %broadcast_in_dim3A_9 {add = true} : memref<80x128xf32, #tpu.memory_space<vmem>>[vector<16xi32>, vector<16xi32>], vector<16xf32>,
      %get3A_52 = arith.index_cast %scan3A_17 : i32 to index
      %get3A_53 = arith.constant 64 : index
      %get3A_54 = tpu.vector_load %arg4[%get3A_52, %get3A_53] {strides = array<i32>} : memref<80x128xi32, #tpu.memory_space<vmem>>, vector<16xi32>,
      %shift_right_logical3A_55 = arith.constant 7 : i32
      %shift_right_logical3A_56 = vector.broadcast %shift_right_logical3A_55 : i32 to vector<16xi32>
      %shift_right_logical3A_57 = arith.shrui %get3A_54, %shift_right_logical3A_56 : vector<16xi32>
      %and3A_58 = arith.constant 127 : i32
      %and3A_59 = vector.broadcast %and3A_58 : i32 to vector<16xi32>
      %and3A_60 = arith.andi %get3A_54, %and3A_59 : vector<16xi32>
      tpu.vector_store_idx %arg5[%shift_right_logical3A_57, %and3A_60], %broadcast_in_dim3A_9 {add = true} : memref<80x128xf32, #tpu.memory_space<vmem>>[vector<16xi32>, vector<16xi32>], vector<16xf32>,
      %get3A_61 = arith.index_cast %scan3A_17 : i32 to index
      %get3A_62 = arith.constant 80 : index
      %get3A_63 = tpu.vector_load %arg4[%get3A_61, %get3A_62] {strides = array<i32>} : memref<80x128xi32, #tpu.memory_space<vmem>>, vector<16xi32>,
      %shift_right_logical3A_64 = arith.constant 7 : i32
      %shift_right_logical3A_65 = vector.broadcast %shift_right_logical3A_64 : i32 to vector<16xi32>
      %shift_right_logical3A_66 = arith.shrui %get3A_63, %shift_right_logical3A_65 : vector<16xi32>
      %and3A_67 = arith.constant 127 : i32
      %and3A_68 = vector.broadcast %and3A_67 : i32 to vector<16xi32>
      %and3A_69 = arith.andi %get3A_63, %and3A_68 : vector<16xi32>
      tpu.vector_store_idx %arg5[%shift_right_logical3A_66, %and3A_69], %broadcast_in_dim3A_9 {add = true} : memref<80x128xf32, #tpu.memory_space<vmem>>[vector<16xi32>, vector<16xi32>], vector<16xf32>,
      %get3A_70 = arith.index_cast %scan3A_17 : i32 to index
      %get3A_71 = arith.constant 96 : index
      %get3A_72 = tpu.vector_load %arg4[%get3A_70, %get3A_71] {strides = array<i32>} : memref<80x128xi32, #tpu.memory_space<vmem>>, vector<16xi32>,
      %shift_right_logical3A_73 = arith.constant 7 : i32
      %shift_right_logical3A_74 = vector.broadcast %shift_right_logical3A_73 : i32 to vector<16xi32>
      %shift_right_logical3A_75 = arith.shrui %get3A_72, %shift_right_logical3A_74 : vector<16xi32>
      %and3A_76 = arith.constant 127 : i32
      %and3A_77 = vector.broadcast %and3A_76 : i32 to vector<16xi32>
      %and3A_78 = arith.andi %get3A_72, %and3A_77 : vector<16xi32>
      tpu.vector_store_idx %arg5[%shift_right_logical3A_75, %and3A_78], %broadcast_in_dim3A_9 {add = true} : memref<80x128xf32, #tpu.memory_space<vmem>>[vector<16xi32>, vector<16xi32>], vector<16xf32>,
      %get3A_79 = arith.index_cast %scan3A_17 : i32 to index
      %get3A_80 = arith.constant 112 : index
      %get3A_81 = tpu.vector_load %arg4[%get3A_79, %get3A_80] {strides = array<i32>} : memref<80x128xi32, #tpu.memory_space<vmem>>, vector<16xi32>,
      %shift_right_logical3A_82 = arith.constant 7 : i32
      %shift_right_logical3A_83 = vector.broadcast %shift_right_logical3A_82 : i32 to vector<16xi32>
      %shift_right_logical3A_84 = arith.shrui %get3A_81, %shift_right_logical3A_83 : vector<16xi32>
      %and3A_85 = arith.constant 127 : i32
      %and3A_86 = vector.broadcast %and3A_85 : i32 to vector<16xi32>
      %and3A_87 = arith.andi %get3A_81, %and3A_86 : vector<16xi32>
      tpu.vector_store_idx %arg5[%shift_right_logical3A_84, %and3A_87], %broadcast_in_dim3A_9 {add = true} : memref<80x128xf32, #tpu.memory_space<vmem>>[vector<16xi32>, vector<16xi32>], vector<16xf32>,
      %scan3A_88 = arith.constant 0 : i32
      scf.yield %scan3A_88 : i32
    }
    %scan3A_16 = arith.constant 80 : i32
    "tpu.region"() ({
      %run_scoped3A = tpu.sem_alloc : memref<!tpu.dma_semaphore, #tpu.memory_space<semaphore_mem>>
      %dma_start3A = arith.constant 0 : i32
      %dma_start3A_17 = arith.constant 0 : i32
      %dma_start3A_18 = tpu.memref_slice %arg3[%add3A, %dma_start3A, %dma_start3A_17] : memref<32x80x128xf32, #tpu.memory_space<hbm>> -> memref<1x80x128xf32, #tpu.memory_space<hbm>>
      %dma_start3A_19 = tpu.memref_squeeze %dma_start3A_18 : memref<1x80x128xf32, #tpu.memory_space<hbm>> -> memref<80x128xf32, #tpu.memory_space<hbm>>
      %dma_start3A_20 = arith.constant 0 : i32
      %dma_start3A_21 = arith.constant 0 : i32
      %dma_start3A_22 = tpu.memref_slice %arg3[%add3A, %dma_start3A_20, %dma_start3A_21] : memref<32x80x128xf32, #tpu.memory_space<hbm>> -> memref<1x80x128xf32, #tpu.memory_space<hbm>>
      %dma_start3A_23 = tpu.memref_squeeze %dma_start3A_22 : memref<1x80x128xf32, #tpu.memory_space<hbm>> -> memref<80x128xf32, #tpu.memory_space<hbm>>
      tpu.enqueue_dma source(%arg5 : memref<80x128xf32, #tpu.memory_space<vmem>>) target(%dma_start3A_23 : memref<80x128xf32, #tpu.memory_space<hbm>>) target_semaphore(%run_scoped3A : memref<!tpu.dma_semaphore, #tpu.memory_space<semaphore_mem>>)
      %dma_wait3A = arith.constant 0 : i32
      %dma_wait3A_24 = arith.constant 0 : i32
      %dma_wait3A_25 = tpu.memref_slice %arg3[%add3A, %dma_wait3A, %dma_wait3A_24] : memref<32x80x128xf32, #tpu.memory_space<hbm>> -> memref<1x80x128xf32, #tpu.memory_space<hbm>>
      %dma_wait3A_26 = tpu.memref_squeeze %dma_wait3A_25 : memref<1x80x128xf32, #tpu.memory_space<hbm>> -> memref<80x128xf32, #tpu.memory_space<hbm>>
      %dma_wait3A_27 = arith.constant 0 : i32
      %dma_wait3A_28 = arith.constant 0 : i32
      %dma_wait3A_29 = tpu.memref_slice %arg3[%add3A, %dma_wait3A_27, %dma_wait3A_28] : memref<32x80x128xf32, #tpu.memory_space<hbm>> -> memref<1x80x128xf32, #tpu.memory_space<hbm>>
      %dma_wait3A_30 = tpu.memref_squeeze %dma_wait3A_29 : memref<1x80x128xf32, #tpu.memory_space<hbm>> -> memref<80x128xf32, #tpu.memory_space<hbm>>
      tpu.wait_dma2 semaphore(%run_scoped3A : memref<!tpu.dma_semaphore, #tpu.memory_space<semaphore_mem>>) src(%arg5 : memref<80x128xf32, #tpu.memory_space<vmem>>) dst(%dma_wait3A_30 : memref<80x128xf32, #tpu.memory_space<hbm>>)
      tpu.yield
    }) : () -> ()
    return
  }
}

#map = affine_map<(d0, d1) -> (0, 0, 0)>
#map1 = affine_map<(d0, d1) -> (0, 0)>
module attributes {stable_mosaic.version = 14 : i64} {
  func.func @_scatter_kernel(%arg0: i32, %arg1: i32, %arg2: memref<32x80x128xi32, #tpu.memory_space<hbm>>, %arg3: memref<32x80x128xi32, #tpu.memory_space<hbm>>, %arg4: memref<10240x128xf32, #tpu.memory_space<hbm>>, %arg5: memref<2x10240x128xf32, #tpu.memory_space<hbm>>, %arg6: memref<40x128xi32, #tpu.memory_space<vmem>>, %arg7: memref<40x128xi32, #tpu.memory_space<vmem>>, %arg8: memref<128x128xf32, #tpu.memory_space<vmem>>, %arg9: memref<128x128xf32, #tpu.memory_space<vmem>>, %arg10: memref<10240x128xf32, #tpu.memory_space<vmem_shared>>, %arg11: memref<!tpu.dma_semaphore, #tpu.memory_space<semaphore_mem>>, %arg12: memref<!tpu.dma_semaphore, #tpu.memory_space<semaphore_mem>>) attributes {dimension_semantics = [#tpu.dimension_semantics<core_parallel>, #tpu.dimension_semantics<subcore_parallel>], iteration_bounds = array<i64: 2, 16>, scalar_prefetch = 0 : i64, scratch_operands = 7 : i64, tpu.core_type = #tpu.core_type<sc_vector_subcore>, window_params = [{transform_indices = #map}, {transform_indices = #map}, {transform_indices = #map1}, {transform_indices = #map}]} {
    %mul3A = arith.constant 16 : i32
    %mul3A_0 = arith.muli %arg0, %mul3A : i32
    %add3A = arith.addi %mul3A_0, %arg1 : i32
    %scan3A = arith.constant 0 : i32
    %scan3A_1 = arith.constant 0 : i32
    %scan3A_2 = arith.constant 128 : i32
    %scan3A_3 = arith.addi %scan3A_1, %scan3A_2 : i32
    %scan3A_4 = arith.constant 1 : i32
    %scan3A_5 = scf.for %scan3A_59 = %scan3A_1 to %scan3A_3 step %scan3A_4 iter_args(%scan3A_60 = %scan3A) -> (i32)  : i32 {
      %broadcast_in_dim3A = arith.constant 0.000000e+00 : f32
      %broadcast_in_dim3A_61 = vector.broadcast %broadcast_in_dim3A : f32 to vector<16xf32>
      %swap3A = arith.index_cast %scan3A_59 : i32 to index
      %swap3A_62 = arith.constant 0 : index
      %swap3A_63 = tpu.vector_load %arg8[%swap3A, %swap3A_62] {strides = array<i32>} : memref<128x128xf32, #tpu.memory_space<vmem>>, vector<1x16xf32>,
      %swap3A_64 = vector.shape_cast %swap3A_63 : vector<1x16xf32> to vector<16xf32>
      %swap3A_65 = vector.shape_cast %broadcast_in_dim3A_61 : vector<16xf32> to vector<1x16xf32>
      tpu.vector_store %arg8[%swap3A, %swap3A_62], %swap3A_65 {strides = array<i32>} : memref<128x128xf32, #tpu.memory_space<vmem>>, vector<1x16xf32>,
      %broadcast_in_dim3A_66 = arith.constant 0.000000e+00 : f32
      %broadcast_in_dim3A_67 = vector.broadcast %broadcast_in_dim3A_66 : f32 to vector<16xf32>
      %swap3A_68 = arith.index_cast %scan3A_59 : i32 to index
      %swap3A_69 = arith.constant 16 : index
      %swap3A_70 = tpu.vector_load %arg8[%swap3A_68, %swap3A_69] {strides = array<i32>} : memref<128x128xf32, #tpu.memory_space<vmem>>, vector<1x16xf32>,
      %swap3A_71 = vector.shape_cast %swap3A_70 : vector<1x16xf32> to vector<16xf32>
      %swap3A_72 = vector.shape_cast %broadcast_in_dim3A_67 : vector<16xf32> to vector<1x16xf32>
      tpu.vector_store %arg8[%swap3A_68, %swap3A_69], %swap3A_72 {strides = array<i32>} : memref<128x128xf32, #tpu.memory_space<vmem>>, vector<1x16xf32>,
      %broadcast_in_dim3A_73 = arith.constant 0.000000e+00 : f32
      %broadcast_in_dim3A_74 = vector.broadcast %broadcast_in_dim3A_73 : f32 to vector<16xf32>
      %swap3A_75 = arith.index_cast %scan3A_59 : i32 to index
      %swap3A_76 = arith.constant 32 : index
      %swap3A_77 = tpu.vector_load %arg8[%swap3A_75, %swap3A_76] {strides = array<i32>} : memref<128x128xf32, #tpu.memory_space<vmem>>, vector<1x16xf32>,
      %swap3A_78 = vector.shape_cast %swap3A_77 : vector<1x16xf32> to vector<16xf32>
      %swap3A_79 = vector.shape_cast %broadcast_in_dim3A_74 : vector<16xf32> to vector<1x16xf32>
      tpu.vector_store %arg8[%swap3A_75, %swap3A_76], %swap3A_79 {strides = array<i32>} : memref<128x128xf32, #tpu.memory_space<vmem>>, vector<1x16xf32>,
      %broadcast_in_dim3A_80 = arith.constant 0.000000e+00 : f32
      %broadcast_in_dim3A_81 = vector.broadcast %broadcast_in_dim3A_80 : f32 to vector<16xf32>
      %swap3A_82 = arith.index_cast %scan3A_59 : i32 to index
      %swap3A_83 = arith.constant 48 : index
      %swap3A_84 = tpu.vector_load %arg8[%swap3A_82, %swap3A_83] {strides = array<i32>} : memref<128x128xf32, #tpu.memory_space<vmem>>, vector<1x16xf32>,
      %swap3A_85 = vector.shape_cast %swap3A_84 : vector<1x16xf32> to vector<16xf32>
      %swap3A_86 = vector.shape_cast %broadcast_in_dim3A_81 : vector<16xf32> to vector<1x16xf32>
      tpu.vector_store %arg8[%swap3A_82, %swap3A_83], %swap3A_86 {strides = array<i32>} : memref<128x128xf32, #tpu.memory_space<vmem>>, vector<1x16xf32>,
      %broadcast_in_dim3A_87 = arith.constant 0.000000e+00 : f32
      %broadcast_in_dim3A_88 = vector.broadcast %broadcast_in_dim3A_87 : f32 to vector<16xf32>
      %swap3A_89 = arith.index_cast %scan3A_59 : i32 to index
      %swap3A_90 = arith.constant 64 : index
      %swap3A_91 = tpu.vector_load %arg8[%swap3A_89, %swap3A_90] {strides = array<i32>} : memref<128x128xf32, #tpu.memory_space<vmem>>, vector<1x16xf32>,
      %swap3A_92 = vector.shape_cast %swap3A_91 : vector<1x16xf32> to vector<16xf32>
      %swap3A_93 = vector.shape_cast %broadcast_in_dim3A_88 : vector<16xf32> to vector<1x16xf32>
      tpu.vector_store %arg8[%swap3A_89, %swap3A_90], %swap3A_93 {strides = array<i32>} : memref<128x128xf32, #tpu.memory_space<vmem>>, vector<1x16xf32>,
      %broadcast_in_dim3A_94 = arith.constant 0.000000e+00 : f32
      %broadcast_in_dim3A_95 = vector.broadcast %broadcast_in_dim3A_94 : f32 to vector<16xf32>
      %swap3A_96 = arith.index_cast %scan3A_59 : i32 to index
      %swap3A_97 = arith.constant 80 : index
      %swap3A_98 = tpu.vector_load %arg8[%swap3A_96, %swap3A_97] {strides = array<i32>} : memref<128x128xf32, #tpu.memory_space<vmem>>, vector<1x16xf32>,
      %swap3A_99 = vector.shape_cast %swap3A_98 : vector<1x16xf32> to vector<16xf32>
      %swap3A_100 = vector.shape_cast %broadcast_in_dim3A_95 : vector<16xf32> to vector<1x16xf32>
      tpu.vector_store %arg8[%swap3A_96, %swap3A_97], %swap3A_100 {strides = array<i32>} : memref<128x128xf32, #tpu.memory_space<vmem>>, vector<1x16xf32>,
      %broadcast_in_dim3A_101 = arith.constant 0.000000e+00 : f32
      %broadcast_in_dim3A_102 = vector.broadcast %broadcast_in_dim3A_101 : f32 to vector<16xf32>
      %swap3A_103 = arith.index_cast %scan3A_59 : i32 to index
      %swap3A_104 = arith.constant 96 : index
      %swap3A_105 = tpu.vector_load %arg8[%swap3A_103, %swap3A_104] {strides = array<i32>} : memref<128x128xf32, #tpu.memory_space<vmem>>, vector<1x16xf32>,
      %swap3A_106 = vector.shape_cast %swap3A_105 : vector<1x16xf32> to vector<16xf32>
      %swap3A_107 = vector.shape_cast %broadcast_in_dim3A_102 : vector<16xf32> to vector<1x16xf32>
      tpu.vector_store %arg8[%swap3A_103, %swap3A_104], %swap3A_107 {strides = array<i32>} : memref<128x128xf32, #tpu.memory_space<vmem>>, vector<1x16xf32>,
      %broadcast_in_dim3A_108 = arith.constant 0.000000e+00 : f32
      %broadcast_in_dim3A_109 = vector.broadcast %broadcast_in_dim3A_108 : f32 to vector<16xf32>
      %swap3A_110 = arith.index_cast %scan3A_59 : i32 to index
      %swap3A_111 = arith.constant 112 : index
      %swap3A_112 = tpu.vector_load %arg8[%swap3A_110, %swap3A_111] {strides = array<i32>} : memref<128x128xf32, #tpu.memory_space<vmem>>, vector<1x16xf32>,
      %swap3A_113 = vector.shape_cast %swap3A_112 : vector<1x16xf32> to vector<16xf32>
      %swap3A_114 = vector.shape_cast %broadcast_in_dim3A_109 : vector<16xf32> to vector<1x16xf32>
      tpu.vector_store %arg8[%swap3A_110, %swap3A_111], %swap3A_114 {strides = array<i32>} : memref<128x128xf32, #tpu.memory_space<vmem>>, vector<1x16xf32>,
      %scan3A_115 = arith.constant 0 : i32
      scf.yield %scan3A_115 : i32
    }
    %scan3A_6 = arith.constant 128 : i32
    %mul3A_7 = arith.constant 640 : i32
    %mul3A_8 = arith.muli %arg1, %mul3A_7 : i32
    %add3A_9 = arith.constant 0 : i32
    %add3A_10 = arith.addi %mul3A_8, %add3A_9 : i32
    "tpu.region"() ({
      %run_scoped3A = tpu.sem_alloc : memref<!tpu.dma_semaphore, #tpu.memory_space<semaphore_mem>>
      %dma_start3A_59 = arith.constant 0 : i32
      %dma_start3A_60 = tpu.memref_slice %arg10[%add3A_10, %dma_start3A_59] : memref<10240x128xf32, #tpu.memory_space<vmem_shared>> -> memref<128x128xf32, #tpu.memory_space<vmem_shared>>
      %dma_start3A_61 = arith.constant 0 : i32
      %dma_start3A_62 = tpu.memref_slice %arg10[%add3A_10, %dma_start3A_61] : memref<10240x128xf32, #tpu.memory_space<vmem_shared>> -> memref<128x128xf32, #tpu.memory_space<vmem_shared>>
      tpu.enqueue_dma source(%arg8 : memref<128x128xf32, #tpu.memory_space<vmem>>) target(%dma_start3A_62 : memref<128x128xf32, #tpu.memory_space<vmem_shared>>) target_semaphore(%run_scoped3A : memref<!tpu.dma_semaphore, #tpu.memory_space<semaphore_mem>>)
      %dma_wait3A = arith.constant 0 : i32
      %dma_wait3A_63 = tpu.memref_slice %arg10[%add3A_10, %dma_wait3A] : memref<10240x128xf32, #tpu.memory_space<vmem_shared>> -> memref<128x128xf32, #tpu.memory_space<vmem_shared>>
      %dma_wait3A_64 = arith.constant 0 : i32
      %dma_wait3A_65 = tpu.memref_slice %arg10[%add3A_10, %dma_wait3A_64] : memref<10240x128xf32, #tpu.memory_space<vmem_shared>> -> memref<128x128xf32, #tpu.memory_space<vmem_shared>>
      tpu.wait_dma2 semaphore(%run_scoped3A : memref<!tpu.dma_semaphore, #tpu.memory_space<semaphore_mem>>) src(%arg8 : memref<128x128xf32, #tpu.memory_space<vmem>>) dst(%dma_wait3A_65 : memref<128x128xf32, #tpu.memory_space<vmem_shared>>)
      tpu.yield
    }) : () -> ()
    %mul3A_11 = arith.constant 640 : i32
    %mul3A_12 = arith.muli %arg1, %mul3A_11 : i32
    %add3A_13 = arith.constant 128 : i32
    %add3A_14 = arith.addi %mul3A_12, %add3A_13 : i32
    "tpu.region"() ({
      %run_scoped3A = tpu.sem_alloc : memref<!tpu.dma_semaphore, #tpu.memory_space<semaphore_mem>>
      %dma_start3A_59 = arith.constant 0 : i32
      %dma_start3A_60 = tpu.memref_slice %arg10[%add3A_14, %dma_start3A_59] : memref<10240x128xf32, #tpu.memory_space<vmem_shared>> -> memref<128x128xf32, #tpu.memory_space<vmem_shared>>
      %dma_start3A_61 = arith.constant 0 : i32
      %dma_start3A_62 = tpu.memref_slice %arg10[%add3A_14, %dma_start3A_61] : memref<10240x128xf32, #tpu.memory_space<vmem_shared>> -> memref<128x128xf32, #tpu.memory_space<vmem_shared>>
      tpu.enqueue_dma source(%arg8 : memref<128x128xf32, #tpu.memory_space<vmem>>) target(%dma_start3A_62 : memref<128x128xf32, #tpu.memory_space<vmem_shared>>) target_semaphore(%run_scoped3A : memref<!tpu.dma_semaphore, #tpu.memory_space<semaphore_mem>>)
      %dma_wait3A = arith.constant 0 : i32
      %dma_wait3A_63 = tpu.memref_slice %arg10[%add3A_14, %dma_wait3A] : memref<10240x128xf32, #tpu.memory_space<vmem_shared>> -> memref<128x128xf32, #tpu.memory_space<vmem_shared>>
      %dma_wait3A_64 = arith.constant 0 : i32
      %dma_wait3A_65 = tpu.memref_slice %arg10[%add3A_14, %dma_wait3A_64] : memref<10240x128xf32, #tpu.memory_space<vmem_shared>> -> memref<128x128xf32, #tpu.memory_space<vmem_shared>>
      tpu.wait_dma2 semaphore(%run_scoped3A : memref<!tpu.dma_semaphore, #tpu.memory_space<semaphore_mem>>) src(%arg8 : memref<128x128xf32, #tpu.memory_space<vmem>>) dst(%dma_wait3A_65 : memref<128x128xf32, #tpu.memory_space<vmem_shared>>)
      tpu.yield
    }) : () -> ()
    %mul3A_15 = arith.constant 640 : i32
    %mul3A_16 = arith.muli %arg1, %mul3A_15 : i32
    %add3A_17 = arith.constant 256 : i32
    %add3A_18 = arith.addi %mul3A_16, %add3A_17 : i32
    "tpu.region"() ({
      %run_scoped3A = tpu.sem_alloc : memref<!tpu.dma_semaphore, #tpu.memory_space<semaphore_mem>>
      %dma_start3A_59 = arith.constant 0 : i32
      %dma_start3A_60 = tpu.memref_slice %arg10[%add3A_18, %dma_start3A_59] : memref<10240x128xf32, #tpu.memory_space<vmem_shared>> -> memref<128x128xf32, #tpu.memory_space<vmem_shared>>
      %dma_start3A_61 = arith.constant 0 : i32
      %dma_start3A_62 = tpu.memref_slice %arg10[%add3A_18, %dma_start3A_61] : memref<10240x128xf32, #tpu.memory_space<vmem_shared>> -> memref<128x128xf32, #tpu.memory_space<vmem_shared>>
      tpu.enqueue_dma source(%arg8 : memref<128x128xf32, #tpu.memory_space<vmem>>) target(%dma_start3A_62 : memref<128x128xf32, #tpu.memory_space<vmem_shared>>) target_semaphore(%run_scoped3A : memref<!tpu.dma_semaphore, #tpu.memory_space<semaphore_mem>>)
      %dma_wait3A = arith.constant 0 : i32
      %dma_wait3A_63 = tpu.memref_slice %arg10[%add3A_18, %dma_wait3A] : memref<10240x128xf32, #tpu.memory_space<vmem_shared>> -> memref<128x128xf32, #tpu.memory_space<vmem_shared>>
      %dma_wait3A_64 = arith.constant 0 : i32
      %dma_wait3A_65 = tpu.memref_slice %arg10[%add3A_18, %dma_wait3A_64] : memref<10240x128xf32, #tpu.memory_space<vmem_shared>> -> memref<128x128xf32, #tpu.memory_space<vmem_shared>>
      tpu.wait_dma2 semaphore(%run_scoped3A : memref<!tpu.dma_semaphore, #tpu.memory_space<semaphore_mem>>) src(%arg8 : memref<128x128xf32, #tpu.memory_space<vmem>>) dst(%dma_wait3A_65 : memref<128x128xf32, #tpu.memory_space<vmem_shared>>)
      tpu.yield
    }) : () -> ()
    %mul3A_19 = arith.constant 640 : i32
    %mul3A_20 = arith.muli %arg1, %mul3A_19 : i32
    %add3A_21 = arith.constant 384 : i32
    %add3A_22 = arith.addi %mul3A_20, %add3A_21 : i32
    "tpu.region"() ({
      %run_scoped3A = tpu.sem_alloc : memref<!tpu.dma_semaphore, #tpu.memory_space<semaphore_mem>>
      %dma_start3A_59 = arith.constant 0 : i32
      %dma_start3A_60 = tpu.memref_slice %arg10[%add3A_22, %dma_start3A_59] : memref<10240x128xf32, #tpu.memory_space<vmem_shared>> -> memref<128x128xf32, #tpu.memory_space<vmem_shared>>
      %dma_start3A_61 = arith.constant 0 : i32
      %dma_start3A_62 = tpu.memref_slice %arg10[%add3A_22, %dma_start3A_61] : memref<10240x128xf32, #tpu.memory_space<vmem_shared>> -> memref<128x128xf32, #tpu.memory_space<vmem_shared>>
      tpu.enqueue_dma source(%arg8 : memref<128x128xf32, #tpu.memory_space<vmem>>) target(%dma_start3A_62 : memref<128x128xf32, #tpu.memory_space<vmem_shared>>) target_semaphore(%run_scoped3A : memref<!tpu.dma_semaphore, #tpu.memory_space<semaphore_mem>>)
      %dma_wait3A = arith.constant 0 : i32
      %dma_wait3A_63 = tpu.memref_slice %arg10[%add3A_22, %dma_wait3A] : memref<10240x128xf32, #tpu.memory_space<vmem_shared>> -> memref<128x128xf32, #tpu.memory_space<vmem_shared>>
      %dma_wait3A_64 = arith.constant 0 : i32
      %dma_wait3A_65 = tpu.memref_slice %arg10[%add3A_22, %dma_wait3A_64] : memref<10240x128xf32, #tpu.memory_space<vmem_shared>> -> memref<128x128xf32, #tpu.memory_space<vmem_shared>>
      tpu.wait_dma2 semaphore(%run_scoped3A : memref<!tpu.dma_semaphore, #tpu.memory_space<semaphore_mem>>) src(%arg8 : memref<128x128xf32, #tpu.memory_space<vmem>>) dst(%dma_wait3A_65 : memref<128x128xf32, #tpu.memory_space<vmem_shared>>)
      tpu.yield
    }) : () -> ()
    %mul3A_23 = arith.constant 640 : i32
    %mul3A_24 = arith.muli %arg1, %mul3A_23 : i32
    %add3A_25 = arith.constant 512 : i32
    %add3A_26 = arith.addi %mul3A_24, %add3A_25 : i32
    "tpu.region"() ({
      %run_scoped3A = tpu.sem_alloc : memref<!tpu.dma_semaphore, #tpu.memory_space<semaphore_mem>>
      %dma_start3A_59 = arith.constant 0 : i32
      %dma_start3A_60 = tpu.memref_slice %arg10[%add3A_26, %dma_start3A_59] : memref<10240x128xf32, #tpu.memory_space<vmem_shared>> -> memref<128x128xf32, #tpu.memory_space<vmem_shared>>
      %dma_start3A_61 = arith.constant 0 : i32
      %dma_start3A_62 = tpu.memref_slice %arg10[%add3A_26, %dma_start3A_61] : memref<10240x128xf32, #tpu.memory_space<vmem_shared>> -> memref<128x128xf32, #tpu.memory_space<vmem_shared>>
      tpu.enqueue_dma source(%arg8 : memref<128x128xf32, #tpu.memory_space<vmem>>) target(%dma_start3A_62 : memref<128x128xf32, #tpu.memory_space<vmem_shared>>) target_semaphore(%run_scoped3A : memref<!tpu.dma_semaphore, #tpu.memory_space<semaphore_mem>>)
      %dma_wait3A = arith.constant 0 : i32
      %dma_wait3A_63 = tpu.memref_slice %arg10[%add3A_26, %dma_wait3A] : memref<10240x128xf32, #tpu.memory_space<vmem_shared>> -> memref<128x128xf32, #tpu.memory_space<vmem_shared>>
      %dma_wait3A_64 = arith.constant 0 : i32
      %dma_wait3A_65 = tpu.memref_slice %arg10[%add3A_26, %dma_wait3A_64] : memref<10240x128xf32, #tpu.memory_space<vmem_shared>> -> memref<128x128xf32, #tpu.memory_space<vmem_shared>>
      tpu.wait_dma2 semaphore(%run_scoped3A : memref<!tpu.dma_semaphore, #tpu.memory_space<semaphore_mem>>) src(%arg8 : memref<128x128xf32, #tpu.memory_space<vmem>>) dst(%dma_wait3A_65 : memref<128x128xf32, #tpu.memory_space<vmem_shared>>)
      tpu.yield
    }) : () -> ()
    %barrier3A = arith.constant 0 : index
    tpu.barrier barrier_id(%barrier3A)
    "tpu.region"() ({
      %run_scoped3A = tpu.sem_alloc : memref<!tpu.dma_semaphore, #tpu.memory_space<semaphore_mem>>
      %dma_start3A_59 = arith.constant 0 : i32
      %dma_start3A_60 = arith.constant 0 : i32
      %dma_start3A_61 = tpu.memref_slice %arg2[%add3A, %dma_start3A_59, %dma_start3A_60] : memref<32x80x128xi32, #tpu.memory_space<hbm>> -> memref<1x40x128xi32, #tpu.memory_space<hbm>>
      %dma_start3A_62 = tpu.memref_squeeze %dma_start3A_61 : memref<1x40x128xi32, #tpu.memory_space<hbm>> -> memref<40x128xi32, #tpu.memory_space<hbm>>
      %dma_start3A_63 = arith.constant 0 : i32
      %dma_start3A_64 = arith.constant 0 : i32
      %dma_start3A_65 = tpu.memref_slice %arg2[%add3A, %dma_start3A_63, %dma_start3A_64] : memref<32x80x128xi32, #tpu.memory_space<hbm>> -> memref<1x40x128xi32, #tpu.memory_space<hbm>>
      %dma_start3A_66 = tpu.memref_squeeze %dma_start3A_65 : memref<1x40x128xi32, #tpu.memory_space<hbm>> -> memref<40x128xi32, #tpu.memory_space<hbm>>
      tpu.enqueue_dma source(%dma_start3A_66 : memref<40x128xi32, #tpu.memory_space<hbm>>) target(%arg6 : memref<40x128xi32, #tpu.memory_space<vmem>>) target_semaphore(%run_scoped3A : memref<!tpu.dma_semaphore, #tpu.memory_space<semaphore_mem>>)
      %dma_wait3A = arith.constant 0 : i32
      %dma_wait3A_67 = arith.constant 0 : i32
      %dma_wait3A_68 = tpu.memref_slice %arg2[%add3A, %dma_wait3A, %dma_wait3A_67] : memref<32x80x128xi32, #tpu.memory_space<hbm>> -> memref<1x40x128xi32, #tpu.memory_space<hbm>>
      %dma_wait3A_69 = tpu.memref_squeeze %dma_wait3A_68 : memref<1x40x128xi32, #tpu.memory_space<hbm>> -> memref<40x128xi32, #tpu.memory_space<hbm>>
      %dma_wait3A_70 = arith.constant 0 : i32
      %dma_wait3A_71 = arith.constant 0 : i32
      %dma_wait3A_72 = tpu.memref_slice %arg2[%add3A, %dma_wait3A_70, %dma_wait3A_71] : memref<32x80x128xi32, #tpu.memory_space<hbm>> -> memref<1x40x128xi32, #tpu.memory_space<hbm>>
      %dma_wait3A_73 = tpu.memref_squeeze %dma_wait3A_72 : memref<1x40x128xi32, #tpu.memory_space<hbm>> -> memref<40x128xi32, #tpu.memory_space<hbm>>
      tpu.wait_dma2 semaphore(%run_scoped3A : memref<!tpu.dma_semaphore, #tpu.memory_space<semaphore_mem>>) src(%dma_wait3A_73 : memref<40x128xi32, #tpu.memory_space<hbm>>) dst(%arg6 : memref<40x128xi32, #tpu.memory_space<vmem>>)
      tpu.yield
    }) : () -> ()
    "tpu.region"() ({
      %run_scoped3A = tpu.sem_alloc : memref<!tpu.dma_semaphore, #tpu.memory_space<semaphore_mem>>
      %dma_start3A_59 = arith.constant 0 : i32
      %dma_start3A_60 = arith.constant 0 : i32
      %dma_start3A_61 = tpu.memref_slice %arg3[%add3A, %dma_start3A_59, %dma_start3A_60] : memref<32x80x128xi32, #tpu.memory_space<hbm>> -> memref<1x40x128xi32, #tpu.memory_space<hbm>>
      %dma_start3A_62 = tpu.memref_squeeze %dma_start3A_61 : memref<1x40x128xi32, #tpu.memory_space<hbm>> -> memref<40x128xi32, #tpu.memory_space<hbm>>
      %dma_start3A_63 = arith.constant 0 : i32
      %dma_start3A_64 = arith.constant 0 : i32
      %dma_start3A_65 = tpu.memref_slice %arg3[%add3A, %dma_start3A_63, %dma_start3A_64] : memref<32x80x128xi32, #tpu.memory_space<hbm>> -> memref<1x40x128xi32, #tpu.memory_space<hbm>>
      %dma_start3A_66 = tpu.memref_squeeze %dma_start3A_65 : memref<1x40x128xi32, #tpu.memory_space<hbm>> -> memref<40x128xi32, #tpu.memory_space<hbm>>
      tpu.enqueue_dma source(%dma_start3A_66 : memref<40x128xi32, #tpu.memory_space<hbm>>) target(%arg7 : memref<40x128xi32, #tpu.memory_space<vmem>>) target_semaphore(%run_scoped3A : memref<!tpu.dma_semaphore, #tpu.memory_space<semaphore_mem>>)
      %dma_wait3A = arith.constant 0 : i32
      %dma_wait3A_67 = arith.constant 0 : i32
      %dma_wait3A_68 = tpu.memref_slice %arg3[%add3A, %dma_wait3A, %dma_wait3A_67] : memref<32x80x128xi32, #tpu.memory_space<hbm>> -> memref<1x40x128xi32, #tpu.memory_space<hbm>>
      %dma_wait3A_69 = tpu.memref_squeeze %dma_wait3A_68 : memref<1x40x128xi32, #tpu.memory_space<hbm>> -> memref<40x128xi32, #tpu.memory_space<hbm>>
      %dma_wait3A_70 = arith.constant 0 : i32
      %dma_wait3A_71 = arith.constant 0 : i32
      %dma_wait3A_72 = tpu.memref_slice %arg3[%add3A, %dma_wait3A_70, %dma_wait3A_71] : memref<32x80x128xi32, #tpu.memory_space<hbm>> -> memref<1x40x128xi32, #tpu.memory_space<hbm>>
      %dma_wait3A_73 = tpu.memref_squeeze %dma_wait3A_72 : memref<1x40x128xi32, #tpu.memory_space<hbm>> -> memref<40x128xi32, #tpu.memory_space<hbm>>
      tpu.wait_dma2 semaphore(%run_scoped3A : memref<!tpu.dma_semaphore, #tpu.memory_space<semaphore_mem>>) src(%dma_wait3A_73 : memref<40x128xi32, #tpu.memory_space<hbm>>) dst(%arg7 : memref<40x128xi32, #tpu.memory_space<vmem>>)
      tpu.yield
    }) : () -> ()
    %dma_start3A = arith.constant 0 : i32
    %dma_start3A_27 = arith.constant 0 : i32
    %dma_start3A_28 = tpu.memref_slice %arg6[%dma_start3A, %dma_start3A_27] : memref<40x128xi32, #tpu.memory_space<vmem>> -> memref<1x128xi32, #tpu.memory_space<vmem>>
    %dma_start3A_29 = tpu.memref_squeeze %dma_start3A_28 : memref<1x128xi32, #tpu.memory_space<vmem>> -> memref<128xi32, #tpu.memory_space<vmem>>
    %dma_start3A_30 = arith.constant 0 : i32
    %dma_start3A_31 = arith.constant 0 : i32
    %dma_start3A_32 = tpu.memref_slice %arg4[%dma_start3A_30, %dma_start3A_31] : memref<10240x128xf32, #tpu.memory_space<hbm>> -> memref<10240x128xf32, #tpu.memory_space<hbm>>
    tpu.enqueue_indirect_dma source(%dma_start3A_32 : memref<10240x128xf32, #tpu.memory_space<hbm>>) target(%arg8 : memref<128x128xf32, #tpu.memory_space<vmem>>) offsets(%dma_start3A_29 : memref<128xi32, #tpu.memory_space<vmem>>) semaphore(%arg11 : memref<!tpu.dma_semaphore, #tpu.memory_space<semaphore_mem>>)
    %scan3A_33 = arith.constant 0 : i32
    %scan3A_34 = arith.constant 0 : i32
    %scan3A_35 = arith.constant 20 : i32
    %scan3A_36 = arith.addi %scan3A_34, %scan3A_35 : i32
    %scan3A_37 = arith.constant 1 : i32
    %scan3A_38 = scf.for %scan3A_59 = %scan3A_34 to %scan3A_36 step %scan3A_37 iter_args(%scan3A_60 = %scan3A_33) -> (i32)  : i32 {
      %mul3A_61 = arith.constant 2 : i32
      %mul3A_62 = arith.muli %mul3A_61, %scan3A_59 : i32
      %add3A_63 = arith.constant 1 : i32
      %add3A_64 = arith.addi %mul3A_62, %add3A_63 : i32
      %dma_start3A_65 = arith.constant 0 : i32
      %dma_start3A_66 = tpu.memref_slice %arg6[%add3A_64, %dma_start3A_65] : memref<40x128xi32, #tpu.memory_space<vmem>> -> memref<1x128xi32, #tpu.memory_space<vmem>>
      %dma_start3A_67 = tpu.memref_squeeze %dma_start3A_66 : memref<1x128xi32, #tpu.memory_space<vmem>> -> memref<128xi32, #tpu.memory_space<vmem>>
      %dma_start3A_68 = arith.constant 0 : i32
      %dma_start3A_69 = arith.constant 0 : i32
      %dma_start3A_70 = tpu.memref_slice %arg4[%dma_start3A_68, %dma_start3A_69] : memref<10240x128xf32, #tpu.memory_space<hbm>> -> memref<10240x128xf32, #tpu.memory_space<hbm>>
      tpu.enqueue_indirect_dma source(%dma_start3A_70 : memref<10240x128xf32, #tpu.memory_space<hbm>>) target(%arg9 : memref<128x128xf32, #tpu.memory_space<vmem>>) offsets(%dma_start3A_67 : memref<128xi32, #tpu.memory_space<vmem>>) semaphore(%arg12 : memref<!tpu.dma_semaphore, #tpu.memory_space<semaphore_mem>>)
      %mul3A_71 = arith.constant 2 : i32
      %mul3A_72 = arith.muli %mul3A_71, %scan3A_59 : i32
      %dma_wait3A = arith.constant 0 : i32
      %dma_wait3A_73 = tpu.memref_slice %arg6[%mul3A_72, %dma_wait3A] : memref<40x128xi32, #tpu.memory_space<vmem>> -> memref<1x128xi32, #tpu.memory_space<vmem>>
      %dma_wait3A_74 = tpu.memref_squeeze %dma_wait3A_73 : memref<1x128xi32, #tpu.memory_space<vmem>> -> memref<128xi32, #tpu.memory_space<vmem>>
      %dma_wait3A_75 = arith.constant 0 : i32
      %dma_wait3A_76 = arith.constant 0 : i32
      %dma_wait3A_77 = tpu.memref_slice %arg4[%dma_wait3A_75, %dma_wait3A_76] : memref<10240x128xf32, #tpu.memory_space<hbm>> -> memref<10240x128xf32, #tpu.memory_space<hbm>>
      tpu.wait_indirect_dma semaphore(%arg11 : memref<!tpu.dma_semaphore, #tpu.memory_space<semaphore_mem>>) src(%dma_wait3A_77 : memref<10240x128xf32, #tpu.memory_space<hbm>>) dst(%arg8 : memref<128x128xf32, #tpu.memory_space<vmem>>)
      %mul3A_78 = arith.constant 2 : i32
      %mul3A_79 = arith.muli %mul3A_78, %scan3A_59 : i32
      "tpu.region"() ({
        %run_scoped3A = tpu.sem_alloc : memref<!tpu.dma_semaphore, #tpu.memory_space<semaphore_mem>>
        %dma_start3A_97 = arith.constant 0 : i32
        %dma_start3A_98 = tpu.memref_slice %arg7[%mul3A_79, %dma_start3A_97] : memref<40x128xi32, #tpu.memory_space<vmem>> -> memref<1x128xi32, #tpu.memory_space<vmem>>
        %dma_start3A_99 = tpu.memref_squeeze %dma_start3A_98 : memref<1x128xi32, #tpu.memory_space<vmem>> -> memref<128xi32, #tpu.memory_space<vmem>>
        %dma_start3A_100 = arith.constant 0 : i32
        %dma_start3A_101 = arith.constant 0 : i32
        %dma_start3A_102 = tpu.memref_slice %arg10[%dma_start3A_100, %dma_start3A_101] : memref<10240x128xf32, #tpu.memory_space<vmem_shared>> -> memref<10240x128xf32, #tpu.memory_space<vmem_shared>>
        tpu.enqueue_indirect_dma source(%arg8 : memref<128x128xf32, #tpu.memory_space<vmem>>) target(%dma_start3A_102 : memref<10240x128xf32, #tpu.memory_space<vmem_shared>>) offsets(%dma_start3A_99 : memref<128xi32, #tpu.memory_space<vmem>>) semaphore(%run_scoped3A : memref<!tpu.dma_semaphore, #tpu.memory_space<semaphore_mem>>) {add = true}
        %dma_wait3A_103 = arith.constant 0 : i32
        %dma_wait3A_104 = tpu.memref_slice %arg7[%mul3A_79, %dma_wait3A_103] : memref<40x128xi32, #tpu.memory_space<vmem>> -> memref<1x128xi32, #tpu.memory_space<vmem>>
        %dma_wait3A_105 = tpu.memref_squeeze %dma_wait3A_104 : memref<1x128xi32, #tpu.memory_space<vmem>> -> memref<128xi32, #tpu.memory_space<vmem>>
        %dma_wait3A_106 = arith.constant 0 : i32
        %dma_wait3A_107 = arith.constant 0 : i32
        %dma_wait3A_108 = tpu.memref_slice %arg10[%dma_wait3A_106, %dma_wait3A_107] : memref<10240x128xf32, #tpu.memory_space<vmem_shared>> -> memref<10240x128xf32, #tpu.memory_space<vmem_shared>>
        tpu.wait_indirect_dma semaphore(%run_scoped3A : memref<!tpu.dma_semaphore, #tpu.memory_space<semaphore_mem>>) src(%arg8 : memref<128x128xf32, #tpu.memory_space<vmem>>) dst(%dma_wait3A_108 : memref<10240x128xf32, #tpu.memory_space<vmem_shared>>)
        tpu.yield
      }) : () -> ()
      %lt3A = arith.constant 19 : i32
      %lt3A_80 = arith.cmpi slt, %scan3A_59, %lt3A : i32
      %convert_element_type3A = arith.extui %lt3A_80 : i1 to i32
      %cond3A = arith.constant 0 : i32
      %cond3A_81 = arith.cmpi ne, %convert_element_type3A, %cond3A : i32
      scf.if %cond3A_81 {
        %mul3A_97 = arith.constant 2 : i32
        %mul3A_98 = arith.muli %mul3A_97, %scan3A_59 : i32
        %add3A_99 = arith.constant 2 : i32
        %add3A_100 = arith.addi %mul3A_98, %add3A_99 : i32
        %dma_start3A_101 = arith.constant 0 : i32
        %dma_start3A_102 = tpu.memref_slice %arg6[%add3A_100, %dma_start3A_101] : memref<40x128xi32, #tpu.memory_space<vmem>> -> memref<1x128xi32, #tpu.memory_space<vmem>>
        %dma_start3A_103 = tpu.memref_squeeze %dma_start3A_102 : memref<1x128xi32, #tpu.memory_space<vmem>> -> memref<128xi32, #tpu.memory_space<vmem>>
        %dma_start3A_104 = arith.constant 0 : i32
        %dma_start3A_105 = arith.constant 0 : i32
        %dma_start3A_106 = tpu.memref_slice %arg4[%dma_start3A_104, %dma_start3A_105] : memref<10240x128xf32, #tpu.memory_space<hbm>> -> memref<10240x128xf32, #tpu.memory_space<hbm>>
        tpu.enqueue_indirect_dma source(%dma_start3A_106 : memref<10240x128xf32, #tpu.memory_space<hbm>>) target(%arg8 : memref<128x128xf32, #tpu.memory_space<vmem>>) offsets(%dma_start3A_103 : memref<128xi32, #tpu.memory_space<vmem>>) semaphore(%arg11 : memref<!tpu.dma_semaphore, #tpu.memory_space<semaphore_mem>>)
      } else {
      }
      %mul3A_82 = arith.constant 2 : i32
      %mul3A_83 = arith.muli %mul3A_82, %scan3A_59 : i32
      %add3A_84 = arith.constant 1 : i32
      %add3A_85 = arith.addi %mul3A_83, %add3A_84 : i32
      %dma_wait3A_86 = arith.constant 0 : i32
      %dma_wait3A_87 = tpu.memref_slice %arg6[%add3A_85, %dma_wait3A_86] : memref<40x128xi32, #tpu.memory_space<vmem>> -> memref<1x128xi32, #tpu.memory_space<vmem>>
      %dma_wait3A_88 = tpu.memref_squeeze %dma_wait3A_87 : memref<1x128xi32, #tpu.memory_space<vmem>> -> memref<128xi32, #tpu.memory_space<vmem>>
      %dma_wait3A_89 = arith.constant 0 : i32
      %dma_wait3A_90 = arith.constant 0 : i32
      %dma_wait3A_91 = tpu.memref_slice %arg4[%dma_wait3A_89, %dma_wait3A_90] : memref<10240x128xf32, #tpu.memory_space<hbm>> -> memref<10240x128xf32, #tpu.memory_space<hbm>>
      tpu.wait_indirect_dma semaphore(%arg12 : memref<!tpu.dma_semaphore, #tpu.memory_space<semaphore_mem>>) src(%dma_wait3A_91 : memref<10240x128xf32, #tpu.memory_space<hbm>>) dst(%arg9 : memref<128x128xf32, #tpu.memory_space<vmem>>)
      %mul3A_92 = arith.constant 2 : i32
      %mul3A_93 = arith.muli %mul3A_92, %scan3A_59 : i32
      %add3A_94 = arith.constant 1 : i32
      %add3A_95 = arith.addi %mul3A_93, %add3A_94 : i32
      "tpu.region"() ({
        %run_scoped3A = tpu.sem_alloc : memref<!tpu.dma_semaphore, #tpu.memory_space<semaphore_mem>>
        %dma_start3A_97 = arith.constant 0 : i32
        %dma_start3A_98 = tpu.memref_slice %arg7[%add3A_95, %dma_start3A_97] : memref<40x128xi32, #tpu.memory_space<vmem>> -> memref<1x128xi32, #tpu.memory_space<vmem>>
        %dma_start3A_99 = tpu.memref_squeeze %dma_start3A_98 : memref<1x128xi32, #tpu.memory_space<vmem>> -> memref<128xi32, #tpu.memory_space<vmem>>
        %dma_start3A_100 = arith.constant 0 : i32
        %dma_start3A_101 = arith.constant 0 : i32
        %dma_start3A_102 = tpu.memref_slice %arg10[%dma_start3A_100, %dma_start3A_101] : memref<10240x128xf32, #tpu.memory_space<vmem_shared>> -> memref<10240x128xf32, #tpu.memory_space<vmem_shared>>
        tpu.enqueue_indirect_dma source(%arg9 : memref<128x128xf32, #tpu.memory_space<vmem>>) target(%dma_start3A_102 : memref<10240x128xf32, #tpu.memory_space<vmem_shared>>) offsets(%dma_start3A_99 : memref<128xi32, #tpu.memory_space<vmem>>) semaphore(%run_scoped3A : memref<!tpu.dma_semaphore, #tpu.memory_space<semaphore_mem>>) {add = true}
        %dma_wait3A_103 = arith.constant 0 : i32
        %dma_wait3A_104 = tpu.memref_slice %arg7[%add3A_95, %dma_wait3A_103] : memref<40x128xi32, #tpu.memory_space<vmem>> -> memref<1x128xi32, #tpu.memory_space<vmem>>
        %dma_wait3A_105 = tpu.memref_squeeze %dma_wait3A_104 : memref<1x128xi32, #tpu.memory_space<vmem>> -> memref<128xi32, #tpu.memory_space<vmem>>
        %dma_wait3A_106 = arith.constant 0 : i32
        %dma_wait3A_107 = arith.constant 0 : i32
        %dma_wait3A_108 = tpu.memref_slice %arg10[%dma_wait3A_106, %dma_wait3A_107] : memref<10240x128xf32, #tpu.memory_space<vmem_shared>> -> memref<10240x128xf32, #tpu.memory_space<vmem_shared>>
        tpu.wait_indirect_dma semaphore(%run_scoped3A : memref<!tpu.dma_semaphore, #tpu.memory_space<semaphore_mem>>) src(%arg9 : memref<128x128xf32, #tpu.memory_space<vmem>>) dst(%dma_wait3A_108 : memref<10240x128xf32, #tpu.memory_space<vmem_shared>>)
        tpu.yield
      }) : () -> ()
      %scan3A_96 = arith.constant 0 : i32
      scf.yield %scan3A_96 : i32
    }
    %scan3A_39 = arith.constant 20 : i32
    "tpu.region"() ({
      %run_scoped3A = tpu.sem_alloc : memref<!tpu.dma_semaphore, #tpu.memory_space<semaphore_mem>>
      %dma_start3A_59 = arith.constant 40 : i32
      %dma_start3A_60 = arith.constant 0 : i32
      %dma_start3A_61 = tpu.memref_slice %arg2[%add3A, %dma_start3A_59, %dma_start3A_60] : memref<32x80x128xi32, #tpu.memory_space<hbm>> -> memref<1x40x128xi32, #tpu.memory_space<hbm>>
      %dma_start3A_62 = tpu.memref_squeeze %dma_start3A_61 : memref<1x40x128xi32, #tpu.memory_space<hbm>> -> memref<40x128xi32, #tpu.memory_space<hbm>>
      %dma_start3A_63 = arith.constant 40 : i32
      %dma_start3A_64 = arith.constant 0 : i32
      %dma_start3A_65 = tpu.memref_slice %arg2[%add3A, %dma_start3A_63, %dma_start3A_64] : memref<32x80x128xi32, #tpu.memory_space<hbm>> -> memref<1x40x128xi32, #tpu.memory_space<hbm>>
      %dma_start3A_66 = tpu.memref_squeeze %dma_start3A_65 : memref<1x40x128xi32, #tpu.memory_space<hbm>> -> memref<40x128xi32, #tpu.memory_space<hbm>>
      tpu.enqueue_dma source(%dma_start3A_66 : memref<40x128xi32, #tpu.memory_space<hbm>>) target(%arg6 : memref<40x128xi32, #tpu.memory_space<vmem>>) target_semaphore(%run_scoped3A : memref<!tpu.dma_semaphore, #tpu.memory_space<semaphore_mem>>)
      %dma_wait3A = arith.constant 40 : i32
      %dma_wait3A_67 = arith.constant 0 : i32
      %dma_wait3A_68 = tpu.memref_slice %arg2[%add3A, %dma_wait3A, %dma_wait3A_67] : memref<32x80x128xi32, #tpu.memory_space<hbm>> -> memref<1x40x128xi32, #tpu.memory_space<hbm>>
      %dma_wait3A_69 = tpu.memref_squeeze %dma_wait3A_68 : memref<1x40x128xi32, #tpu.memory_space<hbm>> -> memref<40x128xi32, #tpu.memory_space<hbm>>
      %dma_wait3A_70 = arith.constant 40 : i32
      %dma_wait3A_71 = arith.constant 0 : i32
      %dma_wait3A_72 = tpu.memref_slice %arg2[%add3A, %dma_wait3A_70, %dma_wait3A_71] : memref<32x80x128xi32, #tpu.memory_space<hbm>> -> memref<1x40x128xi32, #tpu.memory_space<hbm>>
      %dma_wait3A_73 = tpu.memref_squeeze %dma_wait3A_72 : memref<1x40x128xi32, #tpu.memory_space<hbm>> -> memref<40x128xi32, #tpu.memory_space<hbm>>
      tpu.wait_dma2 semaphore(%run_scoped3A : memref<!tpu.dma_semaphore, #tpu.memory_space<semaphore_mem>>) src(%dma_wait3A_73 : memref<40x128xi32, #tpu.memory_space<hbm>>) dst(%arg6 : memref<40x128xi32, #tpu.memory_space<vmem>>)
      tpu.yield
    }) : () -> ()
    "tpu.region"() ({
      %run_scoped3A = tpu.sem_alloc : memref<!tpu.dma_semaphore, #tpu.memory_space<semaphore_mem>>
      %dma_start3A_59 = arith.constant 40 : i32
      %dma_start3A_60 = arith.constant 0 : i32
      %dma_start3A_61 = tpu.memref_slice %arg3[%add3A, %dma_start3A_59, %dma_start3A_60] : memref<32x80x128xi32, #tpu.memory_space<hbm>> -> memref<1x40x128xi32, #tpu.memory_space<hbm>>
      %dma_start3A_62 = tpu.memref_squeeze %dma_start3A_61 : memref<1x40x128xi32, #tpu.memory_space<hbm>> -> memref<40x128xi32, #tpu.memory_space<hbm>>
      %dma_start3A_63 = arith.constant 40 : i32
      %dma_start3A_64 = arith.constant 0 : i32
      %dma_start3A_65 = tpu.memref_slice %arg3[%add3A, %dma_start3A_63, %dma_start3A_64] : memref<32x80x128xi32, #tpu.memory_space<hbm>> -> memref<1x40x128xi32, #tpu.memory_space<hbm>>
      %dma_start3A_66 = tpu.memref_squeeze %dma_start3A_65 : memref<1x40x128xi32, #tpu.memory_space<hbm>> -> memref<40x128xi32, #tpu.memory_space<hbm>>
      tpu.enqueue_dma source(%dma_start3A_66 : memref<40x128xi32, #tpu.memory_space<hbm>>) target(%arg7 : memref<40x128xi32, #tpu.memory_space<vmem>>) target_semaphore(%run_scoped3A : memref<!tpu.dma_semaphore, #tpu.memory_space<semaphore_mem>>)
      %dma_wait3A = arith.constant 40 : i32
      %dma_wait3A_67 = arith.constant 0 : i32
      %dma_wait3A_68 = tpu.memref_slice %arg3[%add3A, %dma_wait3A, %dma_wait3A_67] : memref<32x80x128xi32, #tpu.memory_space<hbm>> -> memref<1x40x128xi32, #tpu.memory_space<hbm>>
      %dma_wait3A_69 = tpu.memref_squeeze %dma_wait3A_68 : memref<1x40x128xi32, #tpu.memory_space<hbm>> -> memref<40x128xi32, #tpu.memory_space<hbm>>
      %dma_wait3A_70 = arith.constant 40 : i32
      %dma_wait3A_71 = arith.constant 0 : i32
      %dma_wait3A_72 = tpu.memref_slice %arg3[%add3A, %dma_wait3A_70, %dma_wait3A_71] : memref<32x80x128xi32, #tpu.memory_space<hbm>> -> memref<1x40x128xi32, #tpu.memory_space<hbm>>
      %dma_wait3A_73 = tpu.memref_squeeze %dma_wait3A_72 : memref<1x40x128xi32, #tpu.memory_space<hbm>> -> memref<40x128xi32, #tpu.memory_space<hbm>>
      tpu.wait_dma2 semaphore(%run_scoped3A : memref<!tpu.dma_semaphore, #tpu.memory_space<semaphore_mem>>) src(%dma_wait3A_73 : memref<40x128xi32, #tpu.memory_space<hbm>>) dst(%arg7 : memref<40x128xi32, #tpu.memory_space<vmem>>)
      tpu.yield
    }) : () -> ()
    %dma_start3A_40 = arith.constant 0 : i32
    %dma_start3A_41 = arith.constant 0 : i32
    %dma_start3A_42 = tpu.memref_slice %arg6[%dma_start3A_40, %dma_start3A_41] : memref<40x128xi32, #tpu.memory_space<vmem>> -> memref<1x128xi32, #tpu.memory_space<vmem>>
    %dma_start3A_43 = tpu.memref_squeeze %dma_start3A_42 : memref<1x128xi32, #tpu.memory_space<vmem>> -> memref<128xi32, #tpu.memory_space<vmem>>
    %dma_start3A_44 = arith.constant 0 : i32
    %dma_start3A_45 = arith.constant 0 : i32
    %dma_start3A_46 = tpu.memref_slice %arg4[%dma_start3A_44, %dma_start3A_45] : memref<10240x128xf32, #tpu.memory_space<hbm>> -> memref<10240x128xf32, #tpu.memory_space<hbm>>
    tpu.enqueue_indirect_dma source(%dma_start3A_46 : memref<10240x128xf32, #tpu.memory_space<hbm>>) target(%arg8 : memref<128x128xf32, #tpu.memory_space<vmem>>) offsets(%dma_start3A_43 : memref<128xi32, #tpu.memory_space<vmem>>) semaphore(%arg11 : memref<!tpu.dma_semaphore, #tpu.memory_space<semaphore_mem>>)
    %scan3A_47 = arith.constant 0 : i32
    %scan3A_48 = arith.constant 0 : i32
    %scan3A_49 = arith.constant 20 : i32
    %scan3A_50 = arith.addi %scan3A_48, %scan3A_49 : i32
    %scan3A_51 = arith.constant 1 : i32
    %scan3A_52 = scf.for %scan3A_59 = %scan3A_48 to %scan3A_50 step %scan3A_51 iter_args(%scan3A_60 = %scan3A_47) -> (i32)  : i32 {
      %mul3A_61 = arith.constant 2 : i32
      %mul3A_62 = arith.muli %mul3A_61, %scan3A_59 : i32
      %add3A_63 = arith.constant 1 : i32
      %add3A_64 = arith.addi %mul3A_62, %add3A_63 : i32
      %dma_start3A_65 = arith.constant 0 : i32
      %dma_start3A_66 = tpu.memref_slice %arg6[%add3A_64, %dma_start3A_65] : memref<40x128xi32, #tpu.memory_space<vmem>> -> memref<1x128xi32, #tpu.memory_space<vmem>>
      %dma_start3A_67 = tpu.memref_squeeze %dma_start3A_66 : memref<1x128xi32, #tpu.memory_space<vmem>> -> memref<128xi32, #tpu.memory_space<vmem>>
      %dma_start3A_68 = arith.constant 0 : i32
      %dma_start3A_69 = arith.constant 0 : i32
      %dma_start3A_70 = tpu.memref_slice %arg4[%dma_start3A_68, %dma_start3A_69] : memref<10240x128xf32, #tpu.memory_space<hbm>> -> memref<10240x128xf32, #tpu.memory_space<hbm>>
      tpu.enqueue_indirect_dma source(%dma_start3A_70 : memref<10240x128xf32, #tpu.memory_space<hbm>>) target(%arg9 : memref<128x128xf32, #tpu.memory_space<vmem>>) offsets(%dma_start3A_67 : memref<128xi32, #tpu.memory_space<vmem>>) semaphore(%arg12 : memref<!tpu.dma_semaphore, #tpu.memory_space<semaphore_mem>>)
      %mul3A_71 = arith.constant 2 : i32
      %mul3A_72 = arith.muli %mul3A_71, %scan3A_59 : i32
      %dma_wait3A = arith.constant 0 : i32
      %dma_wait3A_73 = tpu.memref_slice %arg6[%mul3A_72, %dma_wait3A] : memref<40x128xi32, #tpu.memory_space<vmem>> -> memref<1x128xi32, #tpu.memory_space<vmem>>
      %dma_wait3A_74 = tpu.memref_squeeze %dma_wait3A_73 : memref<1x128xi32, #tpu.memory_space<vmem>> -> memref<128xi32, #tpu.memory_space<vmem>>
      %dma_wait3A_75 = arith.constant 0 : i32
      %dma_wait3A_76 = arith.constant 0 : i32
      %dma_wait3A_77 = tpu.memref_slice %arg4[%dma_wait3A_75, %dma_wait3A_76] : memref<10240x128xf32, #tpu.memory_space<hbm>> -> memref<10240x128xf32, #tpu.memory_space<hbm>>
      tpu.wait_indirect_dma semaphore(%arg11 : memref<!tpu.dma_semaphore, #tpu.memory_space<semaphore_mem>>) src(%dma_wait3A_77 : memref<10240x128xf32, #tpu.memory_space<hbm>>) dst(%arg8 : memref<128x128xf32, #tpu.memory_space<vmem>>)
      %mul3A_78 = arith.constant 2 : i32
      %mul3A_79 = arith.muli %mul3A_78, %scan3A_59 : i32
      "tpu.region"() ({
        %run_scoped3A = tpu.sem_alloc : memref<!tpu.dma_semaphore, #tpu.memory_space<semaphore_mem>>
        %dma_start3A_97 = arith.constant 0 : i32
        %dma_start3A_98 = tpu.memref_slice %arg7[%mul3A_79, %dma_start3A_97] : memref<40x128xi32, #tpu.memory_space<vmem>> -> memref<1x128xi32, #tpu.memory_space<vmem>>
        %dma_start3A_99 = tpu.memref_squeeze %dma_start3A_98 : memref<1x128xi32, #tpu.memory_space<vmem>> -> memref<128xi32, #tpu.memory_space<vmem>>
        %dma_start3A_100 = arith.constant 0 : i32
        %dma_start3A_101 = arith.constant 0 : i32
        %dma_start3A_102 = tpu.memref_slice %arg10[%dma_start3A_100, %dma_start3A_101] : memref<10240x128xf32, #tpu.memory_space<vmem_shared>> -> memref<10240x128xf32, #tpu.memory_space<vmem_shared>>
        tpu.enqueue_indirect_dma source(%arg8 : memref<128x128xf32, #tpu.memory_space<vmem>>) target(%dma_start3A_102 : memref<10240x128xf32, #tpu.memory_space<vmem_shared>>) offsets(%dma_start3A_99 : memref<128xi32, #tpu.memory_space<vmem>>) semaphore(%run_scoped3A : memref<!tpu.dma_semaphore, #tpu.memory_space<semaphore_mem>>) {add = true}
        %dma_wait3A_103 = arith.constant 0 : i32
        %dma_wait3A_104 = tpu.memref_slice %arg7[%mul3A_79, %dma_wait3A_103] : memref<40x128xi32, #tpu.memory_space<vmem>> -> memref<1x128xi32, #tpu.memory_space<vmem>>
        %dma_wait3A_105 = tpu.memref_squeeze %dma_wait3A_104 : memref<1x128xi32, #tpu.memory_space<vmem>> -> memref<128xi32, #tpu.memory_space<vmem>>
        %dma_wait3A_106 = arith.constant 0 : i32
        %dma_wait3A_107 = arith.constant 0 : i32
        %dma_wait3A_108 = tpu.memref_slice %arg10[%dma_wait3A_106, %dma_wait3A_107] : memref<10240x128xf32, #tpu.memory_space<vmem_shared>> -> memref<10240x128xf32, #tpu.memory_space<vmem_shared>>
        tpu.wait_indirect_dma semaphore(%run_scoped3A : memref<!tpu.dma_semaphore, #tpu.memory_space<semaphore_mem>>) src(%arg8 : memref<128x128xf32, #tpu.memory_space<vmem>>) dst(%dma_wait3A_108 : memref<10240x128xf32, #tpu.memory_space<vmem_shared>>)
        tpu.yield
      }) : () -> ()
      %lt3A = arith.constant 19 : i32
      %lt3A_80 = arith.cmpi slt, %scan3A_59, %lt3A : i32
      %convert_element_type3A = arith.extui %lt3A_80 : i1 to i32
      %cond3A = arith.constant 0 : i32
      %cond3A_81 = arith.cmpi ne, %convert_element_type3A, %cond3A : i32
      scf.if %cond3A_81 {
        %mul3A_97 = arith.constant 2 : i32
        %mul3A_98 = arith.muli %mul3A_97, %scan3A_59 : i32
        %add3A_99 = arith.constant 2 : i32
        %add3A_100 = arith.addi %mul3A_98, %add3A_99 : i32
        %dma_start3A_101 = arith.constant 0 : i32
        %dma_start3A_102 = tpu.memref_slice %arg6[%add3A_100, %dma_start3A_101] : memref<40x128xi32, #tpu.memory_space<vmem>> -> memref<1x128xi32, #tpu.memory_space<vmem>>
        %dma_start3A_103 = tpu.memref_squeeze %dma_start3A_102 : memref<1x128xi32, #tpu.memory_space<vmem>> -> memref<128xi32, #tpu.memory_space<vmem>>
        %dma_start3A_104 = arith.constant 0 : i32
        %dma_start3A_105 = arith.constant 0 : i32
        %dma_start3A_106 = tpu.memref_slice %arg4[%dma_start3A_104, %dma_start3A_105] : memref<10240x128xf32, #tpu.memory_space<hbm>> -> memref<10240x128xf32, #tpu.memory_space<hbm>>
        tpu.enqueue_indirect_dma source(%dma_start3A_106 : memref<10240x128xf32, #tpu.memory_space<hbm>>) target(%arg8 : memref<128x128xf32, #tpu.memory_space<vmem>>) offsets(%dma_start3A_103 : memref<128xi32, #tpu.memory_space<vmem>>) semaphore(%arg11 : memref<!tpu.dma_semaphore, #tpu.memory_space<semaphore_mem>>)
      } else {
      }
      %mul3A_82 = arith.constant 2 : i32
      %mul3A_83 = arith.muli %mul3A_82, %scan3A_59 : i32
      %add3A_84 = arith.constant 1 : i32
      %add3A_85 = arith.addi %mul3A_83, %add3A_84 : i32
      %dma_wait3A_86 = arith.constant 0 : i32
      %dma_wait3A_87 = tpu.memref_slice %arg6[%add3A_85, %dma_wait3A_86] : memref<40x128xi32, #tpu.memory_space<vmem>> -> memref<1x128xi32, #tpu.memory_space<vmem>>
      %dma_wait3A_88 = tpu.memref_squeeze %dma_wait3A_87 : memref<1x128xi32, #tpu.memory_space<vmem>> -> memref<128xi32, #tpu.memory_space<vmem>>
      %dma_wait3A_89 = arith.constant 0 : i32
      %dma_wait3A_90 = arith.constant 0 : i32
      %dma_wait3A_91 = tpu.memref_slice %arg4[%dma_wait3A_89, %dma_wait3A_90] : memref<10240x128xf32, #tpu.memory_space<hbm>> -> memref<10240x128xf32, #tpu.memory_space<hbm>>
      tpu.wait_indirect_dma semaphore(%arg12 : memref<!tpu.dma_semaphore, #tpu.memory_space<semaphore_mem>>) src(%dma_wait3A_91 : memref<10240x128xf32, #tpu.memory_space<hbm>>) dst(%arg9 : memref<128x128xf32, #tpu.memory_space<vmem>>)
      %mul3A_92 = arith.constant 2 : i32
      %mul3A_93 = arith.muli %mul3A_92, %scan3A_59 : i32
      %add3A_94 = arith.constant 1 : i32
      %add3A_95 = arith.addi %mul3A_93, %add3A_94 : i32
      "tpu.region"() ({
        %run_scoped3A = tpu.sem_alloc : memref<!tpu.dma_semaphore, #tpu.memory_space<semaphore_mem>>
        %dma_start3A_97 = arith.constant 0 : i32
        %dma_start3A_98 = tpu.memref_slice %arg7[%add3A_95, %dma_start3A_97] : memref<40x128xi32, #tpu.memory_space<vmem>> -> memref<1x128xi32, #tpu.memory_space<vmem>>
        %dma_start3A_99 = tpu.memref_squeeze %dma_start3A_98 : memref<1x128xi32, #tpu.memory_space<vmem>> -> memref<128xi32, #tpu.memory_space<vmem>>
        %dma_start3A_100 = arith.constant 0 : i32
        %dma_start3A_101 = arith.constant 0 : i32
        %dma_start3A_102 = tpu.memref_slice %arg10[%dma_start3A_100, %dma_start3A_101] : memref<10240x128xf32, #tpu.memory_space<vmem_shared>> -> memref<10240x128xf32, #tpu.memory_space<vmem_shared>>
        tpu.enqueue_indirect_dma source(%arg9 : memref<128x128xf32, #tpu.memory_space<vmem>>) target(%dma_start3A_102 : memref<10240x128xf32, #tpu.memory_space<vmem_shared>>) offsets(%dma_start3A_99 : memref<128xi32, #tpu.memory_space<vmem>>) semaphore(%run_scoped3A : memref<!tpu.dma_semaphore, #tpu.memory_space<semaphore_mem>>) {add = true}
        %dma_wait3A_103 = arith.constant 0 : i32
        %dma_wait3A_104 = tpu.memref_slice %arg7[%add3A_95, %dma_wait3A_103] : memref<40x128xi32, #tpu.memory_space<vmem>> -> memref<1x128xi32, #tpu.memory_space<vmem>>
        %dma_wait3A_105 = tpu.memref_squeeze %dma_wait3A_104 : memref<1x128xi32, #tpu.memory_space<vmem>> -> memref<128xi32, #tpu.memory_space<vmem>>
        %dma_wait3A_106 = arith.constant 0 : i32
        %dma_wait3A_107 = arith.constant 0 : i32
        %dma_wait3A_108 = tpu.memref_slice %arg10[%dma_wait3A_106, %dma_wait3A_107] : memref<10240x128xf32, #tpu.memory_space<vmem_shared>> -> memref<10240x128xf32, #tpu.memory_space<vmem_shared>>
        tpu.wait_indirect_dma semaphore(%run_scoped3A : memref<!tpu.dma_semaphore, #tpu.memory_space<semaphore_mem>>) src(%arg9 : memref<128x128xf32, #tpu.memory_space<vmem>>) dst(%dma_wait3A_108 : memref<10240x128xf32, #tpu.memory_space<vmem_shared>>)
        tpu.yield
      }) : () -> ()
      %scan3A_96 = arith.constant 0 : i32
      scf.yield %scan3A_96 : i32
    }
    %scan3A_53 = arith.constant 20 : i32
    %barrier3A_54 = arith.constant 0 : index
    tpu.barrier barrier_id(%barrier3A_54)
    %mul3A_55 = arith.constant 640 : i32
    %mul3A_56 = arith.muli %arg1, %mul3A_55 : i32
    %mul3A_57 = arith.constant 640 : i32
    %mul3A_58 = arith.muli %arg1, %mul3A_57 : i32
    "tpu.region"() ({
      %run_scoped3A = tpu.sem_alloc : memref<!tpu.dma_semaphore, #tpu.memory_space<semaphore_mem>>
      %dma_start3A_59 = arith.constant 0 : i32
      %dma_start3A_60 = tpu.memref_slice %arg5[%arg0, %mul3A_58, %dma_start3A_59] : memref<2x10240x128xf32, #tpu.memory_space<hbm>> -> memref<1x640x128xf32, #tpu.memory_space<hbm>>
      %dma_start3A_61 = tpu.memref_squeeze %dma_start3A_60 : memref<1x640x128xf32, #tpu.memory_space<hbm>> -> memref<640x128xf32, #tpu.memory_space<hbm>>
      %dma_start3A_62 = arith.constant 0 : i32
      %dma_start3A_63 = tpu.memref_slice %arg10[%mul3A_56, %dma_start3A_62] : memref<10240x128xf32, #tpu.memory_space<vmem_shared>> -> memref<640x128xf32, #tpu.memory_space<vmem_shared>>
      tpu.enqueue_dma source(%dma_start3A_63 : memref<640x128xf32, #tpu.memory_space<vmem_shared>>) target(%dma_start3A_61 : memref<640x128xf32, #tpu.memory_space<hbm>>) target_semaphore(%run_scoped3A : memref<!tpu.dma_semaphore, #tpu.memory_space<semaphore_mem>>)
      %dma_wait3A = arith.constant 0 : i32
      %dma_wait3A_64 = tpu.memref_slice %arg5[%arg0, %mul3A_58, %dma_wait3A] : memref<2x10240x128xf32, #tpu.memory_space<hbm>> -> memref<1x640x128xf32, #tpu.memory_space<hbm>>
      %dma_wait3A_65 = tpu.memref_squeeze %dma_wait3A_64 : memref<1x640x128xf32, #tpu.memory_space<hbm>> -> memref<640x128xf32, #tpu.memory_space<hbm>>
      %dma_wait3A_66 = arith.constant 0 : i32
      %dma_wait3A_67 = tpu.memref_slice %arg10[%mul3A_56, %dma_wait3A_66] : memref<10240x128xf32, #tpu.memory_space<vmem_shared>> -> memref<640x128xf32, #tpu.memory_space<vmem_shared>>
      tpu.wait_dma2 semaphore(%run_scoped3A : memref<!tpu.dma_semaphore, #tpu.memory_space<semaphore_mem>>) src(%dma_wait3A_67 : memref<640x128xf32, #tpu.memory_space<vmem_shared>>) dst(%dma_wait3A_65 : memref<640x128xf32, #tpu.memory_space<hbm>>)
      tpu.yield
    }) : () -> ()
    return
  }
}

#map = affine_map<(d0, d1) -> (0, 0, 0)>
#map1 = affine_map<(d0, d1) -> (0, 0)>
module attributes {stable_mosaic.version = 14 : i64} {
  func.func @_scatter_kernel(%arg0: i32, %arg1: i32, %arg2: memref<32x80x128xi32, #tpu.memory_space<hbm>>, %arg3: memref<32x80x128xi32, #tpu.memory_space<hbm>>, %arg4: memref<10240x128xf32, #tpu.memory_space<hbm>>, %arg5: memref<2x10240x128xf32, #tpu.memory_space<hbm>>, %arg6: memref<40x128xi32, #tpu.memory_space<vmem>>, %arg7: memref<40x128xi32, #tpu.memory_space<vmem>>, %arg8: memref<128x128xf32, #tpu.memory_space<vmem>>, %arg9: memref<128x128xf32, #tpu.memory_space<vmem>>, %arg10: memref<10240x128xf32, #tpu.memory_space<vmem_shared>>, %arg11: memref<!tpu.dma_semaphore, #tpu.memory_space<semaphore_mem>>, %arg12: memref<!tpu.dma_semaphore, #tpu.memory_space<semaphore_mem>>) attributes {dimension_semantics = [#tpu.dimension_semantics<core_parallel>, #tpu.dimension_semantics<subcore_parallel>], iteration_bounds = array<i64: 2, 16>, scalar_prefetch = 0 : i64, scratch_operands = 7 : i64, tpu.core_type = #tpu.core_type<sc_vector_subcore>, window_params = [{transform_indices = #map}, {transform_indices = #map}, {transform_indices = #map1}, {transform_indices = #map}]} {
    %mul3A = arith.constant 16 : i32
    %mul3A_0 = arith.muli %arg0, %mul3A : i32
    %add3A = arith.addi %mul3A_0, %arg1 : i32
    %scan3A = arith.constant 0 : i32
    %scan3A_1 = arith.constant 0 : i32
    %scan3A_2 = arith.constant 128 : i32
    %scan3A_3 = arith.addi %scan3A_1, %scan3A_2 : i32
    %scan3A_4 = arith.constant 1 : i32
    %scan3A_5 = scf.for %scan3A_59 = %scan3A_1 to %scan3A_3 step %scan3A_4 iter_args(%scan3A_60 = %scan3A) -> (i32)  : i32 {
      %broadcast_in_dim3A = arith.constant 0.000000e+00 : f32
      %broadcast_in_dim3A_61 = vector.broadcast %broadcast_in_dim3A : f32 to vector<16xf32>
      %swap3A = arith.index_cast %scan3A_59 : i32 to index
      %swap3A_62 = arith.constant 0 : index
      %swap3A_63 = tpu.vector_load %arg8[%swap3A, %swap3A_62] {strides = array<i32>} : memref<128x128xf32, #tpu.memory_space<vmem>>, vector<1x16xf32>,
      %swap3A_64 = vector.shape_cast %swap3A_63 : vector<1x16xf32> to vector<16xf32>
      %swap3A_65 = vector.shape_cast %broadcast_in_dim3A_61 : vector<16xf32> to vector<1x16xf32>
      tpu.vector_store %arg8[%swap3A, %swap3A_62], %swap3A_65 {strides = array<i32>} : memref<128x128xf32, #tpu.memory_space<vmem>>, vector<1x16xf32>,
      %broadcast_in_dim3A_66 = arith.constant 0.000000e+00 : f32
      %broadcast_in_dim3A_67 = vector.broadcast %broadcast_in_dim3A_66 : f32 to vector<16xf32>
      %swap3A_68 = arith.index_cast %scan3A_59 : i32 to index
      %swap3A_69 = arith.constant 16 : index
      %swap3A_70 = tpu.vector_load %arg8[%swap3A_68, %swap3A_69] {strides = array<i32>} : memref<128x128xf32, #tpu.memory_space<vmem>>, vector<1x16xf32>,
      %swap3A_71 = vector.shape_cast %swap3A_70 : vector<1x16xf32> to vector<16xf32>
      %swap3A_72 = vector.shape_cast %broadcast_in_dim3A_67 : vector<16xf32> to vector<1x16xf32>
      tpu.vector_store %arg8[%swap3A_68, %swap3A_69], %swap3A_72 {strides = array<i32>} : memref<128x128xf32, #tpu.memory_space<vmem>>, vector<1x16xf32>,
      %broadcast_in_dim3A_73 = arith.constant 0.000000e+00 : f32
      %broadcast_in_dim3A_74 = vector.broadcast %broadcast_in_dim3A_73 : f32 to vector<16xf32>
      %swap3A_75 = arith.index_cast %scan3A_59 : i32 to index
      %swap3A_76 = arith.constant 32 : index
      %swap3A_77 = tpu.vector_load %arg8[%swap3A_75, %swap3A_76] {strides = array<i32>} : memref<128x128xf32, #tpu.memory_space<vmem>>, vector<1x16xf32>,
      %swap3A_78 = vector.shape_cast %swap3A_77 : vector<1x16xf32> to vector<16xf32>
      %swap3A_79 = vector.shape_cast %broadcast_in_dim3A_74 : vector<16xf32> to vector<1x16xf32>
      tpu.vector_store %arg8[%swap3A_75, %swap3A_76], %swap3A_79 {strides = array<i32>} : memref<128x128xf32, #tpu.memory_space<vmem>>, vector<1x16xf32>,
      %broadcast_in_dim3A_80 = arith.constant 0.000000e+00 : f32
      %broadcast_in_dim3A_81 = vector.broadcast %broadcast_in_dim3A_80 : f32 to vector<16xf32>
      %swap3A_82 = arith.index_cast %scan3A_59 : i32 to index
      %swap3A_83 = arith.constant 48 : index
      %swap3A_84 = tpu.vector_load %arg8[%swap3A_82, %swap3A_83] {strides = array<i32>} : memref<128x128xf32, #tpu.memory_space<vmem>>, vector<1x16xf32>,
      %swap3A_85 = vector.shape_cast %swap3A_84 : vector<1x16xf32> to vector<16xf32>
      %swap3A_86 = vector.shape_cast %broadcast_in_dim3A_81 : vector<16xf32> to vector<1x16xf32>
      tpu.vector_store %arg8[%swap3A_82, %swap3A_83], %swap3A_86 {strides = array<i32>} : memref<128x128xf32, #tpu.memory_space<vmem>>, vector<1x16xf32>,
      %broadcast_in_dim3A_87 = arith.constant 0.000000e+00 : f32
      %broadcast_in_dim3A_88 = vector.broadcast %broadcast_in_dim3A_87 : f32 to vector<16xf32>
      %swap3A_89 = arith.index_cast %scan3A_59 : i32 to index
      %swap3A_90 = arith.constant 64 : index
      %swap3A_91 = tpu.vector_load %arg8[%swap3A_89, %swap3A_90] {strides = array<i32>} : memref<128x128xf32, #tpu.memory_space<vmem>>, vector<1x16xf32>,
      %swap3A_92 = vector.shape_cast %swap3A_91 : vector<1x16xf32> to vector<16xf32>
      %swap3A_93 = vector.shape_cast %broadcast_in_dim3A_88 : vector<16xf32> to vector<1x16xf32>
      tpu.vector_store %arg8[%swap3A_89, %swap3A_90], %swap3A_93 {strides = array<i32>} : memref<128x128xf32, #tpu.memory_space<vmem>>, vector<1x16xf32>,
      %broadcast_in_dim3A_94 = arith.constant 0.000000e+00 : f32
      %broadcast_in_dim3A_95 = vector.broadcast %broadcast_in_dim3A_94 : f32 to vector<16xf32>
      %swap3A_96 = arith.index_cast %scan3A_59 : i32 to index
      %swap3A_97 = arith.constant 80 : index
      %swap3A_98 = tpu.vector_load %arg8[%swap3A_96, %swap3A_97] {strides = array<i32>} : memref<128x128xf32, #tpu.memory_space<vmem>>, vector<1x16xf32>,
      %swap3A_99 = vector.shape_cast %swap3A_98 : vector<1x16xf32> to vector<16xf32>
      %swap3A_100 = vector.shape_cast %broadcast_in_dim3A_95 : vector<16xf32> to vector<1x16xf32>
      tpu.vector_store %arg8[%swap3A_96, %swap3A_97], %swap3A_100 {strides = array<i32>} : memref<128x128xf32, #tpu.memory_space<vmem>>, vector<1x16xf32>,
      %broadcast_in_dim3A_101 = arith.constant 0.000000e+00 : f32
      %broadcast_in_dim3A_102 = vector.broadcast %broadcast_in_dim3A_101 : f32 to vector<16xf32>
      %swap3A_103 = arith.index_cast %scan3A_59 : i32 to index
      %swap3A_104 = arith.constant 96 : index
      %swap3A_105 = tpu.vector_load %arg8[%swap3A_103, %swap3A_104] {strides = array<i32>} : memref<128x128xf32, #tpu.memory_space<vmem>>, vector<1x16xf32>,
      %swap3A_106 = vector.shape_cast %swap3A_105 : vector<1x16xf32> to vector<16xf32>
      %swap3A_107 = vector.shape_cast %broadcast_in_dim3A_102 : vector<16xf32> to vector<1x16xf32>
      tpu.vector_store %arg8[%swap3A_103, %swap3A_104], %swap3A_107 {strides = array<i32>} : memref<128x128xf32, #tpu.memory_space<vmem>>, vector<1x16xf32>,
      %broadcast_in_dim3A_108 = arith.constant 0.000000e+00 : f32
      %broadcast_in_dim3A_109 = vector.broadcast %broadcast_in_dim3A_108 : f32 to vector<16xf32>
      %swap3A_110 = arith.index_cast %scan3A_59 : i32 to index
      %swap3A_111 = arith.constant 112 : index
      %swap3A_112 = tpu.vector_load %arg8[%swap3A_110, %swap3A_111] {strides = array<i32>} : memref<128x128xf32, #tpu.memory_space<vmem>>, vector<1x16xf32>,
      %swap3A_113 = vector.shape_cast %swap3A_112 : vector<1x16xf32> to vector<16xf32>
      %swap3A_114 = vector.shape_cast %broadcast_in_dim3A_109 : vector<16xf32> to vector<1x16xf32>
      tpu.vector_store %arg8[%swap3A_110, %swap3A_111], %swap3A_114 {strides = array<i32>} : memref<128x128xf32, #tpu.memory_space<vmem>>, vector<1x16xf32>,
      %scan3A_115 = arith.constant 0 : i32
      scf.yield %scan3A_115 : i32
    }
    %scan3A_6 = arith.constant 128 : i32
    %mul3A_7 = arith.constant 640 : i32
    %mul3A_8 = arith.muli %arg1, %mul3A_7 : i32
    %add3A_9 = arith.constant 0 : i32
    %add3A_10 = arith.addi %mul3A_8, %add3A_9 : i32
    "tpu.region"() ({
      %run_scoped3A = tpu.sem_alloc : memref<!tpu.dma_semaphore, #tpu.memory_space<semaphore_mem>>
      %dma_start3A_59 = arith.constant 0 : i32
      %dma_start3A_60 = tpu.memref_slice %arg10[%add3A_10, %dma_start3A_59] : memref<10240x128xf32, #tpu.memory_space<vmem_shared>> -> memref<128x128xf32, #tpu.memory_space<vmem_shared>>
      %dma_start3A_61 = arith.constant 0 : i32
      %dma_start3A_62 = tpu.memref_slice %arg10[%add3A_10, %dma_start3A_61] : memref<10240x128xf32, #tpu.memory_space<vmem_shared>> -> memref<128x128xf32, #tpu.memory_space<vmem_shared>>
      tpu.enqueue_dma source(%arg8 : memref<128x128xf32, #tpu.memory_space<vmem>>) target(%dma_start3A_62 : memref<128x128xf32, #tpu.memory_space<vmem_shared>>) target_semaphore(%run_scoped3A : memref<!tpu.dma_semaphore, #tpu.memory_space<semaphore_mem>>)
      %dma_wait3A = arith.constant 0 : i32
      %dma_wait3A_63 = tpu.memref_slice %arg10[%add3A_10, %dma_wait3A] : memref<10240x128xf32, #tpu.memory_space<vmem_shared>> -> memref<128x128xf32, #tpu.memory_space<vmem_shared>>
      %dma_wait3A_64 = arith.constant 0 : i32
      %dma_wait3A_65 = tpu.memref_slice %arg10[%add3A_10, %dma_wait3A_64] : memref<10240x128xf32, #tpu.memory_space<vmem_shared>> -> memref<128x128xf32, #tpu.memory_space<vmem_shared>>
      tpu.wait_dma2 semaphore(%run_scoped3A : memref<!tpu.dma_semaphore, #tpu.memory_space<semaphore_mem>>) src(%arg8 : memref<128x128xf32, #tpu.memory_space<vmem>>) dst(%dma_wait3A_65 : memref<128x128xf32, #tpu.memory_space<vmem_shared>>)
      tpu.yield
    }) : () -> ()
    %mul3A_11 = arith.constant 640 : i32
    %mul3A_12 = arith.muli %arg1, %mul3A_11 : i32
    %add3A_13 = arith.constant 128 : i32
    %add3A_14 = arith.addi %mul3A_12, %add3A_13 : i32
    "tpu.region"() ({
      %run_scoped3A = tpu.sem_alloc : memref<!tpu.dma_semaphore, #tpu.memory_space<semaphore_mem>>
      %dma_start3A_59 = arith.constant 0 : i32
      %dma_start3A_60 = tpu.memref_slice %arg10[%add3A_14, %dma_start3A_59] : memref<10240x128xf32, #tpu.memory_space<vmem_shared>> -> memref<128x128xf32, #tpu.memory_space<vmem_shared>>
      %dma_start3A_61 = arith.constant 0 : i32
      %dma_start3A_62 = tpu.memref_slice %arg10[%add3A_14, %dma_start3A_61] : memref<10240x128xf32, #tpu.memory_space<vmem_shared>> -> memref<128x128xf32, #tpu.memory_space<vmem_shared>>
      tpu.enqueue_dma source(%arg8 : memref<128x128xf32, #tpu.memory_space<vmem>>) target(%dma_start3A_62 : memref<128x128xf32, #tpu.memory_space<vmem_shared>>) target_semaphore(%run_scoped3A : memref<!tpu.dma_semaphore, #tpu.memory_space<semaphore_mem>>)
      %dma_wait3A = arith.constant 0 : i32
      %dma_wait3A_63 = tpu.memref_slice %arg10[%add3A_14, %dma_wait3A] : memref<10240x128xf32, #tpu.memory_space<vmem_shared>> -> memref<128x128xf32, #tpu.memory_space<vmem_shared>>
      %dma_wait3A_64 = arith.constant 0 : i32
      %dma_wait3A_65 = tpu.memref_slice %arg10[%add3A_14, %dma_wait3A_64] : memref<10240x128xf32, #tpu.memory_space<vmem_shared>> -> memref<128x128xf32, #tpu.memory_space<vmem_shared>>
      tpu.wait_dma2 semaphore(%run_scoped3A : memref<!tpu.dma_semaphore, #tpu.memory_space<semaphore_mem>>) src(%arg8 : memref<128x128xf32, #tpu.memory_space<vmem>>) dst(%dma_wait3A_65 : memref<128x128xf32, #tpu.memory_space<vmem_shared>>)
      tpu.yield
    }) : () -> ()
    %mul3A_15 = arith.constant 640 : i32
    %mul3A_16 = arith.muli %arg1, %mul3A_15 : i32
    %add3A_17 = arith.constant 256 : i32
    %add3A_18 = arith.addi %mul3A_16, %add3A_17 : i32
    "tpu.region"() ({
      %run_scoped3A = tpu.sem_alloc : memref<!tpu.dma_semaphore, #tpu.memory_space<semaphore_mem>>
      %dma_start3A_59 = arith.constant 0 : i32
      %dma_start3A_60 = tpu.memref_slice %arg10[%add3A_18, %dma_start3A_59] : memref<10240x128xf32, #tpu.memory_space<vmem_shared>> -> memref<128x128xf32, #tpu.memory_space<vmem_shared>>
      %dma_start3A_61 = arith.constant 0 : i32
      %dma_start3A_62 = tpu.memref_slice %arg10[%add3A_18, %dma_start3A_61] : memref<10240x128xf32, #tpu.memory_space<vmem_shared>> -> memref<128x128xf32, #tpu.memory_space<vmem_shared>>
      tpu.enqueue_dma source(%arg8 : memref<128x128xf32, #tpu.memory_space<vmem>>) target(%dma_start3A_62 : memref<128x128xf32, #tpu.memory_space<vmem_shared>>) target_semaphore(%run_scoped3A : memref<!tpu.dma_semaphore, #tpu.memory_space<semaphore_mem>>)
      %dma_wait3A = arith.constant 0 : i32
      %dma_wait3A_63 = tpu.memref_slice %arg10[%add3A_18, %dma_wait3A] : memref<10240x128xf32, #tpu.memory_space<vmem_shared>> -> memref<128x128xf32, #tpu.memory_space<vmem_shared>>
      %dma_wait3A_64 = arith.constant 0 : i32
      %dma_wait3A_65 = tpu.memref_slice %arg10[%add3A_18, %dma_wait3A_64] : memref<10240x128xf32, #tpu.memory_space<vmem_shared>> -> memref<128x128xf32, #tpu.memory_space<vmem_shared>>
      tpu.wait_dma2 semaphore(%run_scoped3A : memref<!tpu.dma_semaphore, #tpu.memory_space<semaphore_mem>>) src(%arg8 : memref<128x128xf32, #tpu.memory_space<vmem>>) dst(%dma_wait3A_65 : memref<128x128xf32, #tpu.memory_space<vmem_shared>>)
      tpu.yield
    }) : () -> ()
    %mul3A_19 = arith.constant 640 : i32
    %mul3A_20 = arith.muli %arg1, %mul3A_19 : i32
    %add3A_21 = arith.constant 384 : i32
    %add3A_22 = arith.addi %mul3A_20, %add3A_21 : i32
    "tpu.region"() ({
      %run_scoped3A = tpu.sem_alloc : memref<!tpu.dma_semaphore, #tpu.memory_space<semaphore_mem>>
      %dma_start3A_59 = arith.constant 0 : i32
      %dma_start3A_60 = tpu.memref_slice %arg10[%add3A_22, %dma_start3A_59] : memref<10240x128xf32, #tpu.memory_space<vmem_shared>> -> memref<128x128xf32, #tpu.memory_space<vmem_shared>>
      %dma_start3A_61 = arith.constant 0 : i32
      %dma_start3A_62 = tpu.memref_slice %arg10[%add3A_22, %dma_start3A_61] : memref<10240x128xf32, #tpu.memory_space<vmem_shared>> -> memref<128x128xf32, #tpu.memory_space<vmem_shared>>
      tpu.enqueue_dma source(%arg8 : memref<128x128xf32, #tpu.memory_space<vmem>>) target(%dma_start3A_62 : memref<128x128xf32, #tpu.memory_space<vmem_shared>>) target_semaphore(%run_scoped3A : memref<!tpu.dma_semaphore, #tpu.memory_space<semaphore_mem>>)
      %dma_wait3A = arith.constant 0 : i32
      %dma_wait3A_63 = tpu.memref_slice %arg10[%add3A_22, %dma_wait3A] : memref<10240x128xf32, #tpu.memory_space<vmem_shared>> -> memref<128x128xf32, #tpu.memory_space<vmem_shared>>
      %dma_wait3A_64 = arith.constant 0 : i32
      %dma_wait3A_65 = tpu.memref_slice %arg10[%add3A_22, %dma_wait3A_64] : memref<10240x128xf32, #tpu.memory_space<vmem_shared>> -> memref<128x128xf32, #tpu.memory_space<vmem_shared>>
      tpu.wait_dma2 semaphore(%run_scoped3A : memref<!tpu.dma_semaphore, #tpu.memory_space<semaphore_mem>>) src(%arg8 : memref<128x128xf32, #tpu.memory_space<vmem>>) dst(%dma_wait3A_65 : memref<128x128xf32, #tpu.memory_space<vmem_shared>>)
      tpu.yield
    }) : () -> ()
    %mul3A_23 = arith.constant 640 : i32
    %mul3A_24 = arith.muli %arg1, %mul3A_23 : i32
    %add3A_25 = arith.constant 512 : i32
    %add3A_26 = arith.addi %mul3A_24, %add3A_25 : i32
    "tpu.region"() ({
      %run_scoped3A = tpu.sem_alloc : memref<!tpu.dma_semaphore, #tpu.memory_space<semaphore_mem>>
      %dma_start3A_59 = arith.constant 0 : i32
      %dma_start3A_60 = tpu.memref_slice %arg10[%add3A_26, %dma_start3A_59] : memref<10240x128xf32, #tpu.memory_space<vmem_shared>> -> memref<128x128xf32, #tpu.memory_space<vmem_shared>>
      %dma_start3A_61 = arith.constant 0 : i32
      %dma_start3A_62 = tpu.memref_slice %arg10[%add3A_26, %dma_start3A_61] : memref<10240x128xf32, #tpu.memory_space<vmem_shared>> -> memref<128x128xf32, #tpu.memory_space<vmem_shared>>
      tpu.enqueue_dma source(%arg8 : memref<128x128xf32, #tpu.memory_space<vmem>>) target(%dma_start3A_62 : memref<128x128xf32, #tpu.memory_space<vmem_shared>>) target_semaphore(%run_scoped3A : memref<!tpu.dma_semaphore, #tpu.memory_space<semaphore_mem>>)
      %dma_wait3A = arith.constant 0 : i32
      %dma_wait3A_63 = tpu.memref_slice %arg10[%add3A_26, %dma_wait3A] : memref<10240x128xf32, #tpu.memory_space<vmem_shared>> -> memref<128x128xf32, #tpu.memory_space<vmem_shared>>
      %dma_wait3A_64 = arith.constant 0 : i32
      %dma_wait3A_65 = tpu.memref_slice %arg10[%add3A_26, %dma_wait3A_64] : memref<10240x128xf32, #tpu.memory_space<vmem_shared>> -> memref<128x128xf32, #tpu.memory_space<vmem_shared>>
      tpu.wait_dma2 semaphore(%run_scoped3A : memref<!tpu.dma_semaphore, #tpu.memory_space<semaphore_mem>>) src(%arg8 : memref<128x128xf32, #tpu.memory_space<vmem>>) dst(%dma_wait3A_65 : memref<128x128xf32, #tpu.memory_space<vmem_shared>>)
      tpu.yield
    }) : () -> ()
    %barrier3A = arith.constant 0 : index
    tpu.barrier barrier_id(%barrier3A)
    "tpu.region"() ({
      %run_scoped3A = tpu.sem_alloc : memref<!tpu.dma_semaphore, #tpu.memory_space<semaphore_mem>>
      %dma_start3A_59 = arith.constant 0 : i32
      %dma_start3A_60 = arith.constant 0 : i32
      %dma_start3A_61 = tpu.memref_slice %arg2[%add3A, %dma_start3A_59, %dma_start3A_60] : memref<32x80x128xi32, #tpu.memory_space<hbm>> -> memref<1x40x128xi32, #tpu.memory_space<hbm>>
      %dma_start3A_62 = tpu.memref_squeeze %dma_start3A_61 : memref<1x40x128xi32, #tpu.memory_space<hbm>> -> memref<40x128xi32, #tpu.memory_space<hbm>>
      %dma_start3A_63 = arith.constant 0 : i32
      %dma_start3A_64 = arith.constant 0 : i32
      %dma_start3A_65 = tpu.memref_slice %arg2[%add3A, %dma_start3A_63, %dma_start3A_64] : memref<32x80x128xi32, #tpu.memory_space<hbm>> -> memref<1x40x128xi32, #tpu.memory_space<hbm>>
      %dma_start3A_66 = tpu.memref_squeeze %dma_start3A_65 : memref<1x40x128xi32, #tpu.memory_space<hbm>> -> memref<40x128xi32, #tpu.memory_space<hbm>>
      tpu.enqueue_dma source(%dma_start3A_66 : memref<40x128xi32, #tpu.memory_space<hbm>>) target(%arg6 : memref<40x128xi32, #tpu.memory_space<vmem>>) target_semaphore(%run_scoped3A : memref<!tpu.dma_semaphore, #tpu.memory_space<semaphore_mem>>)
      %dma_wait3A = arith.constant 0 : i32
      %dma_wait3A_67 = arith.constant 0 : i32
      %dma_wait3A_68 = tpu.memref_slice %arg2[%add3A, %dma_wait3A, %dma_wait3A_67] : memref<32x80x128xi32, #tpu.memory_space<hbm>> -> memref<1x40x128xi32, #tpu.memory_space<hbm>>
      %dma_wait3A_69 = tpu.memref_squeeze %dma_wait3A_68 : memref<1x40x128xi32, #tpu.memory_space<hbm>> -> memref<40x128xi32, #tpu.memory_space<hbm>>
      %dma_wait3A_70 = arith.constant 0 : i32
      %dma_wait3A_71 = arith.constant 0 : i32
      %dma_wait3A_72 = tpu.memref_slice %arg2[%add3A, %dma_wait3A_70, %dma_wait3A_71] : memref<32x80x128xi32, #tpu.memory_space<hbm>> -> memref<1x40x128xi32, #tpu.memory_space<hbm>>
      %dma_wait3A_73 = tpu.memref_squeeze %dma_wait3A_72 : memref<1x40x128xi32, #tpu.memory_space<hbm>> -> memref<40x128xi32, #tpu.memory_space<hbm>>
      tpu.wait_dma2 semaphore(%run_scoped3A : memref<!tpu.dma_semaphore, #tpu.memory_space<semaphore_mem>>) src(%dma_wait3A_73 : memref<40x128xi32, #tpu.memory_space<hbm>>) dst(%arg6 : memref<40x128xi32, #tpu.memory_space<vmem>>)
      tpu.yield
    }) : () -> ()
    "tpu.region"() ({
      %run_scoped3A = tpu.sem_alloc : memref<!tpu.dma_semaphore, #tpu.memory_space<semaphore_mem>>
      %dma_start3A_59 = arith.constant 0 : i32
      %dma_start3A_60 = arith.constant 0 : i32
      %dma_start3A_61 = tpu.memref_slice %arg3[%add3A, %dma_start3A_59, %dma_start3A_60] : memref<32x80x128xi32, #tpu.memory_space<hbm>> -> memref<1x40x128xi32, #tpu.memory_space<hbm>>
      %dma_start3A_62 = tpu.memref_squeeze %dma_start3A_61 : memref<1x40x128xi32, #tpu.memory_space<hbm>> -> memref<40x128xi32, #tpu.memory_space<hbm>>
      %dma_start3A_63 = arith.constant 0 : i32
      %dma_start3A_64 = arith.constant 0 : i32
      %dma_start3A_65 = tpu.memref_slice %arg3[%add3A, %dma_start3A_63, %dma_start3A_64] : memref<32x80x128xi32, #tpu.memory_space<hbm>> -> memref<1x40x128xi32, #tpu.memory_space<hbm>>
      %dma_start3A_66 = tpu.memref_squeeze %dma_start3A_65 : memref<1x40x128xi32, #tpu.memory_space<hbm>> -> memref<40x128xi32, #tpu.memory_space<hbm>>
      tpu.enqueue_dma source(%dma_start3A_66 : memref<40x128xi32, #tpu.memory_space<hbm>>) target(%arg7 : memref<40x128xi32, #tpu.memory_space<vmem>>) target_semaphore(%run_scoped3A : memref<!tpu.dma_semaphore, #tpu.memory_space<semaphore_mem>>)
      %dma_wait3A = arith.constant 0 : i32
      %dma_wait3A_67 = arith.constant 0 : i32
      %dma_wait3A_68 = tpu.memref_slice %arg3[%add3A, %dma_wait3A, %dma_wait3A_67] : memref<32x80x128xi32, #tpu.memory_space<hbm>> -> memref<1x40x128xi32, #tpu.memory_space<hbm>>
      %dma_wait3A_69 = tpu.memref_squeeze %dma_wait3A_68 : memref<1x40x128xi32, #tpu.memory_space<hbm>> -> memref<40x128xi32, #tpu.memory_space<hbm>>
      %dma_wait3A_70 = arith.constant 0 : i32
      %dma_wait3A_71 = arith.constant 0 : i32
      %dma_wait3A_72 = tpu.memref_slice %arg3[%add3A, %dma_wait3A_70, %dma_wait3A_71] : memref<32x80x128xi32, #tpu.memory_space<hbm>> -> memref<1x40x128xi32, #tpu.memory_space<hbm>>
      %dma_wait3A_73 = tpu.memref_squeeze %dma_wait3A_72 : memref<1x40x128xi32, #tpu.memory_space<hbm>> -> memref<40x128xi32, #tpu.memory_space<hbm>>
      tpu.wait_dma2 semaphore(%run_scoped3A : memref<!tpu.dma_semaphore, #tpu.memory_space<semaphore_mem>>) src(%dma_wait3A_73 : memref<40x128xi32, #tpu.memory_space<hbm>>) dst(%arg7 : memref<40x128xi32, #tpu.memory_space<vmem>>)
      tpu.yield
    }) : () -> ()
    %dma_start3A = arith.constant 0 : i32
    %dma_start3A_27 = arith.constant 0 : i32
    %dma_start3A_28 = tpu.memref_slice %arg6[%dma_start3A, %dma_start3A_27] : memref<40x128xi32, #tpu.memory_space<vmem>> -> memref<1x128xi32, #tpu.memory_space<vmem>>
    %dma_start3A_29 = tpu.memref_squeeze %dma_start3A_28 : memref<1x128xi32, #tpu.memory_space<vmem>> -> memref<128xi32, #tpu.memory_space<vmem>>
    %dma_start3A_30 = arith.constant 0 : i32
    %dma_start3A_31 = arith.constant 0 : i32
    %dma_start3A_32 = tpu.memref_slice %arg4[%dma_start3A_30, %dma_start3A_31] : memref<10240x128xf32, #tpu.memory_space<hbm>> -> memref<10240x128xf32, #tpu.memory_space<hbm>>
    tpu.enqueue_indirect_dma source(%dma_start3A_32 : memref<10240x128xf32, #tpu.memory_space<hbm>>) target(%arg8 : memref<128x128xf32, #tpu.memory_space<vmem>>) offsets(%dma_start3A_29 : memref<128xi32, #tpu.memory_space<vmem>>) semaphore(%arg11 : memref<!tpu.dma_semaphore, #tpu.memory_space<semaphore_mem>>)
    %scan3A_33 = arith.constant 0 : i32
    %scan3A_34 = arith.constant 0 : i32
    %scan3A_35 = arith.constant 20 : i32
    %scan3A_36 = arith.addi %scan3A_34, %scan3A_35 : i32
    %scan3A_37 = arith.constant 1 : i32
    %scan3A_38 = scf.for %scan3A_59 = %scan3A_34 to %scan3A_36 step %scan3A_37 iter_args(%scan3A_60 = %scan3A_33) -> (i32)  : i32 {
      %mul3A_61 = arith.constant 2 : i32
      %mul3A_62 = arith.muli %mul3A_61, %scan3A_59 : i32
      %add3A_63 = arith.constant 1 : i32
      %add3A_64 = arith.addi %mul3A_62, %add3A_63 : i32
      %dma_start3A_65 = arith.constant 0 : i32
      %dma_start3A_66 = tpu.memref_slice %arg6[%add3A_64, %dma_start3A_65] : memref<40x128xi32, #tpu.memory_space<vmem>> -> memref<1x128xi32, #tpu.memory_space<vmem>>
      %dma_start3A_67 = tpu.memref_squeeze %dma_start3A_66 : memref<1x128xi32, #tpu.memory_space<vmem>> -> memref<128xi32, #tpu.memory_space<vmem>>
      %dma_start3A_68 = arith.constant 0 : i32
      %dma_start3A_69 = arith.constant 0 : i32
      %dma_start3A_70 = tpu.memref_slice %arg4[%dma_start3A_68, %dma_start3A_69] : memref<10240x128xf32, #tpu.memory_space<hbm>> -> memref<10240x128xf32, #tpu.memory_space<hbm>>
      tpu.enqueue_indirect_dma source(%dma_start3A_70 : memref<10240x128xf32, #tpu.memory_space<hbm>>) target(%arg9 : memref<128x128xf32, #tpu.memory_space<vmem>>) offsets(%dma_start3A_67 : memref<128xi32, #tpu.memory_space<vmem>>) semaphore(%arg12 : memref<!tpu.dma_semaphore, #tpu.memory_space<semaphore_mem>>)
      %mul3A_71 = arith.constant 2 : i32
      %mul3A_72 = arith.muli %mul3A_71, %scan3A_59 : i32
      %dma_wait3A = arith.constant 0 : i32
      %dma_wait3A_73 = tpu.memref_slice %arg6[%mul3A_72, %dma_wait3A] : memref<40x128xi32, #tpu.memory_space<vmem>> -> memref<1x128xi32, #tpu.memory_space<vmem>>
      %dma_wait3A_74 = tpu.memref_squeeze %dma_wait3A_73 : memref<1x128xi32, #tpu.memory_space<vmem>> -> memref<128xi32, #tpu.memory_space<vmem>>
      %dma_wait3A_75 = arith.constant 0 : i32
      %dma_wait3A_76 = arith.constant 0 : i32
      %dma_wait3A_77 = tpu.memref_slice %arg4[%dma_wait3A_75, %dma_wait3A_76] : memref<10240x128xf32, #tpu.memory_space<hbm>> -> memref<10240x128xf32, #tpu.memory_space<hbm>>
      tpu.wait_indirect_dma semaphore(%arg11 : memref<!tpu.dma_semaphore, #tpu.memory_space<semaphore_mem>>) src(%dma_wait3A_77 : memref<10240x128xf32, #tpu.memory_space<hbm>>) dst(%arg8 : memref<128x128xf32, #tpu.memory_space<vmem>>)
      %mul3A_78 = arith.constant 2 : i32
      %mul3A_79 = arith.muli %mul3A_78, %scan3A_59 : i32
      "tpu.region"() ({
        %run_scoped3A = tpu.sem_alloc : memref<!tpu.dma_semaphore, #tpu.memory_space<semaphore_mem>>
        %dma_start3A_97 = arith.constant 0 : i32
        %dma_start3A_98 = tpu.memref_slice %arg7[%mul3A_79, %dma_start3A_97] : memref<40x128xi32, #tpu.memory_space<vmem>> -> memref<1x128xi32, #tpu.memory_space<vmem>>
        %dma_start3A_99 = tpu.memref_squeeze %dma_start3A_98 : memref<1x128xi32, #tpu.memory_space<vmem>> -> memref<128xi32, #tpu.memory_space<vmem>>
        %dma_start3A_100 = arith.constant 0 : i32
        %dma_start3A_101 = arith.constant 0 : i32
        %dma_start3A_102 = tpu.memref_slice %arg10[%dma_start3A_100, %dma_start3A_101] : memref<10240x128xf32, #tpu.memory_space<vmem_shared>> -> memref<10240x128xf32, #tpu.memory_space<vmem_shared>>
        tpu.enqueue_indirect_dma source(%arg8 : memref<128x128xf32, #tpu.memory_space<vmem>>) target(%dma_start3A_102 : memref<10240x128xf32, #tpu.memory_space<vmem_shared>>) offsets(%dma_start3A_99 : memref<128xi32, #tpu.memory_space<vmem>>) semaphore(%run_scoped3A : memref<!tpu.dma_semaphore, #tpu.memory_space<semaphore_mem>>) {add = true}
        %dma_wait3A_103 = arith.constant 0 : i32
        %dma_wait3A_104 = tpu.memref_slice %arg7[%mul3A_79, %dma_wait3A_103] : memref<40x128xi32, #tpu.memory_space<vmem>> -> memref<1x128xi32, #tpu.memory_space<vmem>>
        %dma_wait3A_105 = tpu.memref_squeeze %dma_wait3A_104 : memref<1x128xi32, #tpu.memory_space<vmem>> -> memref<128xi32, #tpu.memory_space<vmem>>
        %dma_wait3A_106 = arith.constant 0 : i32
        %dma_wait3A_107 = arith.constant 0 : i32
        %dma_wait3A_108 = tpu.memref_slice %arg10[%dma_wait3A_106, %dma_wait3A_107] : memref<10240x128xf32, #tpu.memory_space<vmem_shared>> -> memref<10240x128xf32, #tpu.memory_space<vmem_shared>>
        tpu.wait_indirect_dma semaphore(%run_scoped3A : memref<!tpu.dma_semaphore, #tpu.memory_space<semaphore_mem>>) src(%arg8 : memref<128x128xf32, #tpu.memory_space<vmem>>) dst(%dma_wait3A_108 : memref<10240x128xf32, #tpu.memory_space<vmem_shared>>)
        tpu.yield
      }) : () -> ()
      %lt3A = arith.constant 19 : i32
      %lt3A_80 = arith.cmpi slt, %scan3A_59, %lt3A : i32
      %convert_element_type3A = arith.extui %lt3A_80 : i1 to i32
      %cond3A = arith.constant 0 : i32
      %cond3A_81 = arith.cmpi ne, %convert_element_type3A, %cond3A : i32
      scf.if %cond3A_81 {
        %mul3A_97 = arith.constant 2 : i32
        %mul3A_98 = arith.muli %mul3A_97, %scan3A_59 : i32
        %add3A_99 = arith.constant 2 : i32
        %add3A_100 = arith.addi %mul3A_98, %add3A_99 : i32
        %dma_start3A_101 = arith.constant 0 : i32
        %dma_start3A_102 = tpu.memref_slice %arg6[%add3A_100, %dma_start3A_101] : memref<40x128xi32, #tpu.memory_space<vmem>> -> memref<1x128xi32, #tpu.memory_space<vmem>>
        %dma_start3A_103 = tpu.memref_squeeze %dma_start3A_102 : memref<1x128xi32, #tpu.memory_space<vmem>> -> memref<128xi32, #tpu.memory_space<vmem>>
        %dma_start3A_104 = arith.constant 0 : i32
        %dma_start3A_105 = arith.constant 0 : i32
        %dma_start3A_106 = tpu.memref_slice %arg4[%dma_start3A_104, %dma_start3A_105] : memref<10240x128xf32, #tpu.memory_space<hbm>> -> memref<10240x128xf32, #tpu.memory_space<hbm>>
        tpu.enqueue_indirect_dma source(%dma_start3A_106 : memref<10240x128xf32, #tpu.memory_space<hbm>>) target(%arg8 : memref<128x128xf32, #tpu.memory_space<vmem>>) offsets(%dma_start3A_103 : memref<128xi32, #tpu.memory_space<vmem>>) semaphore(%arg11 : memref<!tpu.dma_semaphore, #tpu.memory_space<semaphore_mem>>)
      } else {
      }
      %mul3A_82 = arith.constant 2 : i32
      %mul3A_83 = arith.muli %mul3A_82, %scan3A_59 : i32
      %add3A_84 = arith.constant 1 : i32
      %add3A_85 = arith.addi %mul3A_83, %add3A_84 : i32
      %dma_wait3A_86 = arith.constant 0 : i32
      %dma_wait3A_87 = tpu.memref_slice %arg6[%add3A_85, %dma_wait3A_86] : memref<40x128xi32, #tpu.memory_space<vmem>> -> memref<1x128xi32, #tpu.memory_space<vmem>>
      %dma_wait3A_88 = tpu.memref_squeeze %dma_wait3A_87 : memref<1x128xi32, #tpu.memory_space<vmem>> -> memref<128xi32, #tpu.memory_space<vmem>>
      %dma_wait3A_89 = arith.constant 0 : i32
      %dma_wait3A_90 = arith.constant 0 : i32
      %dma_wait3A_91 = tpu.memref_slice %arg4[%dma_wait3A_89, %dma_wait3A_90] : memref<10240x128xf32, #tpu.memory_space<hbm>> -> memref<10240x128xf32, #tpu.memory_space<hbm>>
      tpu.wait_indirect_dma semaphore(%arg12 : memref<!tpu.dma_semaphore, #tpu.memory_space<semaphore_mem>>) src(%dma_wait3A_91 : memref<10240x128xf32, #tpu.memory_space<hbm>>) dst(%arg9 : memref<128x128xf32, #tpu.memory_space<vmem>>)
      %mul3A_92 = arith.constant 2 : i32
      %mul3A_93 = arith.muli %mul3A_92, %scan3A_59 : i32
      %add3A_94 = arith.constant 1 : i32
      %add3A_95 = arith.addi %mul3A_93, %add3A_94 : i32
      "tpu.region"() ({
        %run_scoped3A = tpu.sem_alloc : memref<!tpu.dma_semaphore, #tpu.memory_space<semaphore_mem>>
        %dma_start3A_97 = arith.constant 0 : i32
        %dma_start3A_98 = tpu.memref_slice %arg7[%add3A_95, %dma_start3A_97] : memref<40x128xi32, #tpu.memory_space<vmem>> -> memref<1x128xi32, #tpu.memory_space<vmem>>
        %dma_start3A_99 = tpu.memref_squeeze %dma_start3A_98 : memref<1x128xi32, #tpu.memory_space<vmem>> -> memref<128xi32, #tpu.memory_space<vmem>>
        %dma_start3A_100 = arith.constant 0 : i32
        %dma_start3A_101 = arith.constant 0 : i32
        %dma_start3A_102 = tpu.memref_slice %arg10[%dma_start3A_100, %dma_start3A_101] : memref<10240x128xf32, #tpu.memory_space<vmem_shared>> -> memref<10240x128xf32, #tpu.memory_space<vmem_shared>>
        tpu.enqueue_indirect_dma source(%arg9 : memref<128x128xf32, #tpu.memory_space<vmem>>) target(%dma_start3A_102 : memref<10240x128xf32, #tpu.memory_space<vmem_shared>>) offsets(%dma_start3A_99 : memref<128xi32, #tpu.memory_space<vmem>>) semaphore(%run_scoped3A : memref<!tpu.dma_semaphore, #tpu.memory_space<semaphore_mem>>) {add = true}
        %dma_wait3A_103 = arith.constant 0 : i32
        %dma_wait3A_104 = tpu.memref_slice %arg7[%add3A_95, %dma_wait3A_103] : memref<40x128xi32, #tpu.memory_space<vmem>> -> memref<1x128xi32, #tpu.memory_space<vmem>>
        %dma_wait3A_105 = tpu.memref_squeeze %dma_wait3A_104 : memref<1x128xi32, #tpu.memory_space<vmem>> -> memref<128xi32, #tpu.memory_space<vmem>>
        %dma_wait3A_106 = arith.constant 0 : i32
        %dma_wait3A_107 = arith.constant 0 : i32
        %dma_wait3A_108 = tpu.memref_slice %arg10[%dma_wait3A_106, %dma_wait3A_107] : memref<10240x128xf32, #tpu.memory_space<vmem_shared>> -> memref<10240x128xf32, #tpu.memory_space<vmem_shared>>
        tpu.wait_indirect_dma semaphore(%run_scoped3A : memref<!tpu.dma_semaphore, #tpu.memory_space<semaphore_mem>>) src(%arg9 : memref<128x128xf32, #tpu.memory_space<vmem>>) dst(%dma_wait3A_108 : memref<10240x128xf32, #tpu.memory_space<vmem_shared>>)
        tpu.yield
      }) : () -> ()
      %scan3A_96 = arith.constant 0 : i32
      scf.yield %scan3A_96 : i32
    }
    %scan3A_39 = arith.constant 20 : i32
    "tpu.region"() ({
      %run_scoped3A = tpu.sem_alloc : memref<!tpu.dma_semaphore, #tpu.memory_space<semaphore_mem>>
      %dma_start3A_59 = arith.constant 40 : i32
      %dma_start3A_60 = arith.constant 0 : i32
      %dma_start3A_61 = tpu.memref_slice %arg2[%add3A, %dma_start3A_59, %dma_start3A_60] : memref<32x80x128xi32, #tpu.memory_space<hbm>> -> memref<1x40x128xi32, #tpu.memory_space<hbm>>
      %dma_start3A_62 = tpu.memref_squeeze %dma_start3A_61 : memref<1x40x128xi32, #tpu.memory_space<hbm>> -> memref<40x128xi32, #tpu.memory_space<hbm>>
      %dma_start3A_63 = arith.constant 40 : i32
      %dma_start3A_64 = arith.constant 0 : i32
      %dma_start3A_65 = tpu.memref_slice %arg2[%add3A, %dma_start3A_63, %dma_start3A_64] : memref<32x80x128xi32, #tpu.memory_space<hbm>> -> memref<1x40x128xi32, #tpu.memory_space<hbm>>
      %dma_start3A_66 = tpu.memref_squeeze %dma_start3A_65 : memref<1x40x128xi32, #tpu.memory_space<hbm>> -> memref<40x128xi32, #tpu.memory_space<hbm>>
      tpu.enqueue_dma source(%dma_start3A_66 : memref<40x128xi32, #tpu.memory_space<hbm>>) target(%arg6 : memref<40x128xi32, #tpu.memory_space<vmem>>) target_semaphore(%run_scoped3A : memref<!tpu.dma_semaphore, #tpu.memory_space<semaphore_mem>>)
      %dma_wait3A = arith.constant 40 : i32
      %dma_wait3A_67 = arith.constant 0 : i32
      %dma_wait3A_68 = tpu.memref_slice %arg2[%add3A, %dma_wait3A, %dma_wait3A_67] : memref<32x80x128xi32, #tpu.memory_space<hbm>> -> memref<1x40x128xi32, #tpu.memory_space<hbm>>
      %dma_wait3A_69 = tpu.memref_squeeze %dma_wait3A_68 : memref<1x40x128xi32, #tpu.memory_space<hbm>> -> memref<40x128xi32, #tpu.memory_space<hbm>>
      %dma_wait3A_70 = arith.constant 40 : i32
      %dma_wait3A_71 = arith.constant 0 : i32
      %dma_wait3A_72 = tpu.memref_slice %arg2[%add3A, %dma_wait3A_70, %dma_wait3A_71] : memref<32x80x128xi32, #tpu.memory_space<hbm>> -> memref<1x40x128xi32, #tpu.memory_space<hbm>>
      %dma_wait3A_73 = tpu.memref_squeeze %dma_wait3A_72 : memref<1x40x128xi32, #tpu.memory_space<hbm>> -> memref<40x128xi32, #tpu.memory_space<hbm>>
      tpu.wait_dma2 semaphore(%run_scoped3A : memref<!tpu.dma_semaphore, #tpu.memory_space<semaphore_mem>>) src(%dma_wait3A_73 : memref<40x128xi32, #tpu.memory_space<hbm>>) dst(%arg6 : memref<40x128xi32, #tpu.memory_space<vmem>>)
      tpu.yield
    }) : () -> ()
    "tpu.region"() ({
      %run_scoped3A = tpu.sem_alloc : memref<!tpu.dma_semaphore, #tpu.memory_space<semaphore_mem>>
      %dma_start3A_59 = arith.constant 40 : i32
      %dma_start3A_60 = arith.constant 0 : i32
      %dma_start3A_61 = tpu.memref_slice %arg3[%add3A, %dma_start3A_59, %dma_start3A_60] : memref<32x80x128xi32, #tpu.memory_space<hbm>> -> memref<1x40x128xi32, #tpu.memory_space<hbm>>
      %dma_start3A_62 = tpu.memref_squeeze %dma_start3A_61 : memref<1x40x128xi32, #tpu.memory_space<hbm>> -> memref<40x128xi32, #tpu.memory_space<hbm>>
      %dma_start3A_63 = arith.constant 40 : i32
      %dma_start3A_64 = arith.constant 0 : i32
      %dma_start3A_65 = tpu.memref_slice %arg3[%add3A, %dma_start3A_63, %dma_start3A_64] : memref<32x80x128xi32, #tpu.memory_space<hbm>> -> memref<1x40x128xi32, #tpu.memory_space<hbm>>
      %dma_start3A_66 = tpu.memref_squeeze %dma_start3A_65 : memref<1x40x128xi32, #tpu.memory_space<hbm>> -> memref<40x128xi32, #tpu.memory_space<hbm>>
      tpu.enqueue_dma source(%dma_start3A_66 : memref<40x128xi32, #tpu.memory_space<hbm>>) target(%arg7 : memref<40x128xi32, #tpu.memory_space<vmem>>) target_semaphore(%run_scoped3A : memref<!tpu.dma_semaphore, #tpu.memory_space<semaphore_mem>>)
      %dma_wait3A = arith.constant 40 : i32
      %dma_wait3A_67 = arith.constant 0 : i32
      %dma_wait3A_68 = tpu.memref_slice %arg3[%add3A, %dma_wait3A, %dma_wait3A_67] : memref<32x80x128xi32, #tpu.memory_space<hbm>> -> memref<1x40x128xi32, #tpu.memory_space<hbm>>
      %dma_wait3A_69 = tpu.memref_squeeze %dma_wait3A_68 : memref<1x40x128xi32, #tpu.memory_space<hbm>> -> memref<40x128xi32, #tpu.memory_space<hbm>>
      %dma_wait3A_70 = arith.constant 40 : i32
      %dma_wait3A_71 = arith.constant 0 : i32
      %dma_wait3A_72 = tpu.memref_slice %arg3[%add3A, %dma_wait3A_70, %dma_wait3A_71] : memref<32x80x128xi32, #tpu.memory_space<hbm>> -> memref<1x40x128xi32, #tpu.memory_space<hbm>>
      %dma_wait3A_73 = tpu.memref_squeeze %dma_wait3A_72 : memref<1x40x128xi32, #tpu.memory_space<hbm>> -> memref<40x128xi32, #tpu.memory_space<hbm>>
      tpu.wait_dma2 semaphore(%run_scoped3A : memref<!tpu.dma_semaphore, #tpu.memory_space<semaphore_mem>>) src(%dma_wait3A_73 : memref<40x128xi32, #tpu.memory_space<hbm>>) dst(%arg7 : memref<40x128xi32, #tpu.memory_space<vmem>>)
      tpu.yield
    }) : () -> ()
    %dma_start3A_40 = arith.constant 0 : i32
    %dma_start3A_41 = arith.constant 0 : i32
    %dma_start3A_42 = tpu.memref_slice %arg6[%dma_start3A_40, %dma_start3A_41] : memref<40x128xi32, #tpu.memory_space<vmem>> -> memref<1x128xi32, #tpu.memory_space<vmem>>
    %dma_start3A_43 = tpu.memref_squeeze %dma_start3A_42 : memref<1x128xi32, #tpu.memory_space<vmem>> -> memref<128xi32, #tpu.memory_space<vmem>>
    %dma_start3A_44 = arith.constant 0 : i32
    %dma_start3A_45 = arith.constant 0 : i32
    %dma_start3A_46 = tpu.memref_slice %arg4[%dma_start3A_44, %dma_start3A_45] : memref<10240x128xf32, #tpu.memory_space<hbm>> -> memref<10240x128xf32, #tpu.memory_space<hbm>>
    tpu.enqueue_indirect_dma source(%dma_start3A_46 : memref<10240x128xf32, #tpu.memory_space<hbm>>) target(%arg8 : memref<128x128xf32, #tpu.memory_space<vmem>>) offsets(%dma_start3A_43 : memref<128xi32, #tpu.memory_space<vmem>>) semaphore(%arg11 : memref<!tpu.dma_semaphore, #tpu.memory_space<semaphore_mem>>)
    %scan3A_47 = arith.constant 0 : i32
    %scan3A_48 = arith.constant 0 : i32
    %scan3A_49 = arith.constant 20 : i32
    %scan3A_50 = arith.addi %scan3A_48, %scan3A_49 : i32
    %scan3A_51 = arith.constant 1 : i32
    %scan3A_52 = scf.for %scan3A_59 = %scan3A_48 to %scan3A_50 step %scan3A_51 iter_args(%scan3A_60 = %scan3A_47) -> (i32)  : i32 {
      %mul3A_61 = arith.constant 2 : i32
      %mul3A_62 = arith.muli %mul3A_61, %scan3A_59 : i32
      %add3A_63 = arith.constant 1 : i32
      %add3A_64 = arith.addi %mul3A_62, %add3A_63 : i32
      %dma_start3A_65 = arith.constant 0 : i32
      %dma_start3A_66 = tpu.memref_slice %arg6[%add3A_64, %dma_start3A_65] : memref<40x128xi32, #tpu.memory_space<vmem>> -> memref<1x128xi32, #tpu.memory_space<vmem>>
      %dma_start3A_67 = tpu.memref_squeeze %dma_start3A_66 : memref<1x128xi32, #tpu.memory_space<vmem>> -> memref<128xi32, #tpu.memory_space<vmem>>
      %dma_start3A_68 = arith.constant 0 : i32
      %dma_start3A_69 = arith.constant 0 : i32
      %dma_start3A_70 = tpu.memref_slice %arg4[%dma_start3A_68, %dma_start3A_69] : memref<10240x128xf32, #tpu.memory_space<hbm>> -> memref<10240x128xf32, #tpu.memory_space<hbm>>
      tpu.enqueue_indirect_dma source(%dma_start3A_70 : memref<10240x128xf32, #tpu.memory_space<hbm>>) target(%arg9 : memref<128x128xf32, #tpu.memory_space<vmem>>) offsets(%dma_start3A_67 : memref<128xi32, #tpu.memory_space<vmem>>) semaphore(%arg12 : memref<!tpu.dma_semaphore, #tpu.memory_space<semaphore_mem>>)
      %mul3A_71 = arith.constant 2 : i32
      %mul3A_72 = arith.muli %mul3A_71, %scan3A_59 : i32
      %dma_wait3A = arith.constant 0 : i32
      %dma_wait3A_73 = tpu.memref_slice %arg6[%mul3A_72, %dma_wait3A] : memref<40x128xi32, #tpu.memory_space<vmem>> -> memref<1x128xi32, #tpu.memory_space<vmem>>
      %dma_wait3A_74 = tpu.memref_squeeze %dma_wait3A_73 : memref<1x128xi32, #tpu.memory_space<vmem>> -> memref<128xi32, #tpu.memory_space<vmem>>
      %dma_wait3A_75 = arith.constant 0 : i32
      %dma_wait3A_76 = arith.constant 0 : i32
      %dma_wait3A_77 = tpu.memref_slice %arg4[%dma_wait3A_75, %dma_wait3A_76] : memref<10240x128xf32, #tpu.memory_space<hbm>> -> memref<10240x128xf32, #tpu.memory_space<hbm>>
      tpu.wait_indirect_dma semaphore(%arg11 : memref<!tpu.dma_semaphore, #tpu.memory_space<semaphore_mem>>) src(%dma_wait3A_77 : memref<10240x128xf32, #tpu.memory_space<hbm>>) dst(%arg8 : memref<128x128xf32, #tpu.memory_space<vmem>>)
      %mul3A_78 = arith.constant 2 : i32
      %mul3A_79 = arith.muli %mul3A_78, %scan3A_59 : i32
      "tpu.region"() ({
        %run_scoped3A = tpu.sem_alloc : memref<!tpu.dma_semaphore, #tpu.memory_space<semaphore_mem>>
        %dma_start3A_97 = arith.constant 0 : i32
        %dma_start3A_98 = tpu.memref_slice %arg7[%mul3A_79, %dma_start3A_97] : memref<40x128xi32, #tpu.memory_space<vmem>> -> memref<1x128xi32, #tpu.memory_space<vmem>>
        %dma_start3A_99 = tpu.memref_squeeze %dma_start3A_98 : memref<1x128xi32, #tpu.memory_space<vmem>> -> memref<128xi32, #tpu.memory_space<vmem>>
        %dma_start3A_100 = arith.constant 0 : i32
        %dma_start3A_101 = arith.constant 0 : i32
        %dma_start3A_102 = tpu.memref_slice %arg10[%dma_start3A_100, %dma_start3A_101] : memref<10240x128xf32, #tpu.memory_space<vmem_shared>> -> memref<10240x128xf32, #tpu.memory_space<vmem_shared>>
        tpu.enqueue_indirect_dma source(%arg8 : memref<128x128xf32, #tpu.memory_space<vmem>>) target(%dma_start3A_102 : memref<10240x128xf32, #tpu.memory_space<vmem_shared>>) offsets(%dma_start3A_99 : memref<128xi32, #tpu.memory_space<vmem>>) semaphore(%run_scoped3A : memref<!tpu.dma_semaphore, #tpu.memory_space<semaphore_mem>>) {add = true}
        %dma_wait3A_103 = arith.constant 0 : i32
        %dma_wait3A_104 = tpu.memref_slice %arg7[%mul3A_79, %dma_wait3A_103] : memref<40x128xi32, #tpu.memory_space<vmem>> -> memref<1x128xi32, #tpu.memory_space<vmem>>
        %dma_wait3A_105 = tpu.memref_squeeze %dma_wait3A_104 : memref<1x128xi32, #tpu.memory_space<vmem>> -> memref<128xi32, #tpu.memory_space<vmem>>
        %dma_wait3A_106 = arith.constant 0 : i32
        %dma_wait3A_107 = arith.constant 0 : i32
        %dma_wait3A_108 = tpu.memref_slice %arg10[%dma_wait3A_106, %dma_wait3A_107] : memref<10240x128xf32, #tpu.memory_space<vmem_shared>> -> memref<10240x128xf32, #tpu.memory_space<vmem_shared>>
        tpu.wait_indirect_dma semaphore(%run_scoped3A : memref<!tpu.dma_semaphore, #tpu.memory_space<semaphore_mem>>) src(%arg8 : memref<128x128xf32, #tpu.memory_space<vmem>>) dst(%dma_wait3A_108 : memref<10240x128xf32, #tpu.memory_space<vmem_shared>>)
        tpu.yield
      }) : () -> ()
      %lt3A = arith.constant 19 : i32
      %lt3A_80 = arith.cmpi slt, %scan3A_59, %lt3A : i32
      %convert_element_type3A = arith.extui %lt3A_80 : i1 to i32
      %cond3A = arith.constant 0 : i32
      %cond3A_81 = arith.cmpi ne, %convert_element_type3A, %cond3A : i32
      scf.if %cond3A_81 {
        %mul3A_97 = arith.constant 2 : i32
        %mul3A_98 = arith.muli %mul3A_97, %scan3A_59 : i32
        %add3A_99 = arith.constant 2 : i32
        %add3A_100 = arith.addi %mul3A_98, %add3A_99 : i32
        %dma_start3A_101 = arith.constant 0 : i32
        %dma_start3A_102 = tpu.memref_slice %arg6[%add3A_100, %dma_start3A_101] : memref<40x128xi32, #tpu.memory_space<vmem>> -> memref<1x128xi32, #tpu.memory_space<vmem>>
        %dma_start3A_103 = tpu.memref_squeeze %dma_start3A_102 : memref<1x128xi32, #tpu.memory_space<vmem>> -> memref<128xi32, #tpu.memory_space<vmem>>
        %dma_start3A_104 = arith.constant 0 : i32
        %dma_start3A_105 = arith.constant 0 : i32
        %dma_start3A_106 = tpu.memref_slice %arg4[%dma_start3A_104, %dma_start3A_105] : memref<10240x128xf32, #tpu.memory_space<hbm>> -> memref<10240x128xf32, #tpu.memory_space<hbm>>
        tpu.enqueue_indirect_dma source(%dma_start3A_106 : memref<10240x128xf32, #tpu.memory_space<hbm>>) target(%arg8 : memref<128x128xf32, #tpu.memory_space<vmem>>) offsets(%dma_start3A_103 : memref<128xi32, #tpu.memory_space<vmem>>) semaphore(%arg11 : memref<!tpu.dma_semaphore, #tpu.memory_space<semaphore_mem>>)
      } else {
      }
      %mul3A_82 = arith.constant 2 : i32
      %mul3A_83 = arith.muli %mul3A_82, %scan3A_59 : i32
      %add3A_84 = arith.constant 1 : i32
      %add3A_85 = arith.addi %mul3A_83, %add3A_84 : i32
      %dma_wait3A_86 = arith.constant 0 : i32
      %dma_wait3A_87 = tpu.memref_slice %arg6[%add3A_85, %dma_wait3A_86] : memref<40x128xi32, #tpu.memory_space<vmem>> -> memref<1x128xi32, #tpu.memory_space<vmem>>
      %dma_wait3A_88 = tpu.memref_squeeze %dma_wait3A_87 : memref<1x128xi32, #tpu.memory_space<vmem>> -> memref<128xi32, #tpu.memory_space<vmem>>
      %dma_wait3A_89 = arith.constant 0 : i32
      %dma_wait3A_90 = arith.constant 0 : i32
      %dma_wait3A_91 = tpu.memref_slice %arg4[%dma_wait3A_89, %dma_wait3A_90] : memref<10240x128xf32, #tpu.memory_space<hbm>> -> memref<10240x128xf32, #tpu.memory_space<hbm>>
      tpu.wait_indirect_dma semaphore(%arg12 : memref<!tpu.dma_semaphore, #tpu.memory_space<semaphore_mem>>) src(%dma_wait3A_91 : memref<10240x128xf32, #tpu.memory_space<hbm>>) dst(%arg9 : memref<128x128xf32, #tpu.memory_space<vmem>>)
      %mul3A_92 = arith.constant 2 : i32
      %mul3A_93 = arith.muli %mul3A_92, %scan3A_59 : i32
      %add3A_94 = arith.constant 1 : i32
      %add3A_95 = arith.addi %mul3A_93, %add3A_94 : i32
      "tpu.region"() ({
        %run_scoped3A = tpu.sem_alloc : memref<!tpu.dma_semaphore, #tpu.memory_space<semaphore_mem>>
        %dma_start3A_97 = arith.constant 0 : i32
        %dma_start3A_98 = tpu.memref_slice %arg7[%add3A_95, %dma_start3A_97] : memref<40x128xi32, #tpu.memory_space<vmem>> -> memref<1x128xi32, #tpu.memory_space<vmem>>
        %dma_start3A_99 = tpu.memref_squeeze %dma_start3A_98 : memref<1x128xi32, #tpu.memory_space<vmem>> -> memref<128xi32, #tpu.memory_space<vmem>>
        %dma_start3A_100 = arith.constant 0 : i32
        %dma_start3A_101 = arith.constant 0 : i32
        %dma_start3A_102 = tpu.memref_slice %arg10[%dma_start3A_100, %dma_start3A_101] : memref<10240x128xf32, #tpu.memory_space<vmem_shared>> -> memref<10240x128xf32, #tpu.memory_space<vmem_shared>>
        tpu.enqueue_indirect_dma source(%arg9 : memref<128x128xf32, #tpu.memory_space<vmem>>) target(%dma_start3A_102 : memref<10240x128xf32, #tpu.memory_space<vmem_shared>>) offsets(%dma_start3A_99 : memref<128xi32, #tpu.memory_space<vmem>>) semaphore(%run_scoped3A : memref<!tpu.dma_semaphore, #tpu.memory_space<semaphore_mem>>) {add = true}
        %dma_wait3A_103 = arith.constant 0 : i32
        %dma_wait3A_104 = tpu.memref_slice %arg7[%add3A_95, %dma_wait3A_103] : memref<40x128xi32, #tpu.memory_space<vmem>> -> memref<1x128xi32, #tpu.memory_space<vmem>>
        %dma_wait3A_105 = tpu.memref_squeeze %dma_wait3A_104 : memref<1x128xi32, #tpu.memory_space<vmem>> -> memref<128xi32, #tpu.memory_space<vmem>>
        %dma_wait3A_106 = arith.constant 0 : i32
        %dma_wait3A_107 = arith.constant 0 : i32
        %dma_wait3A_108 = tpu.memref_slice %arg10[%dma_wait3A_106, %dma_wait3A_107] : memref<10240x128xf32, #tpu.memory_space<vmem_shared>> -> memref<10240x128xf32, #tpu.memory_space<vmem_shared>>
        tpu.wait_indirect_dma semaphore(%run_scoped3A : memref<!tpu.dma_semaphore, #tpu.memory_space<semaphore_mem>>) src(%arg9 : memref<128x128xf32, #tpu.memory_space<vmem>>) dst(%dma_wait3A_108 : memref<10240x128xf32, #tpu.memory_space<vmem_shared>>)
        tpu.yield
      }) : () -> ()
      %scan3A_96 = arith.constant 0 : i32
      scf.yield %scan3A_96 : i32
    }
    %scan3A_53 = arith.constant 20 : i32
    %barrier3A_54 = arith.constant 0 : index
    tpu.barrier barrier_id(%barrier3A_54)
    %mul3A_55 = arith.constant 640 : i32
    %mul3A_56 = arith.muli %arg1, %mul3A_55 : i32
    %mul3A_57 = arith.constant 640 : i32
    %mul3A_58 = arith.muli %arg1, %mul3A_57 : i32
    "tpu.region"() ({
      %run_scoped3A = tpu.sem_alloc : memref<!tpu.dma_semaphore, #tpu.memory_space<semaphore_mem>>
      %dma_start3A_59 = arith.constant 0 : i32
      %dma_start3A_60 = tpu.memref_slice %arg5[%arg0, %mul3A_58, %dma_start3A_59] : memref<2x10240x128xf32, #tpu.memory_space<hbm>> -> memref<1x640x128xf32, #tpu.memory_space<hbm>>
      %dma_start3A_61 = tpu.memref_squeeze %dma_start3A_60 : memref<1x640x128xf32, #tpu.memory_space<hbm>> -> memref<640x128xf32, #tpu.memory_space<hbm>>
      %dma_start3A_62 = arith.constant 0 : i32
      %dma_start3A_63 = tpu.memref_slice %arg10[%mul3A_56, %dma_start3A_62] : memref<10240x128xf32, #tpu.memory_space<vmem_shared>> -> memref<640x128xf32, #tpu.memory_space<vmem_shared>>
      tpu.enqueue_dma source(%dma_start3A_63 : memref<640x128xf32, #tpu.memory_space<vmem_shared>>) target(%dma_start3A_61 : memref<640x128xf32, #tpu.memory_space<hbm>>) target_semaphore(%run_scoped3A : memref<!tpu.dma_semaphore, #tpu.memory_space<semaphore_mem>>)
      %dma_wait3A = arith.constant 0 : i32
      %dma_wait3A_64 = tpu.memref_slice %arg5[%arg0, %mul3A_58, %dma_wait3A] : memref<2x10240x128xf32, #tpu.memory_space<hbm>> -> memref<1x640x128xf32, #tpu.memory_space<hbm>>
      %dma_wait3A_65 = tpu.memref_squeeze %dma_wait3A_64 : memref<1x640x128xf32, #tpu.memory_space<hbm>> -> memref<640x128xf32, #tpu.memory_space<hbm>>
      %dma_wait3A_66 = arith.constant 0 : i32
      %dma_wait3A_67 = tpu.memref_slice %arg10[%mul3A_56, %dma_wait3A_66] : memref<10240x128xf32, #tpu.memory_space<vmem_shared>> -> memref<640x128xf32, #tpu.memory_space<vmem_shared>>
      tpu.wait_dma2 semaphore(%run_scoped3A : memref<!tpu.dma_semaphore, #tpu.memory_space<semaphore_mem>>) src(%dma_wait3A_67 : memref<640x128xf32, #tpu.memory_space<vmem_shared>>) dst(%dma_wait3A_65 : memref<640x128xf32, #tpu.memory_space<hbm>>)
      tpu.yield
    }) : () -> ()
    return
  }
}

module attributes {stable_mosaic.version = 14 : i64} {
  func.func @_tc_a(%arg0: i32, %arg1: memref<1024x128xf32, #tpu.memory_space<vmem>>, %arg2: memref<128x128xf32, #tpu.memory_space<vmem>>, %arg3: memref<1024x32xf32, #tpu.memory_space<vmem>>, %arg4: memref<1024x128xf32, #tpu.memory_space<vmem>>, %arg5: memref<1024x128xf32, #tpu.memory_space<vmem>>) attributes {dimension_semantics = [#tpu.dimension_semantics<arbitrary>], iteration_bounds = array<i64: 10>, scalar_prefetch = 0 : i64, scratch_operands = 0 : i64, tpu.core_type = #tpu.core_type<tc>, window_params = [{transform_indices = @transform_0, window_bounds = array<i64: 1024, 128>}, {pipeline_mode = #tpu.pipeline_mode<synchronous>, transform_indices = @transform_1, window_bounds = array<i64: 128, 128>}, {transform_indices = @transform_2, window_bounds = array<i64: 1024, 32>}, {transform_indices = @transform_3, window_bounds = array<i64: 1024, 128>}, {transform_indices = @transform_4, window_bounds = array<i64: 1024, 128>}]} {
    %get3A = arith.constant 0 : index
    %get3A_0 = arith.constant 0 : index
    %get3A_1 = vector.load %arg3[%get3A, %get3A_0] : memref<1024x32xf32, #tpu.memory_space<vmem>>, vector<1024x32xf32>
    %reduce_sum3A = arith.constant dense<0.000000e+00> : vector<1024xf32>
    %reduce_sum3A_2 = vector.multi_reduction <add>, %get3A_1, %reduce_sum3A [1] : vector<1024x32xf32> to vector<1024xf32>
    %broadcast_in_dim3A = vector.shape_cast %reduce_sum3A_2 : vector<1024xf32> to vector<1024x1xf32>
    %add3A = arith.constant 1.000000e+00 : f32
    %add3A_3 = vector.broadcast %add3A : f32 to vector<1024x1xf32>
    %add3A_4 = arith.addf %broadcast_in_dim3A, %add3A_3 : vector<1024x1xf32>
    %rsqrt3A = math.rsqrt %add3A_4 : vector<1024x1xf32>
    %get3A_5 = arith.constant 0 : index
    %get3A_6 = arith.constant 0 : index
    %get3A_7 = vector.load %arg1[%get3A_5, %get3A_6] : memref<1024x128xf32, #tpu.memory_space<vmem>>, vector<1024x128xf32>
    %get3A_8 = arith.constant 0 : index
    %get3A_9 = arith.constant 0 : index
    %get3A_10 = vector.load %arg2[%get3A_8, %get3A_9] : memref<128x128xf32, #tpu.memory_space<vmem>>, vector<128x128xf32>
    %dot_general3A = arith.constant dense<0.000000e+00> : vector<1024x128xf32>
    %dot_general3A_11 = tpu.matmul %get3A_7, %get3A_10, %dot_general3A {dimension_numbers = #tpu.dot_dimension_numbers<[1], [0], [0], [1], [0, 0, 1, 1], [], []>, transpose_lhs_hint = false} : vector<1024x128xf32>, vector<128x128xf32>, vector<1024x128xf32> -> vector<1024x128xf32>
    %mul3A = vector.broadcast %rsqrt3A : vector<1024x1xf32> to vector<1024x128xf32>
    %mul3A_12 = arith.mulf %dot_general3A_11, %mul3A : vector<1024x128xf32>
    %swap3A = arith.constant 0 : index
    %swap3A_13 = arith.constant 0 : index
    %swap3A_14 = vector.load %arg4[%swap3A, %swap3A_13] : memref<1024x128xf32, #tpu.memory_space<vmem>>, vector<1024x128xf32>
    tpu.vector_store %arg4[%swap3A, %swap3A_13], %mul3A_12 {strides = array<i32>} : memref<1024x128xf32, #tpu.memory_space<vmem>>, vector<1024x128xf32>,
    %broadcast_in_dim3A_15 = vector.shape_cast %rsqrt3A : vector<1024x1xf32> to vector<1024x1xf32>
    %broadcast_in_dim3A_16 = vector.broadcast %broadcast_in_dim3A_15 : vector<1024x1xf32> to vector<1024x128xf32>
    %swap3A_17 = arith.constant 0 : index
    %swap3A_18 = arith.constant 0 : index
    %swap3A_19 = vector.load %arg5[%swap3A_17, %swap3A_18] : memref<1024x128xf32, #tpu.memory_space<vmem>>, vector<1024x128xf32>
    tpu.vector_store %arg5[%swap3A_17, %swap3A_18], %broadcast_in_dim3A_16 {strides = array<i32>} : memref<1024x128xf32, #tpu.memory_space<vmem>>, vector<1024x128xf32>,
    return
  }
  func.func @transform_0(%arg0: i32) -> (i32, i32) {
    %c0_i32 = arith.constant 0 : i32
    %c0_i32_0 = arith.constant 0 : i32
    return %arg0, %c0_i32 : i32, i32
  }
  func.func @transform_1(%arg0: i32) -> (i32, i32) {
    %c0_i32 = arith.constant 0 : i32
    %c0_i32_0 = arith.constant 0 : i32
    %c0_i32_1 = arith.constant 0 : i32
    return %c0_i32, %c0_i32_0 : i32, i32
  }
  func.func @transform_2(%arg0: i32) -> (i32, i32) {
    %c0_i32 = arith.constant 0 : i32
    %c0_i32_0 = arith.constant 0 : i32
    return %arg0, %c0_i32 : i32, i32
  }
  func.func @transform_3(%arg0: i32) -> (i32, i32) {
    %c0_i32 = arith.constant 0 : i32
    %c0_i32_0 = arith.constant 0 : i32
    return %arg0, %c0_i32 : i32, i32
  }
  func.func @transform_4(%arg0: i32) -> (i32, i32) {
    %c0_i32 = arith.constant 0 : i32
    %c0_i32_0 = arith.constant 0 : i32
    return %arg0, %c0_i32 : i32, i32
  }
}

module attributes {stable_mosaic.version = 14 : i64} {
  func.func @_tc_b(%arg0: i32, %arg1: memref<1024x128xf32, #tpu.memory_space<vmem>>, %arg2: memref<1024x128xf32, #tpu.memory_space<vmem>>, %arg3: memref<1024x128xf32, #tpu.memory_space<vmem>>, %arg4: memref<1024x128xf32, #tpu.memory_space<vmem>>, %arg5: memref<1x128xf32, #tpu.memory_space<vmem>>, %arg6: memref<128x128xf32, #tpu.memory_space<vmem>>, %arg7: memref<1024x128xf32, #tpu.memory_space<vmem>>) attributes {dimension_semantics = [#tpu.dimension_semantics<arbitrary>], iteration_bounds = array<i64: 10>, scalar_prefetch = 0 : i64, scratch_operands = 0 : i64, tpu.core_type = #tpu.core_type<tc>, window_params = [{transform_indices = @transform_0, window_bounds = array<i64: 1024, 128>}, {transform_indices = @transform_1, window_bounds = array<i64: 1024, 128>}, {transform_indices = @transform_2, window_bounds = array<i64: 1024, 128>}, {transform_indices = @transform_3, window_bounds = array<i64: 1024, 128>}, {pipeline_mode = #tpu.pipeline_mode<synchronous>, transform_indices = @transform_4, window_bounds = array<i64: 1, 128>}, {pipeline_mode = #tpu.pipeline_mode<synchronous>, transform_indices = @transform_5, window_bounds = array<i64: 128, 128>}, {transform_indices = @transform_6, window_bounds = array<i64: 1024, 128>}]} {
    %get3A = arith.constant 0 : index
    %get3A_0 = arith.constant 0 : index
    %get3A_1 = vector.load %arg1[%get3A, %get3A_0] : memref<1024x128xf32, #tpu.memory_space<vmem>>, vector<1024x128xf32>
    %get3A_2 = arith.constant 0 : index
    %get3A_3 = arith.constant 0 : index
    %get3A_4 = vector.load %arg2[%get3A_2, %get3A_3] : memref<1024x128xf32, #tpu.memory_space<vmem>>, vector<1024x128xf32>
    %add3A = arith.addf %get3A_1, %get3A_4 : vector<1024x128xf32>
    %get3A_5 = arith.constant 0 : index
    %get3A_6 = arith.constant 0 : index
    %get3A_7 = vector.load %arg3[%get3A_5, %get3A_6] : memref<1024x128xf32, #tpu.memory_space<vmem>>, vector<1024x128xf32>
    %add3A_8 = arith.addf %add3A, %get3A_7 : vector<1024x128xf32>
    %get3A_9 = arith.constant 0 : index
    %get3A_10 = arith.constant 0 : index
    %get3A_11 = vector.load %arg4[%get3A_9, %get3A_10] : memref<1024x128xf32, #tpu.memory_space<vmem>>, vector<1024x128xf32>
    %mul3A = arith.mulf %add3A_8, %get3A_11 : vector<1024x128xf32>
    %get3A_12 = arith.constant 0 : index
    %get3A_13 = arith.constant 0 : index
    %get3A_14 = vector.load %arg5[%get3A_12, %get3A_13] : memref<1x128xf32, #tpu.memory_space<vmem>>, vector<1x128xf32>
    %add3A_15 = vector.broadcast %get3A_14 : vector<1x128xf32> to vector<1024x128xf32>
    %add3A_16 = arith.addf %mul3A, %add3A_15 : vector<1024x128xf32>
    %max3A = arith.constant 0.000000e+00 : f32
    %max3A_17 = vector.broadcast %max3A : f32 to vector<1024x128xf32>
    %max3A_18 = arith.maximumf %add3A_16, %max3A_17 : vector<1024x128xf32>
    %get3A_19 = arith.constant 0 : index
    %get3A_20 = arith.constant 0 : index
    %get3A_21 = vector.load %arg6[%get3A_19, %get3A_20] : memref<128x128xf32, #tpu.memory_space<vmem>>, vector<128x128xf32>
    %dot_general3A = arith.constant dense<0.000000e+00> : vector<1024x128xf32>
    %dot_general3A_22 = tpu.matmul %max3A_18, %get3A_21, %dot_general3A {dimension_numbers = #tpu.dot_dimension_numbers<[1], [0], [0], [1], [0, 0, 1, 1], [], []>, transpose_lhs_hint = false} : vector<1024x128xf32>, vector<128x128xf32>, vector<1024x128xf32> -> vector<1024x128xf32>
    %get3A_23 = arith.constant 0 : index
    %get3A_24 = arith.constant 0 : index
    %get3A_25 = vector.load %arg4[%get3A_23, %get3A_24] : memref<1024x128xf32, #tpu.memory_space<vmem>>, vector<1024x128xf32>
    %mul3A_26 = arith.mulf %dot_general3A_22, %get3A_25 : vector<1024x128xf32>
    %swap3A = arith.constant 0 : index
    %swap3A_27 = arith.constant 0 : index
    %swap3A_28 = vector.load %arg7[%swap3A, %swap3A_27] : memref<1024x128xf32, #tpu.memory_space<vmem>>, vector<1024x128xf32>
    tpu.vector_store %arg7[%swap3A, %swap3A_27], %mul3A_26 {strides = array<i32>} : memref<1024x128xf32, #tpu.memory_space<vmem>>, vector<1024x128xf32>,
    return
  }
  func.func @transform_0(%arg0: i32) -> (i32, i32) {
    %c0_i32 = arith.constant 0 : i32
    %c0_i32_0 = arith.constant 0 : i32
    return %arg0, %c0_i32 : i32, i32
  }
  func.func @transform_1(%arg0: i32) -> (i32, i32) {
    %c0_i32 = arith.constant 0 : i32
    %c0_i32_0 = arith.constant 0 : i32
    return %arg0, %c0_i32 : i32, i32
  }
  func.func @transform_2(%arg0: i32) -> (i32, i32) {
    %c0_i32 = arith.constant 0 : i32
    %c0_i32_0 = arith.constant 0 : i32
    return %arg0, %c0_i32 : i32, i32
  }
  func.func @transform_3(%arg0: i32) -> (i32, i32) {
    %c0_i32 = arith.constant 0 : i32
    %c0_i32_0 = arith.constant 0 : i32
    return %arg0, %c0_i32 : i32, i32
  }
  func.func @transform_4(%arg0: i32) -> (i32, i32) {
    %c0_i32 = arith.constant 0 : i32
    %c0_i32_0 = arith.constant 0 : i32
    %c0_i32_1 = arith.constant 0 : i32
    return %c0_i32, %c0_i32_0 : i32, i32
  }
  func.func @transform_5(%arg0: i32) -> (i32, i32) {
    %c0_i32 = arith.constant 0 : i32
    %c0_i32_0 = arith.constant 0 : i32
    %c0_i32_1 = arith.constant 0 : i32
    return %c0_i32, %c0_i32_0 : i32, i32
  }
  func.func @transform_6(%arg0: i32) -> (i32, i32) {
    %c0_i32 = arith.constant 0 : i32
    %c0_i32_0 = arith.constant 0 : i32
    return %arg0, %c0_i32 : i32, i32
  }
}

module attributes {stable_mosaic.version = 14 : i64} {
  func.func @_tc_c(%arg0: i32, %arg1: memref<1024x128xf32, #tpu.memory_space<vmem>>, %arg2: memref<1024x128xf32, #tpu.memory_space<vmem>>, %arg3: memref<1024x128xf32, #tpu.memory_space<vmem>>, %arg4: memref<1024x128xf32, #tpu.memory_space<vmem>>, %arg5: memref<1x128xf32, #tpu.memory_space<vmem>>, %arg6: memref<1024x1xi32, #tpu.memory_space<vmem>>, %arg7: memref<64x128xf32, #tpu.memory_space<vmem>>) attributes {dimension_semantics = [#tpu.dimension_semantics<arbitrary>], iteration_bounds = array<i64: 10>, scalar_prefetch = 0 : i64, scratch_operands = 0 : i64, tpu.core_type = #tpu.core_type<tc>, window_params = [{transform_indices = @transform_0, window_bounds = array<i64: 1024, 128>}, {transform_indices = @transform_1, window_bounds = array<i64: 1024, 128>}, {transform_indices = @transform_2, window_bounds = array<i64: 1024, 128>}, {transform_indices = @transform_3, window_bounds = array<i64: 1024, 128>}, {pipeline_mode = #tpu.pipeline_mode<synchronous>, transform_indices = @transform_4, window_bounds = array<i64: 1, 128>}, {transform_indices = @transform_5, window_bounds = array<i64: 1024, 1>}, {pipeline_mode = #tpu.pipeline_mode<synchronous>, transform_indices = @transform_6, window_bounds = array<i64: 64, 128>}]} {
    %get3A = arith.constant 0 : index
    %get3A_0 = arith.constant 0 : index
    %get3A_1 = vector.load %arg1[%get3A, %get3A_0] : memref<1024x128xf32, #tpu.memory_space<vmem>>, vector<1024x128xf32>
    %get3A_2 = arith.constant 0 : index
    %get3A_3 = arith.constant 0 : index
    %get3A_4 = vector.load %arg2[%get3A_2, %get3A_3] : memref<1024x128xf32, #tpu.memory_space<vmem>>, vector<1024x128xf32>
    %add3A = arith.addf %get3A_1, %get3A_4 : vector<1024x128xf32>
    %get3A_5 = arith.constant 0 : index
    %get3A_6 = arith.constant 0 : index
    %get3A_7 = vector.load %arg3[%get3A_5, %get3A_6] : memref<1024x128xf32, #tpu.memory_space<vmem>>, vector<1024x128xf32>
    %add3A_8 = arith.addf %add3A, %get3A_7 : vector<1024x128xf32>
    %get3A_9 = arith.constant 0 : index
    %get3A_10 = arith.constant 0 : index
    %get3A_11 = vector.load %arg4[%get3A_9, %get3A_10] : memref<1024x128xf32, #tpu.memory_space<vmem>>, vector<1024x128xf32>
    %mul3A = arith.mulf %add3A_8, %get3A_11 : vector<1024x128xf32>
    %get3A_12 = arith.constant 0 : index
    %get3A_13 = arith.constant 0 : index
    %get3A_14 = vector.load %arg5[%get3A_12, %get3A_13] : memref<1x128xf32, #tpu.memory_space<vmem>>, vector<1x128xf32>
    %add3A_15 = vector.broadcast %get3A_14 : vector<1x128xf32> to vector<1024x128xf32>
    %add3A_16 = arith.addf %mul3A, %add3A_15 : vector<1024x128xf32>
    %get3A_17 = arith.constant 0 : index
    %get3A_18 = arith.constant 0 : index
    %get3A_19 = vector.load %arg6[%get3A_17, %get3A_18] : memref<1024x1xi32, #tpu.memory_space<vmem>>, vector<1024x1xi32>
    %iota3A = tpu.iota {dimensions = array<i32: 1>} : vector<1024x64xi32>
    %eq3A = vector.broadcast %get3A_19 : vector<1024x1xi32> to vector<1024x64xi32>
    %eq3A_20 = arith.cmpi eq, %eq3A, %iota3A : vector<1024x64xi32>
    %convert_element_type3A = arith.extui %eq3A_20 : vector<1024x64xi1> to vector<1024x64xi32>
    %convert_element_type3A_21 = arith.sitofp %convert_element_type3A : vector<1024x64xi32> to vector<1024x64xf32>
    %dot_general3A = arith.constant dense<0.000000e+00> : vector<64x128xf32>
    %dot_general3A_22 = tpu.matmul %convert_element_type3A_21, %add3A_16, %dot_general3A {dimension_numbers = #tpu.dot_dimension_numbers<[0], [0], [1], [1], [0, 1, 1, 1], [], []>, transpose_lhs_hint = false} : vector<1024x64xf32>, vector<1024x128xf32>, vector<64x128xf32> -> vector<64x128xf32>
    %eq3A_23 = arith.constant 0 : i32
    %eq3A_24 = arith.cmpi eq, %arg0, %eq3A_23 : i32
    %convert_element_type3A_25 = arith.extui %eq3A_24 : i1 to i32
    %cond3A = arith.constant 0 : i32
    %cond3A_26 = arith.cmpi ne, %convert_element_type3A_25, %cond3A : i32
    scf.if %cond3A_26 {
      %broadcast_in_dim3A = arith.constant 0.000000e+00 : f32
      %broadcast_in_dim3A_33 = vector.broadcast %broadcast_in_dim3A : f32 to vector<64x128xf32>
      %swap3A_34 = arith.constant 0 : index
      %swap3A_35 = arith.constant 0 : index
      %swap3A_36 = vector.load %arg7[%swap3A_34, %swap3A_35] : memref<64x128xf32, #tpu.memory_space<vmem>>, vector<64x128xf32>
      tpu.vector_store %arg7[%swap3A_34, %swap3A_35], %broadcast_in_dim3A_33 {strides = array<i32>} : memref<64x128xf32, #tpu.memory_space<vmem>>, vector<64x128xf32>,
    } else {
    }
    %get3A_27 = arith.constant 0 : index
    %get3A_28 = arith.constant 0 : index
    %get3A_29 = vector.load %arg7[%get3A_27, %get3A_28] : memref<64x128xf32, #tpu.memory_space<vmem>>, vector<64x128xf32>
    %add3A_30 = arith.addf %get3A_29, %dot_general3A_22 : vector<64x128xf32>
    %swap3A = arith.constant 0 : index
    %swap3A_31 = arith.constant 0 : index
    %swap3A_32 = vector.load %arg7[%swap3A, %swap3A_31] : memref<64x128xf32, #tpu.memory_space<vmem>>, vector<64x128xf32>
    tpu.vector_store %arg7[%swap3A, %swap3A_31], %add3A_30 {strides = array<i32>} : memref<64x128xf32, #tpu.memory_space<vmem>>, vector<64x128xf32>,
    return
  }
  func.func @transform_0(%arg0: i32) -> (i32, i32) {
    %c0_i32 = arith.constant 0 : i32
    %c0_i32_0 = arith.constant 0 : i32
    return %arg0, %c0_i32 : i32, i32
  }
  func.func @transform_1(%arg0: i32) -> (i32, i32) {
    %c0_i32 = arith.constant 0 : i32
    %c0_i32_0 = arith.constant 0 : i32
    return %arg0, %c0_i32 : i32, i32
  }
  func.func @transform_2(%arg0: i32) -> (i32, i32) {
    %c0_i32 = arith.constant 0 : i32
    %c0_i32_0 = arith.constant 0 : i32
    return %arg0, %c0_i32 : i32, i32
  }
  func.func @transform_3(%arg0: i32) -> (i32, i32) {
    %c0_i32 = arith.constant 0 : i32
    %c0_i32_0 = arith.constant 0 : i32
    return %arg0, %c0_i32 : i32, i32
  }
  func.func @transform_4(%arg0: i32) -> (i32, i32) {
    %c0_i32 = arith.constant 0 : i32
    %c0_i32_0 = arith.constant 0 : i32
    %c0_i32_1 = arith.constant 0 : i32
    return %c0_i32, %c0_i32_0 : i32, i32
  }
  func.func @transform_5(%arg0: i32) -> (i32, i32) {
    %c0_i32 = arith.constant 0 : i32
    %c0_i32_0 = arith.constant 0 : i32
    return %arg0, %c0_i32 : i32, i32
  }
  func.func @transform_6(%arg0: i32) -> (i32, i32) {
    %c0_i32 = arith.constant 0 : i32
    %c0_i32_0 = arith.constant 0 : i32
    %c0_i32_1 = arith.constant 0 : i32
    return %c0_i32, %c0_i32_0 : i32, i32
  }
}

</mosaic_0001>

<sc_bundles>
// kernel: kernel.10.cloned.1.call-start
scs
__scs_entry_jumppad:
0x0: {  	(pc) =	sbr.rel $0x88, $3  }
0x1: {  	(tag) =	ssettag $0x0;
	lr =	simm.s32 $0x1  }
0x2: {  	[smem:$0x3F98] =	sst lr;
	_ =	strace $0xD0000000  }
0x3: {  	_ = 	snop  }
0x4: {  	_ = 	snop  }
0x5: {  	_ = 	snop  }
0x6: {  	_ = 	snop  }
0x7: {  	_ = 	snop  }
__scs_overlays_trampoline_lowered:
0x8: {  	[smem:$0x3FA7] =	sst s0  }
0x9: {  	[smem:$0x3FA8] =	sst s1  }
0xa: {  	[smem:$0x3FA9] =	sst s2  }
0xb: {  	[smem:$0x3FAA] =	sst s3  }
0xc: {  	[smem:$0x3FAB] =	sst s4  }
0xd: {  	[smem:$0x3FAC] =	sst s5  }
0xe: {  	[smem:$0x3FAD] =	sst s6  }
0xf: {  	[smem:$0x3FAE] =	sst s7  }
0x10: {  	[smem:$0x3FAF] =	sst s8  }
0x11: {  	[smem:$0x3FB0] =	sst s9;
	s0 =	simm.s32 @!p0 $0x0  }
0x12: {  	s1 =	sld [smem:$0x3F96];
	s0 =	simm.s32 @p0 $0x1  }
0x13: {  	[smem:$0x3FB1] =	sst s0;
	s0 =	simm.s32 @!p1 $0x0  }
0x14: {  	s2 =	sld [smem:$0x3F95];
	s0 =	simm.s32 @p1 $0x1  }
0x15: {  	[smem:$0x3FB2] =	sst s0;
	s0 =	simm.s32 @!p2 $0x0  }
0x16: {  	s3 =	sld [smem:$0x3FDB];
	s0 =	simm.s32 @p2 $0x1  }
0x17: {  	s4 =	simm.s32 $0x1BF5;
	[smem:$0x3FB4] =	sst s0  }
0x18: {  	s0 =	sld [smem:$0x3F97];
	_ =	swait.ge [sflag:s4], $0x0  }
0x19: {  	s7 =	sld [smem:$0x3F98]  }
0x1a: {  	s8 =	sadd.s32 $0xFFFFE003, lr  }
0x1b: {  	s9 =	sadd.s32 $0xFFFFFEF7, lr;
	s5 =	simm.s32 $0xFFFFFFFF;
	p2 =	slt.u32 s8, $0xFFFFF086  }
0x1c: {  	p1 =	slt.u32 s9, $0xF7A;
	s5 =	simm.s32 @!p2 $0x0  }
0x1d: {  	s5 =	simm.s32 @p1 $0x1;
	p0 =	seq.s32 s7, s2  }
0x1e: {  	s7 =	smul.u32 @!p0 $0xF7A, s2;
	p2 =	seq.s32 @!p0 s5, $0x0  }
0x1f: {  	s9 =	smul.u32 $0xF7A, s1;
	s8 =	simm.s32 @!p0 $0x1BF5;
	p2 =	por !p2, p0  }
0x20: {  	[sflag:s8] =	ssyncset.s32 @!p0 $0xFFFFF086;
	s6 =	sadd.s32 @!p0 s3, s7;
	s7 =	simm.s32 @!p0 $0x108  }
0x21: {  	s3 =	sadd.s32 s3, s9;
	s6 =	sadd.s32 @!p0 $0x88, s6;
	s7 =	simm.s32 @p2 $0x1082  }
0x22: {  	[simem:s7], [sflag:s8] =	dma.local @!p0 [hbm:s6], $0xF7A  }
0x23: {  	s9 =	sor.u32 $0xD0000000, s2;
	s6 =	simm.s32 $0x108;
	_ =	swait.ge @!p0 [sflag:s8], $0x0  }
0x24: {  	s3 =	sadd.s32 $0x88, s3;
	s6 =	simm.s32 @!p1 $0x1082;
	[sflag:s4] =	ssyncset.s32 $0xFFFFF086  }
0x25: {  	[simem:s6], [sflag:s4] =	dma.local [hbm:s3], $0xF7A  }
0x26: {  	[smem:$0x3F98] =	sst s1;
	(tag) =	ssettag s2;
	_ =	strace s9  }
0x27: {  	s1 =	sld [smem:$0x3FA8]  }
0x28: {  	s2 =	sld [smem:$0x3FA9]  }
0x29: {  	s4 =	sld [smem:$0x3FAB]  }
0x2a: {  	p0 =	seq.s32 s5, $0x0;
	s5 =	sld [smem:$0x3FAC]  }
0x2b: {  	s6 =	sld [smem:$0x3FAD]  }
0x2c: {  	s7 =	sld [smem:$0x3FAE]  }
0x2d: {  	s3 =	simm.s32 $0x108;
	s8 =	sld [smem:$0x3FAF]  }
0x2e: {  	s3 =	simm.s32 @!p0 $0x1082;
	s9 =	sld [smem:$0x3FB0]  }
0x2f: {  	lr =	sadd.s32 s0, s3;
	s0 =	sld [smem:$0x3FA7]  }
0x30: {  	s3 =	sld [smem:$0x3FAA]  }
0x31: {  	[smem:$0x3FB3] =	sst s10  }
0x32: {  	s10 =	sld [smem:$0x3FB1];
	_ =	sdelay $0x3  }
0x33: {  	p0 =	seq.s32 s10, $0x1;
	s10 =	sld [smem:$0x3FB3];
	_ =	sdelay $0x3  }
0x34: {  	[smem:$0x3FB3] =	sst s10  }
0x35: {  	s10 =	sld [smem:$0x3FB2];
	_ =	sdelay $0x3  }
0x36: {  	p1 =	seq.s32 s10, $0x1;
	s10 =	sld [smem:$0x3FB3];
	_ =	sdelay $0x3  }
0x37: {  	[smem:$0x3FB3] =	sst s10  }
0x38: {  	s10 =	sld [smem:$0x3FB4]  }
0x39: {  	_ = 	snop;
	(pc) =	sbr.ind lr, $3  }
0x3a: {  	_ = 	snop  }
0x3b: {  	_ = 	snop  }
0x3c: {  	p2 =	seq.s32 s10, $0x1;
	s10 =	sld [smem:$0x3FB3]  }
0x3d: {  	_ =	shalt  }
0x3e: {  	_ =	shalt  }
0x3f: {  	_ =	shalt  }
0x40: {  	_ =	shalt  }
0x41: {  	_ =	shalt  }
0x42: {  	_ =	shalt  }
0x43: {  	_ =	shalt  }
0x44: {  	_ =	shalt  }
0x45: {  	_ =	shalt  }
0x46: {  	_ =	shalt  }
0x47: {  	_ =	shalt  }
0x48: {  	_ =	shalt  }
0x49: {  	_ =	shalt  }
0x4a: {  	_ =	shalt  }
0x4b: {  	_ =	shalt  }
0x4c: {  	_ =	shalt  }
0x4d: {  	_ =	shalt  }
0x4e: {  	_ =	shalt  }
0x4f: {  	_ =	shalt  }
0x50: {  	_ =	shalt  }
0x51: {  	_ =	shalt  }
0x52: {  	_ =	shalt  }
0x53: {  	_ =	shalt  }
0x54: {  	_ =	shalt  }
0x55: {  	_ =	shalt  }
0x56: {  	_ =	shalt  }
0x57: {  	_ =	shalt  }
0x58: {  	_ =	shalt  }
0x59: {  	_ =	shalt  }
0x5a: {  	_ =	shalt  }
0x5b: {  	_ =	shalt  }
0x5c: {  	_ =	shalt  }
0x5d: {  	_ =	shalt  }
0x5e: {  	_ =	shalt  }
0x5f: {  	_ =	shalt  }
0x60: {  	_ =	shalt  }
0x61: {  	_ =	shalt  }
0x62: {  	_ =	shalt  }
0x63: {  	_ =	shalt  }
0x64: {  	_ =	shalt  }
0x65: {  	_ =	shalt  }
0x66: {  	_ =	shalt  }
0x67: {  	_ =	shalt  }
0x68: {  	_ =	shalt  }
0x69: {  	_ =	shalt  }
0x6a: {  	_ =	shalt  }
0x6b: {  	_ =	shalt  }
0x6c: {  	_ =	shalt  }
0x6d: {  	_ =	shalt  }
0x6e: {  	_ =	shalt  }
0x6f: {  	_ =	shalt  }
0x70: {  	_ =	shalt  }
0x71: {  	_ =	shalt  }
0x72: {  	_ =	shalt  }
0x73: {  	_ =	shalt  }
0x74: {  	_ =	shalt  }
0x75: {  	_ =	shalt  }
0x76: {  	_ =	shalt  }
0x77: {  	_ =	shalt  }
0x78: {  	_ =	shalt  }
0x79: {  	_ =	shalt  }
0x7a: {  	_ =	shalt  }
0x7b: {  	_ =	shalt  }
0x7c: {  	_ =	shalt  }
0x7d: {  	_ =	shalt  }
0x7e: {  	_ =	shalt  }
0x7f: {  	_ =	shalt  }
0x80: {  	_ =	shalt  }
0x81: {  	_ =	shalt  }
0x82: {  	_ =	shalt  }
0x83: {  	_ =	shalt  }
0x84: {  	_ =	shalt  }
0x85: {  	_ =	shalt  }
0x86: {  	_ =	shalt  }
0x87: {  	_ =	shalt  }
.Lfunc_end0:
.L_simem_size_0:
called_computation_lowered:
.L_overlay_start_0:
0x88: {  	s2 =	sld [smem:$0x3FD9]  }
0x89: {  	s3 =	sld [smem:$0x3FFE];
	_ =	sdelay $0x1  }
0x8a: {  	s1 =	srdreg.scid  }
0x8b: {  	s0 =	sand.u32 $0x1, s1  }
0x8c: {  	s16 =	sshll.u32 s0, $0xA;
	s2 =	sadd.s32 s3, s2  }
0x8d: {  	s2 =	sadd.s32 s2, s16  }
0x8e: {  	[smem:$0x3FBF] =	sst s2  }
0x8f: {  	_ = 	snop  }
0x90: {  	(tm) =	ssettm $0x1  }
0x91: {  	s17 =	sld [smem:$0x3FFB];
	_ =	sdelay $0x3  }
0x92: {  	_ =	strace s17  }
0x93: {  	s2 =	sld [smem:$0x3FFC];
	_ =	sdelay $0x3  }
0x94: {  	_ =	strace s2  }
0x95: {  	s2 =	sld [smem:$0x3FFD];
	_ =	sdelay $0x3  }
0x96: {  	_ =	strace s2  }
0x97: {  	_ =	strace $0x8FFFFFFF  }
0x98: {  	s18 =	sld [smem:$0x3FDB];
	_ =	sdelay $0x1  }
0x99: {  	s19 =	simm.s32 $_scs_section_size  }
0x9a: {  	s4 =	simm.s32 $_size__tile_overlayer_lowered;
	s5 =	simm.s32 $_tile_overlayer_lowered  }
0x9b: {  	s22 =	simm.s32 $0x1BFF;
	s21 =	sshll.u32 s5, $0x1;
	s2 =	sadd.s32 s19, s18  }
0x9c: {  	s6 =	simm.s32 $0x0;
	s20 =	sshll.u32 s4, $0x1;
	s4 =	sadd.s32 s21, s2  }
0x9d: {  	[timem:s6], [sflag:s22] =	dma.local [hbm:s4], s20  }
0x9e: {  	_ =	swait.ge [sflag:s22], s20  }
0x9f: {  	s3 =	ssub.s32 $0x0, s20;
	[sflag:s22] =	ssyncset.done $0x0  }
0xa0: {  	[sflag:s22] =	ssyncadd.s32 s3;
	_ =	sdelay $0x1  }
0xa1: {  	s23 =	simm.s32 $0x1B8B  }
0xa2: {  	_ =	swait.ge [sflag:s23], $0x1  }
0xa3: {  	[sflag:s23] =	ssyncset.done $0x0  }
0xa4: {  	s25 =	simm.s32 $0x1B8E;
	s24 =	sld [smem:$0x3FFE];
	[sflag:s23] =	ssyncadd.s32 $0xFFFFFFFF  }
0xa5: {  	s26 =	simm.s32 $execute0_lowered;
	[smem:$0x3FD2] =	sst s25  }
0xa6: {  	s4 =	sshll.u32 s26, $0x1;
	_ =	strace $0x80000046;
	[dreg:$0x1] =	wrdreg $0xFFFFFFFF  }
0xa7: {  	s28 =	simm.s32 $_size_execute0_lowered;
	s2 =	sadd.s32 s2, s4;
	[dreg:$0x0] =	wrdreg $0x0  }
0xa8: {  	s4 =	sshll.u32 s28, $0x1;
	[dreg:$0x2] =	wrdreg s2  }
0xa9: {  	[dreg:$0x3] =	wrdreg s4  }
0xaa: {  	[dreg:$0x4] =	wrdreg $0xC0  }
0xab: {  	_ =	task [dreg:s6], $0x5FFFF  }
0xac: {  	[dreg:$0x1] =	wrdreg $0xFFFFFFFF  }
0xad: {  	[dreg:$0x0] =	wrdreg $0x60  }
0xae: {  	[dreg:$0x2] =	wrdreg s24  }
0xaf: {  	[dreg:$0x3] =	wrdreg $0x9  }
0xb0: {  	_ =	task.clear_ibuf [dreg:s6], $0x4FFFF;
	_ =	strace $0x90000046  }
0xb1: {  	s29 =	simm.s32 $0x9;
	_ =	strace $0x80000048  }
0xb2: {  	_ =	swait.ge [sflag:s29], $0x1  }
0xb3: {  	[sflag:s29] =	ssyncadd.s32 $0xFFFFFFFF  }
0xb4: {  	_ =	strace $0x90000048  }
0xb5: {  	_ =	sfence  }
0xb6: {  	s30 =	sld [smem:$0x0];
	_ =	sdelay $0x2  }
0xb7: {  	s31 =	sshll.u32 s1, $0xD;
	s1 =	sshrl.u32 s1, $0x2  }
0xb8: {  	s3 =	sand.u32 $0x4000, s31;
	s1 =	sadd.s32 s1, s30  }
0xb9: {  	s0 =	sor.u32 s3, s0;
	s1 =	sshll.u32 s1, $0x11  }
0xba: {  	s0 =	sor.u32 s1, s0  }
0xbb: {  	s0 =	sadd.s32 $0x8F2B, s0  }
0xbc: {  	[sflag:s0] =	ssyncadd.remote.s32 $0x1  }
0xbd: {  	_ =	sfence.sel $0xFFFF  }
0xbe: {  	[dreg:$0x0] =	wrdreg $0xFFFFFFFF;
	(pc) =	sbr.abs _section_cstart, $3  }
0xbf: {  	[dreg:$0x1] =	wrdreg $0xFFFFFFFF  }
0xc0: {  	_ =	task.clear_ibuf [dreg:s6], $0x2FFFF;
	_ =	strace $0x9FFFFFFF  }
0xc1: {  	(tm) =	ssettm $0x7FFFFFFF  }
tec
execute0_lowered:
.L_overlay_start_1:
0x0: {  	(tag) =	ssettag $0x1  }
0x1: {  	s0 =	srdreg.scid  }
0x2: {  	s4 =	rddreg [dreg:$0x0];
	s3 =	sand.u32 $0x1, s0  }
0x3: {  	s1 =	stileid.u32;
	s7 =	simm.s32 $0x2800;
	s2 =	sshll.u32 s3, $0x4  }
0x4: {  	s0 =	rddreg [dreg:$0x1];
	s3 =	ssub.s32 $0x2, s3;
	s5 =	sor.u32 s1, s2  }
0x5: {  	s2 =	simm.s32 $0x0;
	s6 =	sshrl.u32 s3, $0x1;
	s5 =	smul.u32 $0x500, s5  }
0x6: {  	s8 =	simm.s32 $0x0;
	[smem:$0x7FF] =	sst s2;
	s31 =	ssub.s32 s3, s6  }
0x7: {  	s6 =	simm.s32 $0x1;
	_ =	strace $0x80000047;
	s4 =	sadd.s32 s5, s4  }
0x8: {  	v0 =	vimm.f32 $0.0e+00;
	v1 =	vimm.f32 $1.000000000e+00;
	s5 =	smax.u32 s31, $0x1;
	s3 =	sadd.s32 $0x5000, s4;
	s4 =	sadd.s32 $0x19000, s4  }
.LBB2_1:
0x9: {  	s9 =	simm.s32 $0x0;
	s10 =	simm.s32 $0x200  }
.LBB2_2:
0xa: {  	p0 =	sne.s32 s10, $0x9E00;
	[tilespmem:s9+$0x2870] =	vst v0  }
0xb: {  	[tilespmem:s9+$0x2800] =	vst v0  }
0xc: {  	[tilespmem:s9+$0x2810] =	vst v0  }
.Ltmp0:
0xd: {  	[tilespmem:s9+$0x2820] =	vst v0;
	(pc) =	sbr.rel @p0 .LBB2_2-.Ltmp0, $4  }
0xe: {  	[tilespmem:s9+$0x2830] =	vst v0  }
0xf: {  	[tilespmem:s9+$0x2840] =	vst v0  }
0x10: {  	[tilespmem:s9+$0x2850] =	vst v0  }
0x11: {  	[tilespmem:s9+$0x2860] =	vst v0;
	s9 =	sshra.s32 s10, $0x2;
	s10 =	sadd.s32 $0x200, s10  }
0x12: {  	[tilespmem:s9+$0x2870] =	vst v0  }
0x13: {  	[tilespmem:s9+$0x2800] =	vst v0  }
0x14: {  	[tilespmem:s9+$0x2810] =	vst v0  }
0x15: {  	[tilespmem:s9+$0x2820] =	vst v0  }
0x16: {  	[tilespmem:s9+$0x2830] =	vst v0  }
0x17: {  	[tilespmem:s9+$0x2840] =	vst v0  }
0x18: {  	[tilespmem:s9+$0x2850] =	vst v0  }
0x19: {  	[tilespmem:s9+$0x2860] =	vst v0;
	s9 =	simm.s32 $0x0  }
0x1a: {  	[tilespmem:s9], [sflag:$0x1] =	stream.linear.gather [hbm4b:s3+s9], $0x2800, $0x38;
	[tilespmem:$0x5000] =	vst v63  }
0x1b: {  	_ =	swait.ge [sflag:s6], $0x2800  }
0x1c: {  	[sflag:s6] =	ssyncset.done $0x0  }
0x1d: {  	[sflag:s6] =	ssyncadd.s32 $0xFFFFD800  }
.LBB2_4:
0x1e: {  	s10 =	sshra.s32 s9, $0x2  }
0x1f: {  	v2 =	vld [tilespmem:s10+$0x0];
	_ =	sdelay $0x7  }
0x20: {  	[tilespmem:v2+s7+$0x0] =	vst.idx.add.f32.msk $0xffff, v1  }
0x21: {  	v2 =	vld [tilespmem:s10+$0x10];
	_ =	sdelay $0x7  }
0x22: {  	[tilespmem:v2+s7+$0x0] =	vst.idx.add.f32.msk $0xffff, v1  }
0x23: {  	v2 =	vld [tilespmem:s10+$0x20];
	_ =	sdelay $0x7  }
0x24: {  	[tilespmem:v2+s7+$0x0] =	vst.idx.add.f32.msk $0xffff, v1  }
0x25: {  	v2 =	vld [tilespmem:s10+$0x30];
	_ =	sdelay $0x7  }
0x26: {  	[tilespmem:v2+s7+$0x0] =	vst.idx.add.f32.msk $0xffff, v1  }
0x27: {  	v2 =	vld [tilespmem:s10+$0x40];
	_ =	sdelay $0x7  }
0x28: {  	[tilespmem:v2+s7+$0x0] =	vst.idx.add.f32.msk $0xffff, v1  }
0x29: {  	v2 =	vld [tilespmem:s10+$0x50];
	_ =	sdelay $0x7  }
0x2a: {  	[tilespmem:v2+s7+$0x0] =	vst.idx.add.f32.msk $0xffff, v1  }
0x2b: {  	v2 =	vld [tilespmem:s10+$0x60];
	_ =	sdelay $0x7  }
0x2c: {  	[tilespmem:v2+s7+$0x0] =	vst.idx.add.f32.msk $0xffff, v1  }
0x2d: {  	v2 =	vld [tilespmem:s10+$0x70];
	_ =	sdelay $0x2  }
0x2e: {  	p0 =	sne.s32 s9, $0x9E00  }
.Ltmp1:
0x2f: {  	_ = 	snop;
	(pc) =	sbr.rel @p0 .LBB2_4-.Ltmp1, $2  }
0x30: {  	_ =	sdelay $0x2  }
0x31: {  	s9 =	sadd.s32 $0x200, s9;
	[tilespmem:v2+s7+$0x0] =	vst.idx.add.f32.msk $0xffff, v1  }
0x32: {  	s8 =	sadd.s32 $0x1, s8  }
0x33: {  	p0 =	sne.s32 s8, s5  }
.Ltmp2:
0x34: {  	_ = 	snop;
	(pc) =	sbr.rel @p0 .LBB2_1-.Ltmp2, $4  }
0x35: {  	[hbm4b:s4+s2] =	stream.linear.scatter [tilespmem:s7], [sflag:$0x1], $0x2800, $0x38;
	[tilespmem:$0x5000] =	vst v63  }
0x36: {  	_ =	swait.ge [sflag:s6], $0x2800  }
0x37: {  	[sflag:s6] =	ssyncset.done $0x0  }
0x38: {  	[sflag:s6] =	ssyncadd.s32 $0xFFFFD800  }
0x39: {  	_ =	sfence.sel $0x180000  }
0x3a: {  	[bflag:$0x0] =	sbarrier.arrive $0xFFFF  }
0x3b: {  	p0 =	sne.s32 s1, $0x0;
	_ =	strace $0x90000047  }
0x3c: {  	s0 =	sadd.s32 @!p0 $0x100000, s0;
	[bflag:$0x2] =	sbarrier.arrive $0xFFFF  }
0x3d: {  	[sflag:s0] =	ssyncadd.tile.s32 @!p0 $0x1;
	_ =	shalt  }
.Lfunc_end2:
_tile_overlayer_lowered:
.L_overlay_start_2:
0x3e: {  	(tag) =	ssettag $0x2  }
0x3f: {  	s0 =	rddreg [dreg:$0x0];
	s2 =	stileid.u32  }
0x40: {  	s1 =	rddreg [dreg:$0x1];
	p0 =	sne.s32 s2, $0x0  }
0x41: {  	s3 =	rddreg [dreg:$0x2];
	[bflag:$0x3] =	sbarrier.arrive $0xFFFF;
	s2 =	simm.s32 @!p0 $0x1C01  }
0x42: {  	[timem:s3], [sflag:s2] =	dma.local @!p0 [hbm:s0], s1  }
0x43: {  	s0 =	simm.s32 @!p0 $0x1  }
0x44: {  	_ =	swait.ge @!p0 [sflag:s0], s1  }
0x45: {  	s1 =	ssub.s32 @!p0 $0x0, s1;
	[sflag:s0] =	ssyncset.done @!p0 $0x0  }
0x46: {  	[sflag:s0] =	ssyncadd.s32 @!p0 s1  }
0x47: {  	[bflag:$0x3] =	sbarrier.arrive $0xFFFF  }
0x48: {  	_ =	shalt  }

// kernel: kernel.13.cloned.1.call-start
scs
__scs_entry_jumppad:
0x0: {  	(pc) =	sbr.rel $0x88, $3  }
0x1: {  	(tag) =	ssettag $0x0;
	lr =	simm.s32 $0x1  }
0x2: {  	[smem:$0x3F98] =	sst lr;
	_ =	strace $0xD0000000  }
0x3: {  	_ = 	snop  }
0x4: {  	_ = 	snop  }
0x5: {  	_ = 	snop  }
0x6: {  	_ = 	snop  }
0x7: {  	_ = 	snop  }
__scs_overlays_trampoline_lowered:
0x8: {  	[smem:$0x3FA7] =	sst s0  }
0x9: {  	[smem:$0x3FA8] =	sst s1  }
0xa: {  	[smem:$0x3FA9] =	sst s2  }
0xb: {  	[smem:$0x3FAA] =	sst s3  }
0xc: {  	[smem:$0x3FAB] =	sst s4  }
0xd: {  	[smem:$0x3FAC] =	sst s5  }
0xe: {  	[smem:$0x3FAD] =	sst s6  }
0xf: {  	[smem:$0x3FAE] =	sst s7  }
0x10: {  	[smem:$0x3FAF] =	sst s8  }
0x11: {  	[smem:$0x3FB0] =	sst s9;
	s0 =	simm.s32 @!p0 $0x0  }
0x12: {  	s1 =	sld [smem:$0x3F96];
	s0 =	simm.s32 @p0 $0x1  }
0x13: {  	[smem:$0x3FB1] =	sst s0;
	s0 =	simm.s32 @!p1 $0x0  }
0x14: {  	s2 =	sld [smem:$0x3F95];
	s0 =	simm.s32 @p1 $0x1  }
0x15: {  	[smem:$0x3FB2] =	sst s0;
	s0 =	simm.s32 @!p2 $0x0  }
0x16: {  	s3 =	sld [smem:$0x3FDB];
	s0 =	simm.s32 @p2 $0x1  }
0x17: {  	s4 =	simm.s32 $0x1BF5;
	[smem:$0x3FB4] =	sst s0  }
0x18: {  	s0 =	sld [smem:$0x3F97];
	_ =	swait.ge [sflag:s4], $0x0  }
0x19: {  	s7 =	sld [smem:$0x3F98]  }
0x1a: {  	s8 =	sadd.s32 $0xFFFFE003, lr  }
0x1b: {  	s9 =	sadd.s32 $0xFFFFFEF7, lr;
	s5 =	simm.s32 $0xFFFFFFFF;
	p2 =	slt.u32 s8, $0xFFFFF086  }
0x1c: {  	p1 =	slt.u32 s9, $0xF7A;
	s5 =	simm.s32 @!p2 $0x0  }
0x1d: {  	s5 =	simm.s32 @p1 $0x1;
	p0 =	seq.s32 s7, s2  }
0x1e: {  	s7 =	smul.u32 @!p0 $0xF7A, s2;
	p2 =	seq.s32 @!p0 s5, $0x0  }
0x1f: {  	s9 =	smul.u32 $0xF7A, s1;
	s8 =	simm.s32 @!p0 $0x1BF5;
	p2 =	por !p2, p0  }
0x20: {  	[sflag:s8] =	ssyncset.s32 @!p0 $0xFFFFF086;
	s6 =	sadd.s32 @!p0 s3, s7;
	s7 =	simm.s32 @!p0 $0x108  }
0x21: {  	s3 =	sadd.s32 s3, s9;
	s6 =	sadd.s32 @!p0 $0x88, s6;
	s7 =	simm.s32 @p2 $0x1082  }
0x22: {  	[simem:s7], [sflag:s8] =	dma.local @!p0 [hbm:s6], $0xF7A  }
0x23: {  	s9 =	sor.u32 $0xD0000000, s2;
	s6 =	simm.s32 $0x108;
	_ =	swait.ge @!p0 [sflag:s8], $0x0  }
0x24: {  	s3 =	sadd.s32 $0x88, s3;
	s6 =	simm.s32 @!p1 $0x1082;
	[sflag:s4] =	ssyncset.s32 $0xFFFFF086  }
0x25: {  	[simem:s6], [sflag:s4] =	dma.local [hbm:s3], $0xF7A  }
0x26: {  	[smem:$0x3F98] =	sst s1;
	(tag) =	ssettag s2;
	_ =	strace s9  }
0x27: {  	s1 =	sld [smem:$0x3FA8]  }
0x28: {  	s2 =	sld [smem:$0x3FA9]  }
0x29: {  	s4 =	sld [smem:$0x3FAB]  }
0x2a: {  	p0 =	seq.s32 s5, $0x0;
	s5 =	sld [smem:$0x3FAC]  }
0x2b: {  	s6 =	sld [smem:$0x3FAD]  }
0x2c: {  	s7 =	sld [smem:$0x3FAE]  }
0x2d: {  	s3 =	simm.s32 $0x108;
	s8 =	sld [smem:$0x3FAF]  }
0x2e: {  	s3 =	simm.s32 @!p0 $0x1082;
	s9 =	sld [smem:$0x3FB0]  }
0x2f: {  	lr =	sadd.s32 s0, s3;
	s0 =	sld [smem:$0x3FA7]  }
0x30: {  	s3 =	sld [smem:$0x3FAA]  }
0x31: {  	[smem:$0x3FB3] =	sst s10  }
0x32: {  	s10 =	sld [smem:$0x3FB1];
	_ =	sdelay $0x3  }
0x33: {  	p0 =	seq.s32 s10, $0x1;
	s10 =	sld [smem:$0x3FB3];
	_ =	sdelay $0x3  }
0x34: {  	[smem:$0x3FB3] =	sst s10  }
0x35: {  	s10 =	sld [smem:$0x3FB2];
	_ =	sdelay $0x3  }
0x36: {  	p1 =	seq.s32 s10, $0x1;
	s10 =	sld [smem:$0x3FB3];
	_ =	sdelay $0x3  }
0x37: {  	[smem:$0x3FB3] =	sst s10  }
0x38: {  	s10 =	sld [smem:$0x3FB4]  }
0x39: {  	_ = 	snop;
	(pc) =	sbr.ind lr, $3  }
0x3a: {  	_ = 	snop  }
0x3b: {  	_ = 	snop  }
0x3c: {  	p2 =	seq.s32 s10, $0x1;
	s10 =	sld [smem:$0x3FB3]  }
0x3d: {  	_ =	shalt  }
0x3e: {  	_ =	shalt  }
0x3f: {  	_ =	shalt  }
0x40: {  	_ =	shalt  }
0x41: {  	_ =	shalt  }
0x42: {  	_ =	shalt  }
0x43: {  	_ =	shalt  }
0x44: {  	_ =	shalt  }
0x45: {  	_ =	shalt  }
0x46: {  	_ =	shalt  }
0x47: {  	_ =	shalt  }
0x48: {  	_ =	shalt  }
0x49: {  	_ =	shalt  }
0x4a: {  	_ =	shalt  }
0x4b: {  	_ =	shalt  }
0x4c: {  	_ =	shalt  }
0x4d: {  	_ =	shalt  }
0x4e: {  	_ =	shalt  }
0x4f: {  	_ =	shalt  }
0x50: {  	_ =	shalt  }
0x51: {  	_ =	shalt  }
0x52: {  	_ =	shalt  }
0x53: {  	_ =	shalt  }
0x54: {  	_ =	shalt  }
0x55: {  	_ =	shalt  }
0x56: {  	_ =	shalt  }
0x57: {  	_ =	shalt  }
0x58: {  	_ =	shalt  }
0x59: {  	_ =	shalt  }
0x5a: {  	_ =	shalt  }
0x5b: {  	_ =	shalt  }
0x5c: {  	_ =	shalt  }
0x5d: {  	_ =	shalt  }
0x5e: {  	_ =	shalt  }
0x5f: {  	_ =	shalt  }
0x60: {  	_ =	shalt  }
0x61: {  	_ =	shalt  }
0x62: {  	_ =	shalt  }
0x63: {  	_ =	shalt  }
0x64: {  	_ =	shalt  }
0x65: {  	_ =	shalt  }
0x66: {  	_ =	shalt  }
0x67: {  	_ =	shalt  }
0x68: {  	_ =	shalt  }
0x69: {  	_ =	shalt  }
0x6a: {  	_ =	shalt  }
0x6b: {  	_ =	shalt  }
0x6c: {  	_ =	shalt  }
0x6d: {  	_ =	shalt  }
0x6e: {  	_ =	shalt  }
0x6f: {  	_ =	shalt  }
0x70: {  	_ =	shalt  }
0x71: {  	_ =	shalt  }
0x72: {  	_ =	shalt  }
0x73: {  	_ =	shalt  }
0x74: {  	_ =	shalt  }
0x75: {  	_ =	shalt  }
0x76: {  	_ =	shalt  }
0x77: {  	_ =	shalt  }
0x78: {  	_ =	shalt  }
0x79: {  	_ =	shalt  }
0x7a: {  	_ =	shalt  }
0x7b: {  	_ =	shalt  }
0x7c: {  	_ =	shalt  }
0x7d: {  	_ =	shalt  }
0x7e: {  	_ =	shalt  }
0x7f: {  	_ =	shalt  }
0x80: {  	_ =	shalt  }
0x81: {  	_ =	shalt  }
0x82: {  	_ =	shalt  }
0x83: {  	_ =	shalt  }
0x84: {  	_ =	shalt  }
0x85: {  	_ =	shalt  }
0x86: {  	_ =	shalt  }
0x87: {  	_ =	shalt  }
.Lfunc_end0:
.L_simem_size_0:
called_computation.1_lowered:
.L_overlay_start_0:
0x88: {  	s2 =	sld [smem:$0x3FD9]  }
0x89: {  	s3 =	sld [smem:$0x3FFE];
	_ =	sdelay $0x1  }
0x8a: {  	s1 =	srdreg.scid  }
0x8b: {  	s0 =	sand.u32 $0x1, s1  }
0x8c: {  	s16 =	sshll.u32 s0, $0xA;
	s2 =	sadd.s32 s3, s2  }
0x8d: {  	s2 =	sadd.s32 s2, s16  }
0x8e: {  	[smem:$0x3FBF] =	sst s2  }
0x8f: {  	_ = 	snop  }
0x90: {  	(tm) =	ssettm $0x1  }
0x91: {  	s17 =	sld [smem:$0x3FFB];
	_ =	sdelay $0x3  }
0x92: {  	_ =	strace s17  }
0x93: {  	s2 =	sld [smem:$0x3FFC];
	_ =	sdelay $0x3  }
0x94: {  	_ =	strace s2  }
0x95: {  	s2 =	sld [smem:$0x3FFD];
	_ =	sdelay $0x3  }
0x96: {  	_ =	strace s2  }
0x97: {  	_ =	strace $0x8FFFFFFF  }
0x98: {  	s18 =	sld [smem:$0x3FDB];
	_ =	sdelay $0x1  }
0x99: {  	s19 =	simm.s32 $_scs_section_size  }
0x9a: {  	s4 =	simm.s32 $_size__tile_overlayer_lowered;
	s5 =	simm.s32 $_tile_overlayer_lowered  }
0x9b: {  	s22 =	simm.s32 $0x1BFF;
	s21 =	sshll.u32 s5, $0x1;
	s2 =	sadd.s32 s19, s18  }
0x9c: {  	s6 =	simm.s32 $0x0;
	s20 =	sshll.u32 s4, $0x1;
	s4 =	sadd.s32 s21, s2  }
0x9d: {  	[timem:s6], [sflag:s22] =	dma.local [hbm:s4], s20  }
0x9e: {  	_ =	swait.ge [sflag:s22], s20  }
0x9f: {  	s3 =	ssub.s32 $0x0, s20;
	[sflag:s22] =	ssyncset.done $0x0  }
0xa0: {  	[sflag:s22] =	ssyncadd.s32 s3;
	_ =	sdelay $0x1  }
0xa1: {  	s23 =	simm.s32 $0x1B8B  }
0xa2: {  	_ =	swait.ge [sflag:s23], $0x1  }
0xa3: {  	[sflag:s23] =	ssyncset.done $0x0  }
0xa4: {  	s25 =	simm.s32 $0x1B8E;
	s24 =	sld [smem:$0x3FFE];
	[sflag:s23] =	ssyncadd.s32 $0xFFFFFFFF  }
0xa5: {  	s26 =	simm.s32 $execute0_lowered;
	[smem:$0x3FD2] =	sst s25  }
0xa6: {  	s4 =	sshll.u32 s26, $0x1;
	_ =	strace $0x80000049;
	[dreg:$0x1] =	wrdreg $0xFFFFFFFF  }
0xa7: {  	s28 =	simm.s32 $_size_execute0_lowered;
	s2 =	sadd.s32 s2, s4;
	[dreg:$0x0] =	wrdreg $0x0  }
0xa8: {  	s4 =	sshll.u32 s28, $0x1;
	[dreg:$0x2] =	wrdreg s2  }
0xa9: {  	[dreg:$0x3] =	wrdreg s4  }
0xaa: {  	[dreg:$0x4] =	wrdreg $0xC0  }
0xab: {  	_ =	task [dreg:s6], $0x5FFFF  }
0xac: {  	[dreg:$0x1] =	wrdreg $0xFFFFFFFF  }
0xad: {  	[dreg:$0x0] =	wrdreg $0x60  }
0xae: {  	[dreg:$0x2] =	wrdreg s24  }
0xaf: {  	[dreg:$0x3] =	wrdreg $0xA8000  }
0xb0: {  	[dreg:$0x4] =	wrdreg $0x9  }
0xb1: {  	_ =	task.clear_ibuf [dreg:s6], $0x5FFFF;
	_ =	strace $0x90000049  }
0xb2: {  	s29 =	simm.s32 $0x9;
	_ =	strace $0x8000004B  }
0xb3: {  	_ =	swait.ge [sflag:s29], $0x1  }
0xb4: {  	[sflag:s29] =	ssyncadd.s32 $0xFFFFFFFF  }
0xb5: {  	_ =	strace $0x9000004B  }
0xb6: {  	_ =	sfence  }
0xb7: {  	s30 =	sld [smem:$0x0];
	_ =	sdelay $0x2  }
0xb8: {  	s31 =	sshll.u32 s1, $0xD;
	s1 =	sshrl.u32 s1, $0x2  }
0xb9: {  	s3 =	sand.u32 $0x4000, s31;
	s1 =	sadd.s32 s1, s30  }
0xba: {  	s0 =	sor.u32 s3, s0;
	s1 =	sshll.u32 s1, $0x11  }
0xbb: {  	s0 =	sor.u32 s1, s0  }
0xbc: {  	s0 =	sadd.s32 $0x8F2B, s0  }
0xbd: {  	[sflag:s0] =	ssyncadd.remote.s32 $0x1  }
0xbe: {  	_ =	sfence.sel $0xFFFF  }
0xbf: {  	[dreg:$0x0] =	wrdreg $0xFFFFFFFF;
	(pc) =	sbr.abs _section_cstart, $3  }
0xc0: {  	[dreg:$0x1] =	wrdreg $0xFFFFFFFF  }
0xc1: {  	_ =	task.clear_ibuf [dreg:s6], $0x2FFFF;
	_ =	strace $0x9FFFFFFF  }
0xc2: {  	(tm) =	ssettm $0x7FFFFFFF  }
0xc3: {  	_ =	shalt  }
tec
execute0_lowered:
.L_overlay_start_1:
0x0: {  	(tag) =	ssettag $0x1  }
0x1: {  	s6 =	rddreg [dreg:$0x0]  }
0x2: {  	s1 =	rddreg [dreg:$0x1];
	s2 =	srdreg.scid  }
0x3: {  	s0 =	rddreg [dreg:$0x2];
	s3 =	simm.s32 $0x0;
	s17 =	simm.s32 $0x3  }
0x4: {  	s18 =	simm.s32 $0x1400;
	s19 =	simm.s32 $0x80;
	s20 =	simm.s32 $0x6800  }
0x5: {  	s21 =	simm.s32 $0x1;
	s22 =	simm.s32 $0x2;
	s23 =	simm.s32 $0x1380  }
0x6: {  	s24 =	simm.s32 $0x2700;
	s5 =	sand.u32 $0x1, s2;
	s2 =	stileid.u32  }
0x7: {  	s25 =	simm.s32 $0x2780;
	[smem:$0x7FF] =	sst s3;
	s4 =	smul.u32 $0x140000, s5  }
0x8: {  	s12 =	sadd.s32 $0xF000, s6;
	s13 =	sadd.s32 $0x5000, s6;
	s7 =	smul.u32 $0x14000, s2  }
0x9: {  	s8 =	smul.u32 $0x50000, s2;
	s9 =	sshll.u32 s5, $0x4;
	s10 =	ssub.s32 $0x2, s5  }
0xa: {  	_ =	strace $0x8000004A;
	s9 =	sor.u32 s2, s9;
	s31 =	sshrl.u32 s10, $0x1  }
0xb: {  	s7 =	sadd.s32 s7, s4;
	s4 =	sadd.s32 $0x19000, s6;
	s30 =	sshrl.u32 s8, $0x2  }
0xc: {  	s9 =	smul.u32 $0x2800, s9;
	s15 =	ssub.s32 s10, s31;
	s7 =	sshrl.u32 s7, $0x3  }
0xd: {  	s5 =	sadd.s32 s30, s1;
	s15 =	smax.u32 s15, $0x1;
	s14 =	sadd.s32 s7, s6  }
0xe: {  	s6 =	sadd.s32 $0x4000, s5;
	s7 =	sadd.s32 $0x8000, s5;
	s11 =	sshrl.u32 s9, $0x3  }
0xf: {  	s8 =	sadd.s32 $0xC000, s5;
	s9 =	sadd.s32 $0x10000, s5;
	s10 =	sadd.s32 s12, s11  }
0x10: {  	s16 =	sadd.s32 $0x280, s11;
	s11 =	sadd.s32 s13, s11;
	s14 =	sadd.s32 $0x69000, s14  }
0x11: {  	v0 =	vimm.f32 $0.0e+00;
	s12 =	sadd.s32 s12, s16;
	s13 =	sadd.s32 s13, s16;
	s16 =	simm.s32 $0x2800  }
.LBB2_1:
0x12: {  	s26 =	simm.s32 $0x0;
	s28 =	simm.s32 $0x200  }
.LBB2_2:
0x13: {  	p0 =	sne.s32 s28, $0xFE00;
	[tilespmem:s26+$0x2870] =	vst v0  }
0x14: {  	[tilespmem:s26+$0x2800] =	vst v0  }
0x15: {  	[tilespmem:s26+$0x2810] =	vst v0  }
.Ltmp0:
0x16: {  	[tilespmem:s26+$0x2820] =	vst v0;
	(pc) =	sbr.rel @p0 .LBB2_2-.Ltmp0, $4  }
0x17: {  	[tilespmem:s26+$0x2830] =	vst v0  }
0x18: {  	[tilespmem:s26+$0x2840] =	vst v0  }
0x19: {  	[tilespmem:s26+$0x2850] =	vst v0  }
0x1a: {  	[tilespmem:s26+$0x2860] =	vst v0;
	s26 =	sshra.s32 s28, $0x2;
	s28 =	sadd.s32 $0x200, s28  }
0x1b: {  	[tilespmem:s26+$0x2870] =	vst v0  }
0x1c: {  	[tilespmem:s26+$0x2800] =	vst v0  }
0x1d: {  	[tilespmem:s26+$0x2810] =	vst v0  }
0x1e: {  	[tilespmem:s26+$0x2820] =	vst v0  }
0x1f: {  	[tilespmem:s26+$0x2830] =	vst v0  }
0x20: {  	[tilespmem:s26+$0x2840] =	vst v0  }
0x21: {  	[tilespmem:s26+$0x2850] =	vst v0  }
0x22: {  	[tilespmem:s26+$0x2860] =	vst v0  }
0x23: {  	[spmem:s5] =	stream.linear.scatter [tilespmem:s16], [sflag:$0x3], $0x4000, $0x38;
	[tilespmem:$0x1E800] =	vst v63  }
0x24: {  	_ =	swait.ge [sflag:s17], $0x4000  }
0x25: {  	[sflag:s17] =	ssyncset.done $0x0  }
0x26: {  	[sflag:s17] =	ssyncadd.s32 $0xFFFFC000  }
0x27: {  	[spmem:s6] =	stream.linear.scatter [tilespmem:s16], [sflag:$0x3], $0x4000, $0x38;
	[tilespmem:$0x1E800] =	vst v63  }
0x28: {  	_ =	swait.ge [sflag:s17], $0x4000  }
0x29: {  	[sflag:s17] =	ssyncset.done $0x0  }
0x2a: {  	[sflag:s17] =	ssyncadd.s32 $0xFFFFC000  }
0x2b: {  	[spmem:s7] =	stream.linear.scatter [tilespmem:s16], [sflag:$0x3], $0x4000, $0x38;
	[tilespmem:$0x1E800] =	vst v63  }
0x2c: {  	_ =	swait.ge [sflag:s17], $0x4000  }
0x2d: {  	[sflag:s17] =	ssyncset.done $0x0  }
0x2e: {  	[sflag:s17] =	ssyncadd.s32 $0xFFFFC000  }
0x2f: {  	[spmem:s8] =	stream.linear.scatter [tilespmem:s16], [sflag:$0x3], $0x4000, $0x38;
	[tilespmem:$0x1E800] =	vst v63  }
0x30: {  	_ =	swait.ge [sflag:s17], $0x4000  }
0x31: {  	[sflag:s17] =	ssyncset.done $0x0  }
0x32: {  	[sflag:s17] =	ssyncadd.s32 $0xFFFFC000  }
0x33: {  	[spmem:s9] =	stream.linear.scatter [tilespmem:s16], [sflag:$0x3], $0x4000, $0x38;
	[tilespmem:$0x1E800] =	vst v63  }
0x34: {  	_ =	swait.ge [sflag:s17], $0x4000  }
0x35: {  	[sflag:s17] =	ssyncset.done $0x0  }
0x36: {  	[sflag:s17] =	ssyncadd.s32 $0xFFFFC000  }
0x37: {  	s30 =	simm.s32 $0x0;
	[bflag:$0x0] =	sbarrier.arrive $0xFFFF  }
0x38: {  	[tilespmem:s30], [sflag:$0x3] =	stream.linear.gather [hbm4b:s10+s30], $0x1400, $0x38;
	[tilespmem:$0x1E800] =	vst v63  }
0x39: {  	_ =	swait.ge [sflag:s17], $0x1400  }
0x3a: {  	[sflag:s17] =	ssyncset.done $0x0  }
0x3b: {  	[sflag:s17] =	ssyncadd.s32 $0xFFFFEC00  }
0x3c: {  	[tilespmem:s18], [sflag:$0x3] =	stream.linear.gather [hbm4b:s11+s30], $0x1400, $0x38;
	[tilespmem:$0x1E800] =	vst v63  }
0x3d: {  	_ =	swait.ge [sflag:s17], $0x1400  }
0x3e: {  	[sflag:s17] =	ssyncset.done $0x0  }
0x3f: {  	[sflag:s17] =	ssyncadd.s32 $0xFFFFEC00  }
0x40: {  	[tilespmem:s16], [sflag:$0x1] =	stream.indirect.gather [hbm4b:s4+s19], $0x80, s30, s19, $0xb8;
	[tilespmem:$0x1E800] =	vst v63  }
0x41: {  	s31 =	simm.s32 $0x80  }
0x42: {  	[tilespmem:s20], [sflag:$0x2] =	stream.indirect.gather [hbm4b:s4+s19], $0x80, s31, s19, $0xb8;
	[tilespmem:$0x1E800] =	vst v63  }
0x43: {  	_ =	swait.ge [sflag:s21], $0x4000  }
0x44: {  	[sflag:s21] =	ssyncset.done $0x0  }
0x45: {  	s29 =	simm.s32 $0x1400;
	[sflag:s21] =	ssyncadd.s32 $0xFFFFC000  }
0x46: {  	[spmem:s1] =	stream.indirect.scatter.add.f32 [tilespmem:s16], [sflag:$0x3], $0x80, s29, s19, $0xb8;
	[tilespmem:$0x1E800] =	vst v63  }
0x47: {  	_ =	swait.ge [sflag:s17], $0x4000  }
0x48: {  	[sflag:s17] =	ssyncset.done $0x0  }
0x49: {  	s30 =	simm.s32 $0x100;
	[sflag:s17] =	ssyncadd.s32 $0xFFFFC000  }
0x4a: {  	[tilespmem:s16], [sflag:$0x1] =	stream.indirect.gather [hbm4b:s4+s19], $0x80, s30, s19, $0xb8;
	[tilespmem:$0x1E800] =	vst v63  }
0x4b: {  	_ =	swait.ge [sflag:s22], $0x4000  }
0x4c: {  	[sflag:s22] =	ssyncset.done $0x0  }
0x4d: {  	s31 =	simm.s32 $0x1480;
	[sflag:s22] =	ssyncadd.s32 $0xFFFFC000  }
0x4e: {  	[spmem:s1] =	stream.indirect.scatter.add.f32 [tilespmem:s20], [sflag:$0x3], $0x80, s31, s19, $0xb8;
	[tilespmem:$0x1E800] =	vst v63  }
0x4f: {  	_ =	swait.ge [sflag:s17], $0x4000  }
0x50: {  	s28 =	simm.s32 $0x800;
	s26 =	simm.s32 $0x100;
	[sflag:s17] =	ssyncset.done $0x0  }
.LBB2_4:
0x51: {  	s29 =	sadd.s32 $0x80, s26  }
0x52: {  	[sflag:s17] =	ssyncadd.s32 $0xFFFFC000;
	s30 =	smov.u32 s28;
	s31 =	sadd.s32 $0x400, s28  }
0x53: {  	[tilespmem:s20], [sflag:$0x2] =	stream.indirect.gather [hbm4b:s4+s19], $0x80, s29, s19, $0xb8;
	[tilespmem:$0x1E800] =	vst v63  }
0x54: {  	p0 =	sne.s32 s28, $0x4800;
	_ =	swait.ge [sflag:s21], $0x4000  }
0x55: {  	[sflag:s21] =	ssyncset.done $0x0  }
0x56: {  	s28 =	sadd.s32 $0x1400, s26;
	[sflag:s21] =	ssyncadd.s32 $0xFFFFC000  }
0x57: {  	[spmem:s1] =	stream.indirect.scatter.add.f32 [tilespmem:s16], [sflag:$0x3], $0x80, s28, s19, $0xb8;
	[tilespmem:$0x1E800] =	vst v63  }
0x58: {  	_ =	swait.ge [sflag:s17], $0x4000  }
0x59: {  	[sflag:s17] =	ssyncset.done $0x0  }
0x5a: {  	s28 =	sadd.s32 $0x100, s26;
	[sflag:s17] =	ssyncadd.s32 $0xFFFFC000  }
0x5b: {  	[tilespmem:s16], [sflag:$0x1] =	stream.indirect.gather [hbm4b:s4+s19], $0x80, s28, s19, $0xb8;
	[tilespmem:$0x1E800] =	vst v63  }
0x5c: {  	_ =	swait.ge [sflag:s22], $0x4000  }
.Ltmp1:
0x5d: {  	[sflag:s22] =	ssyncset.done $0x0;
	(pc) =	sbr.rel @p0 .LBB2_4-.Ltmp1, $4  }
0x5e: {  	s26 =	sadd.s32 $0x1480, s26;
	[sflag:s22] =	ssyncadd.s32 $0xFFFFC000  }
0x5f: {  	[spmem:s1] =	stream.indirect.scatter.add.f32 [tilespmem:s20], [sflag:$0x3], $0x80, s26, s19, $0xb8;
	[tilespmem:$0x1E800] =	vst v63  }
0x60: {  	_ =	swait.ge [sflag:s17], $0x4000  }
0x61: {  	s28 =	smov.u32 s31;
	s26 =	sshra.s32 s30, $0x2;
	[sflag:s17] =	ssyncset.done $0x0  }
0x62: {  	s28 =	sadd.s32 $0x80, s26;
	[sflag:s17] =	ssyncadd.s32 $0xFFFFC000  }
0x63: {  	[tilespmem:s20], [sflag:$0x2] =	stream.indirect.gather [hbm4b:s4+s19], $0x80, s28, s19, $0xb8;
	[tilespmem:$0x1E800] =	vst v63  }
0x64: {  	_ =	swait.ge [sflag:s21], $0x4000  }
0x65: {  	[sflag:s21] =	ssyncset.done $0x0  }
0x66: {  	s28 =	sadd.s32 $0x1400, s26;
	[sflag:s21] =	ssyncadd.s32 $0xFFFFC000  }
0x67: {  	[spmem:s1] =	stream.indirect.scatter.add.f32 [tilespmem:s16], [sflag:$0x3], $0x80, s28, s19, $0xb8;
	[tilespmem:$0x1E800] =	vst v63  }
0x68: {  	_ =	swait.ge [sflag:s17], $0x4000  }
0x69: {  	[sflag:s17] =	ssyncset.done $0x0  }
0x6a: {  	s28 =	sadd.s32 $0x100, s26;
	[sflag:s17] =	ssyncadd.s32 $0xFFFFC000  }
0x6b: {  	[tilespmem:s16], [sflag:$0x1] =	stream.indirect.gather [hbm4b:s4+s19], $0x80, s28, s19, $0xb8;
	[tilespmem:$0x1E800] =	vst v63  }
0x6c: {  	_ =	swait.ge [sflag:s22], $0x4000  }
0x6d: {  	[sflag:s22] =	ssyncset.done $0x0  }
0x6e: {  	s29 =	sadd.s32 $0x1480, s26;
	[sflag:s22] =	ssyncadd.s32 $0xFFFFC000  }
0x6f: {  	[spmem:s1] =	stream.indirect.scatter.add.f32 [tilespmem:s20], [sflag:$0x3], $0x80, s29, s19, $0xb8;
	[tilespmem:$0x1E800] =	vst v63  }
0x70: {  	_ =	swait.ge [sflag:s17], $0x4000  }
0x71: {  	[sflag:s17] =	ssyncset.done $0x0  }
0x72: {  	[sflag:s17] =	ssyncadd.s32 $0xFFFFC000  }
0x73: {  	[tilespmem:s20], [sflag:$0x2] =	stream.indirect.gather [hbm4b:s4+s19], $0x80, s23, s19, $0xb8;
	[tilespmem:$0x1E800] =	vst v63  }
0x74: {  	_ =	swait.ge [sflag:s21], $0x4000  }
0x75: {  	[sflag:s21] =	ssyncset.done $0x0  }
0x76: {  	[sflag:s21] =	ssyncadd.s32 $0xFFFFC000  }
0x77: {  	[spmem:s1] =	stream.indirect.scatter.add.f32 [tilespmem:s16], [sflag:$0x3], $0x80, s24, s19, $0xb8;
	[tilespmem:$0x1E800] =	vst v63  }
0x78: {  	_ =	swait.ge [sflag:s17], $0x4000  }
0x79: {  	[sflag:s17] =	ssyncset.done $0x0  }
0x7a: {  	[sflag:s17] =	ssyncadd.s32 $0xFFFFC000  }
0x7b: {  	_ =	swait.ge [sflag:s22], $0x4000  }
0x7c: {  	[sflag:s22] =	ssyncset.done $0x0  }
0x7d: {  	[sflag:s22] =	ssyncadd.s32 $0xFFFFC000  }
0x7e: {  	[spmem:s1] =	stream.indirect.scatter.add.f32 [tilespmem:s20], [sflag:$0x3], $0x80, s25, s19, $0xb8;
	[tilespmem:$0x1E800] =	vst v63  }
0x7f: {  	_ =	swait.ge [sflag:s17], $0x4000  }
0x80: {  	[sflag:s17] =	ssyncset.done $0x0  }
0x81: {  	s30 =	simm.s32 $0x0;
	[sflag:s17] =	ssyncadd.s32 $0xFFFFC000  }
0x82: {  	[tilespmem:s30], [sflag:$0x3] =	stream.linear.gather [hbm4b:s12+s30], $0x1400, $0x38;
	[tilespmem:$0x1E800] =	vst v63  }
0x83: {  	_ =	swait.ge [sflag:s17], $0x1400  }
0x84: {  	[sflag:s17] =	ssyncset.done $0x0  }
0x85: {  	[sflag:s17] =	ssyncadd.s32 $0xFFFFEC00  }
0x86: {  	[tilespmem:s18], [sflag:$0x3] =	stream.linear.gather [hbm4b:s13+s30], $0x1400, $0x38;
	[tilespmem:$0x1E800] =	vst v63  }
0x87: {  	_ =	swait.ge [sflag:s17], $0x1400  }
0x88: {  	[sflag:s17] =	ssyncset.done $0x0  }
0x89: {  	[sflag:s17] =	ssyncadd.s32 $0xFFFFEC00  }
0x8a: {  	[tilespmem:s16], [sflag:$0x1] =	stream.indirect.gather [hbm4b:s4+s19], $0x80, s30, s19, $0xb8;
	[tilespmem:$0x1E800] =	vst v63  }
0x8b: {  	s31 =	simm.s32 $0x80  }
0x8c: {  	[tilespmem:s20], [sflag:$0x2] =	stream.indirect.gather [hbm4b:s4+s19], $0x80, s31, s19, $0xb8;
	[tilespmem:$0x1E800] =	vst v63  }
0x8d: {  	_ =	swait.ge [sflag:s21], $0x4000  }
0x8e: {  	[sflag:s21] =	ssyncset.done $0x0  }
0x8f: {  	s29 =	simm.s32 $0x1400;
	[sflag:s21] =	ssyncadd.s32 $0xFFFFC000  }
0x90: {  	[spmem:s1] =	stream.indirect.scatter.add.f32 [tilespmem:s16], [sflag:$0x3], $0x80, s29, s19, $0xb8;
	[tilespmem:$0x1E800] =	vst v63  }
0x91: {  	_ =	swait.ge [sflag:s17], $0x4000  }
0x92: {  	[sflag:s17] =	ssyncset.done $0x0  }
0x93: {  	s30 =	simm.s32 $0x100;
	[sflag:s17] =	ssyncadd.s32 $0xFFFFC000  }
0x94: {  	[tilespmem:s16], [sflag:$0x1] =	stream.indirect.gather [hbm4b:s4+s19], $0x80, s30, s19, $0xb8;
	[tilespmem:$0x1E800] =	vst v63  }
0x95: {  	_ =	swait.ge [sflag:s22], $0x4000  }
0x96: {  	[sflag:s22] =	ssyncset.done $0x0  }
0x97: {  	s31 =	simm.s32 $0x1480;
	[sflag:s22] =	ssyncadd.s32 $0xFFFFC000  }
0x98: {  	[spmem:s1] =	stream.indirect.scatter.add.f32 [tilespmem:s20], [sflag:$0x3], $0x80, s31, s19, $0xb8;
	[tilespmem:$0x1E800] =	vst v63  }
0x99: {  	_ =	swait.ge [sflag:s17], $0x4000  }
0x9a: {  	s26 =	simm.s32 $0x100;
	s28 =	simm.s32 $0x800;
	[sflag:s17] =	ssyncset.done $0x0  }
.LBB2_6:
0x9b: {  	s29 =	sadd.s32 $0x80, s26  }
0x9c: {  	[sflag:s17] =	ssyncadd.s32 $0xFFFFC000;
	s30 =	smov.u32 s28;
	s31 =	sadd.s32 $0x400, s28  }
0x9d: {  	[tilespmem:s20], [sflag:$0x2] =	stream.indirect.gather [hbm4b:s4+s19], $0x80, s29, s19, $0xb8;
	[tilespmem:$0x1E800] =	vst v63  }
0x9e: {  	p0 =	sne.s32 s28, $0x4800;
	_ =	swait.ge [sflag:s21], $0x4000  }
0x9f: {  	[sflag:s21] =	ssyncset.done $0x0  }
0xa0: {  	s28 =	sadd.s32 $0x1400, s26;
	[sflag:s21] =	ssyncadd.s32 $0xFFFFC000  }
0xa1: {  	[spmem:s1] =	stream.indirect.scatter.add.f32 [tilespmem:s16], [sflag:$0x3], $0x80, s28, s19, $0xb8;
	[tilespmem:$0x1E800] =	vst v63  }
0xa2: {  	_ =	swait.ge [sflag:s17], $0x4000  }
0xa3: {  	[sflag:s17] =	ssyncset.done $0x0  }
0xa4: {  	s28 =	sadd.s32 $0x100, s26;
	[sflag:s17] =	ssyncadd.s32 $0xFFFFC000  }
0xa5: {  	[tilespmem:s16], [sflag:$0x1] =	stream.indirect.gather [hbm4b:s4+s19], $0x80, s28, s19, $0xb8;
	[tilespmem:$0x1E800] =	vst v63  }
0xa6: {  	_ =	swait.ge [sflag:s22], $0x4000  }
.Ltmp2:
0xa7: {  	[sflag:s22] =	ssyncset.done $0x0;
	(pc) =	sbr.rel @p0 .LBB2_6-.Ltmp2, $4  }
0xa8: {  	s26 =	sadd.s32 $0x1480, s26;
	[sflag:s22] =	ssyncadd.s32 $0xFFFFC000  }
0xa9: {  	[spmem:s1] =	stream.indirect.scatter.add.f32 [tilespmem:s20], [sflag:$0x3], $0x80, s26, s19, $0xb8;
	[tilespmem:$0x1E800] =	vst v63  }
0xaa: {  	_ =	swait.ge [sflag:s17], $0x4000  }
0xab: {  	s28 =	smov.u32 s31;
	s26 =	sshra.s32 s30, $0x2;
	[sflag:s17] =	ssyncset.done $0x0  }
0xac: {  	s28 =	sadd.s32 $0x80, s26;
	[sflag:s17] =	ssyncadd.s32 $0xFFFFC000  }
0xad: {  	[tilespmem:s20], [sflag:$0x2] =	stream.indirect.gather [hbm4b:s4+s19], $0x80, s28, s19, $0xb8;
	[tilespmem:$0x1E800] =	vst v63  }
0xae: {  	_ =	swait.ge [sflag:s21], $0x4000  }
0xaf: {  	[sflag:s21] =	ssyncset.done $0x0  }
0xb0: {  	s30 =	sadd.s32 $0x1400, s26;
	[sflag:s21] =	ssyncadd.s32 $0xFFFFC000  }
0xb1: {  	[spmem:s1] =	stream.indirect.scatter.add.f32 [tilespmem:s16], [sflag:$0x3], $0x80, s30, s19, $0xb8;
	[tilespmem:$0x1E800] =	vst v63  }
0xb2: {  	_ =	swait.ge [sflag:s17], $0x4000  }
0xb3: {  	[sflag:s17] =	ssyncset.done $0x0  }
0xb4: {  	s31 =	sadd.s32 $0x100, s26;
	[sflag:s17] =	ssyncadd.s32 $0xFFFFC000  }
0xb5: {  	[tilespmem:s16], [sflag:$0x1] =	stream.indirect.gather [hbm4b:s4+s19], $0x80, s31, s19, $0xb8;
	[tilespmem:$0x1E800] =	vst v63  }
0xb6: {  	_ =	swait.ge [sflag:s22], $0x4000  }
0xb7: {  	[sflag:s22] =	ssyncset.done $0x0  }
0xb8: {  	s29 =	sadd.s32 $0x1480, s26;
	[sflag:s22] =	ssyncadd.s32 $0xFFFFC000  }
0xb9: {  	[spmem:s1] =	stream.indirect.scatter.add.f32 [tilespmem:s20], [sflag:$0x3], $0x80, s29, s19, $0xb8;
	[tilespmem:$0x1E800] =	vst v63  }
0xba: {  	_ =	swait.ge [sflag:s17], $0x4000  }
0xbb: {  	[sflag:s17] =	ssyncset.done $0x0  }
0xbc: {  	[sflag:s17] =	ssyncadd.s32 $0xFFFFC000  }
0xbd: {  	[tilespmem:s20], [sflag:$0x2] =	stream.indirect.gather [hbm4b:s4+s19], $0x80, s23, s19, $0xb8;
	[tilespmem:$0x1E800] =	vst v63  }
0xbe: {  	_ =	swait.ge [sflag:s21], $0x4000  }
0xbf: {  	[sflag:s21] =	ssyncset.done $0x0  }
0xc0: {  	[sflag:s21] =	ssyncadd.s32 $0xFFFFC000  }
0xc1: {  	[spmem:s1] =	stream.indirect.scatter.add.f32 [tilespmem:s16], [sflag:$0x3], $0x80, s24, s19, $0xb8;
	[tilespmem:$0x1E800] =	vst v63  }
0xc2: {  	_ =	swait.ge [sflag:s17], $0x4000  }
0xc3: {  	[sflag:s17] =	ssyncset.done $0x0  }
0xc4: {  	[sflag:s17] =	ssyncadd.s32 $0xFFFFC000  }
0xc5: {  	_ =	swait.ge [sflag:s22], $0x4000  }
0xc6: {  	[sflag:s22] =	ssyncset.done $0x0  }
0xc7: {  	[sflag:s22] =	ssyncadd.s32 $0xFFFFC000  }
0xc8: {  	[spmem:s1] =	stream.indirect.scatter.add.f32 [tilespmem:s20], [sflag:$0x3], $0x80, s25, s19, $0xb8;
	[tilespmem:$0x1E800] =	vst v63  }
0xc9: {  	_ =	swait.ge [sflag:s17], $0x4000  }
0xca: {  	s3 =	sadd.s32 $0x1, s3;
	s30 =	sshll.u32 s2, $0x6;
	[sflag:s17] =	ssyncset.done $0x0  }
0xcb: {  	p0 =	sne.s32 s3, s15;
	s26 =	sor.u32 $0x1C03, s30;
	[sflag:s17] =	ssyncadd.s32 $0xFFFFC000  }
.Ltmp3:
0xcc: {  	s31 =	sshrl.u32 s5, $0x3;
	[bflag:$0x0] =	sbarrier.arrive $0xFFFF;
	(pc) =	sbr.rel @p0 .LBB2_1-.Ltmp3, $4  }
0xcd: {  	[hbm:s14], [sflag:s26] =	dma.local [spmem:s31], $0x2800  }
0xce: {  	_ =	swait.ge [sflag:s17], $0x2800  }
0xcf: {  	[sflag:s17] =	ssyncset.done $0x0  }
0xd0: {  	[sflag:s17] =	ssyncadd.s32 $0xFFFFD800  }
0xd1: {  	_ =	sfence.sel $0x180000  }
0xd2: {  	[bflag:$0x0] =	sbarrier.arrive $0xFFFF  }
0xd3: {  	p0 =	sne.s32 s2, $0x0;
	_ =	strace $0x9000004A  }
0xd4: {  	s0 =	sadd.s32 @!p0 $0x100000, s0;
	[bflag:$0x2] =	sbarrier.arrive $0xFFFF  }
0xd5: {  	[sflag:s0] =	ssyncadd.tile.s32 @!p0 $0x1;
	_ =	shalt  }
.Lfunc_end2:
_tile_overlayer_lowered:
.L_overlay_start_2:
0xd6: {  	(tag) =	ssettag $0x2  }
0xd7: {  	s0 =	rddreg [dreg:$0x0];
	s2 =	stileid.u32  }
0xd8: {  	s1 =	rddreg [dreg:$0x1];
	p0 =	sne.s32 s2, $0x0  }
0xd9: {  	s3 =	rddreg [dreg:$0x2];
	[bflag:$0x3] =	sbarrier.arrive $0xFFFF;
	s2 =	simm.s32 @!p0 $0x1C03  }
0xda: {  	[timem:s3], [sflag:s2] =	dma.local @!p0 [hbm:s0], s1  }
0xdb: {  	s0 =	simm.s32 @!p0 $0x3  }
0xdc: {  	_ =	swait.ge @!p0 [sflag:s0], s1  }
0xdd: {  	s1 =	ssub.s32 @!p0 $0x0, s1;
	[sflag:s0] =	ssyncset.done @!p0 $0x0  }
0xde: {  	[sflag:s0] =	ssyncadd.s32 @!p0 s1  }
0xdf: {  	[bflag:$0x3] =	sbarrier.arrive $0xFFFF  }
0xe0: {  	_ =	shalt  }

// kernel: kernel.16.cloned.1.call-start
scs
__scs_entry_jumppad:
0x0: {  	(pc) =	sbr.rel $0x88, $3  }
0x1: {  	(tag) =	ssettag $0x0;
	lr =	simm.s32 $0x1  }
0x2: {  	[smem:$0x3F98] =	sst lr;
	_ =	strace $0xD0000000  }
0x3: {  	_ = 	snop  }
0x4: {  	_ = 	snop  }
0x5: {  	_ = 	snop  }
0x6: {  	_ = 	snop  }
0x7: {  	_ = 	snop  }
__scs_overlays_trampoline_lowered:
0x8: {  	[smem:$0x3FA7] =	sst s0  }
0x9: {  	[smem:$0x3FA8] =	sst s1  }
0xa: {  	[smem:$0x3FA9] =	sst s2  }
0xb: {  	[smem:$0x3FAA] =	sst s3  }
0xc: {  	[smem:$0x3FAB] =	sst s4  }
0xd: {  	[smem:$0x3FAC] =	sst s5  }
0xe: {  	[smem:$0x3FAD] =	sst s6  }
0xf: {  	[smem:$0x3FAE] =	sst s7  }
0x10: {  	[smem:$0x3FAF] =	sst s8  }
0x11: {  	[smem:$0x3FB0] =	sst s9;
	s0 =	simm.s32 @!p0 $0x0  }
0x12: {  	s1 =	sld [smem:$0x3F96];
	s0 =	simm.s32 @p0 $0x1  }
0x13: {  	[smem:$0x3FB1] =	sst s0;
	s0 =	simm.s32 @!p1 $0x0  }
0x14: {  	s2 =	sld [smem:$0x3F95];
	s0 =	simm.s32 @p1 $0x1  }
0x15: {  	[smem:$0x3FB2] =	sst s0;
	s0 =	simm.s32 @!p2 $0x0  }
0x16: {  	s3 =	sld [smem:$0x3FDB];
	s0 =	simm.s32 @p2 $0x1  }
0x17: {  	s4 =	simm.s32 $0x1BF5;
	[smem:$0x3FB4] =	sst s0  }
0x18: {  	s0 =	sld [smem:$0x3F97];
	_ =	swait.ge [sflag:s4], $0x0  }
0x19: {  	s7 =	sld [smem:$0x3F98]  }
0x1a: {  	s8 =	sadd.s32 $0xFFFFE003, lr  }
0x1b: {  	s9 =	sadd.s32 $0xFFFFFEF7, lr;
	s5 =	simm.s32 $0xFFFFFFFF;
	p2 =	slt.u32 s8, $0xFFFFF086  }
0x1c: {  	p1 =	slt.u32 s9, $0xF7A;
	s5 =	simm.s32 @!p2 $0x0  }
0x1d: {  	s5 =	simm.s32 @p1 $0x1;
	p0 =	seq.s32 s7, s2  }
0x1e: {  	s7 =	smul.u32 @!p0 $0xF7A, s2;
	p2 =	seq.s32 @!p0 s5, $0x0  }
0x1f: {  	s9 =	smul.u32 $0xF7A, s1;
	s8 =	simm.s32 @!p0 $0x1BF5;
	p2 =	por !p2, p0  }
0x20: {  	[sflag:s8] =	ssyncset.s32 @!p0 $0xFFFFF086;
	s6 =	sadd.s32 @!p0 s3, s7;
	s7 =	simm.s32 @!p0 $0x108  }
0x21: {  	s3 =	sadd.s32 s3, s9;
	s6 =	sadd.s32 @!p0 $0x88, s6;
	s7 =	simm.s32 @p2 $0x1082  }
0x22: {  	[simem:s7], [sflag:s8] =	dma.local @!p0 [hbm:s6], $0xF7A  }
0x23: {  	s9 =	sor.u32 $0xD0000000, s2;
	s6 =	simm.s32 $0x108;
	_ =	swait.ge @!p0 [sflag:s8], $0x0  }
0x24: {  	s3 =	sadd.s32 $0x88, s3;
	s6 =	simm.s32 @!p1 $0x1082;
	[sflag:s4] =	ssyncset.s32 $0xFFFFF086  }
0x25: {  	[simem:s6], [sflag:s4] =	dma.local [hbm:s3], $0xF7A  }
0x26: {  	[smem:$0x3F98] =	sst s1;
	(tag) =	ssettag s2;
	_ =	strace s9  }
0x27: {  	s1 =	sld [smem:$0x3FA8]  }
0x28: {  	s2 =	sld [smem:$0x3FA9]  }
0x29: {  	s4 =	sld [smem:$0x3FAB]  }
0x2a: {  	p0 =	seq.s32 s5, $0x0;
	s5 =	sld [smem:$0x3FAC]  }
0x2b: {  	s6 =	sld [smem:$0x3FAD]  }
0x2c: {  	s7 =	sld [smem:$0x3FAE]  }
0x2d: {  	s3 =	simm.s32 $0x108;
	s8 =	sld [smem:$0x3FAF]  }
0x2e: {  	s3 =	simm.s32 @!p0 $0x1082;
	s9 =	sld [smem:$0x3FB0]  }
0x2f: {  	lr =	sadd.s32 s0, s3;
	s0 =	sld [smem:$0x3FA7]  }
0x30: {  	s3 =	sld [smem:$0x3FAA]  }
0x31: {  	[smem:$0x3FB3] =	sst s10  }
0x32: {  	s10 =	sld [smem:$0x3FB1];
	_ =	sdelay $0x3  }
0x33: {  	p0 =	seq.s32 s10, $0x1;
	s10 =	sld [smem:$0x3FB3];
	_ =	sdelay $0x3  }
0x34: {  	[smem:$0x3FB3] =	sst s10  }
0x35: {  	s10 =	sld [smem:$0x3FB2];
	_ =	sdelay $0x3  }
0x36: {  	p1 =	seq.s32 s10, $0x1;
	s10 =	sld [smem:$0x3FB3];
	_ =	sdelay $0x3  }
0x37: {  	[smem:$0x3FB3] =	sst s10  }
0x38: {  	s10 =	sld [smem:$0x3FB4]  }
0x39: {  	_ = 	snop;
	(pc) =	sbr.ind lr, $3  }
0x3a: {  	_ = 	snop  }
0x3b: {  	_ = 	snop  }
0x3c: {  	p2 =	seq.s32 s10, $0x1;
	s10 =	sld [smem:$0x3FB3]  }
0x3d: {  	_ =	shalt  }
0x3e: {  	_ =	shalt  }
0x3f: {  	_ =	shalt  }
0x40: {  	_ =	shalt  }
0x41: {  	_ =	shalt  }
0x42: {  	_ =	shalt  }
0x43: {  	_ =	shalt  }
0x44: {  	_ =	shalt  }
0x45: {  	_ =	shalt  }
0x46: {  	_ =	shalt  }
0x47: {  	_ =	shalt  }
0x48: {  	_ =	shalt  }
0x49: {  	_ =	shalt  }
0x4a: {  	_ =	shalt  }
0x4b: {  	_ =	shalt  }
0x4c: {  	_ =	shalt  }
0x4d: {  	_ =	shalt  }
0x4e: {  	_ =	shalt  }
0x4f: {  	_ =	shalt  }
0x50: {  	_ =	shalt  }
0x51: {  	_ =	shalt  }
0x52: {  	_ =	shalt  }
0x53: {  	_ =	shalt  }
0x54: {  	_ =	shalt  }
0x55: {  	_ =	shalt  }
0x56: {  	_ =	shalt  }
0x57: {  	_ =	shalt  }
0x58: {  	_ =	shalt  }
0x59: {  	_ =	shalt  }
0x5a: {  	_ =	shalt  }
0x5b: {  	_ =	shalt  }
0x5c: {  	_ =	shalt  }
0x5d: {  	_ =	shalt  }
0x5e: {  	_ =	shalt  }
0x5f: {  	_ =	shalt  }
0x60: {  	_ =	shalt  }
0x61: {  	_ =	shalt  }
0x62: {  	_ =	shalt  }
0x63: {  	_ =	shalt  }
0x64: {  	_ =	shalt  }
0x65: {  	_ =	shalt  }
0x66: {  	_ =	shalt  }
0x67: {  	_ =	shalt  }
0x68: {  	_ =	shalt  }
0x69: {  	_ =	shalt  }
0x6a: {  	_ =	shalt  }
0x6b: {  	_ =	shalt  }
0x6c: {  	_ =	shalt  }
0x6d: {  	_ =	shalt  }
0x6e: {  	_ =	shalt  }
0x6f: {  	_ =	shalt  }
0x70: {  	_ =	shalt  }
0x71: {  	_ =	shalt  }
0x72: {  	_ =	shalt  }
0x73: {  	_ =	shalt  }
0x74: {  	_ =	shalt  }
0x75: {  	_ =	shalt  }
0x76: {  	_ =	shalt  }
0x77: {  	_ =	shalt  }
0x78: {  	_ =	shalt  }
0x79: {  	_ =	shalt  }
0x7a: {  	_ =	shalt  }
0x7b: {  	_ =	shalt  }
0x7c: {  	_ =	shalt  }
0x7d: {  	_ =	shalt  }
0x7e: {  	_ =	shalt  }
0x7f: {  	_ =	shalt  }
0x80: {  	_ =	shalt  }
0x81: {  	_ =	shalt  }
0x82: {  	_ =	shalt  }
0x83: {  	_ =	shalt  }
0x84: {  	_ =	shalt  }
0x85: {  	_ =	shalt  }
0x86: {  	_ =	shalt  }
0x87: {  	_ =	shalt  }
.Lfunc_end0:
.L_simem_size_0:
called_computation.2_lowered:
.L_overlay_start_0:
0x88: {  	s2 =	sld [smem:$0x3FD9]  }
0x89: {  	s3 =	sld [smem:$0x3FFE];
	_ =	sdelay $0x1  }
0x8a: {  	s1 =	srdreg.scid  }
0x8b: {  	s0 =	sand.u32 $0x1, s1  }
0x8c: {  	s16 =	sshll.u32 s0, $0xA;
	s2 =	sadd.s32 s3, s2  }
0x8d: {  	s2 =	sadd.s32 s2, s16  }
0x8e: {  	[smem:$0x3FBF] =	sst s2  }
0x8f: {  	_ = 	snop  }
0x90: {  	(tm) =	ssettm $0x1  }
0x91: {  	s17 =	sld [smem:$0x3FFB];
	_ =	sdelay $0x3  }
0x92: {  	_ =	strace s17  }
0x93: {  	s2 =	sld [smem:$0x3FFC];
	_ =	sdelay $0x3  }
0x94: {  	_ =	strace s2  }
0x95: {  	s2 =	sld [smem:$0x3FFD];
	_ =	sdelay $0x3  }
0x96: {  	_ =	strace s2  }
0x97: {  	_ =	strace $0x8FFFFFFF  }
0x98: {  	s18 =	sld [smem:$0x3FDB];
	_ =	sdelay $0x1  }
0x99: {  	s19 =	simm.s32 $_scs_section_size  }
0x9a: {  	s4 =	simm.s32 $_size__tile_overlayer_lowered;
	s5 =	simm.s32 $_tile_overlayer_lowered  }
0x9b: {  	s22 =	simm.s32 $0x1BFF;
	s21 =	sshll.u32 s5, $0x1;
	s2 =	sadd.s32 s19, s18  }
0x9c: {  	s6 =	simm.s32 $0x0;
	s20 =	sshll.u32 s4, $0x1;
	s4 =	sadd.s32 s21, s2  }
0x9d: {  	[timem:s6], [sflag:s22] =	dma.local [hbm:s4], s20  }
0x9e: {  	_ =	swait.ge [sflag:s22], s20  }
0x9f: {  	s3 =	ssub.s32 $0x0, s20;
	[sflag:s22] =	ssyncset.done $0x0  }
0xa0: {  	[sflag:s22] =	ssyncadd.s32 s3;
	_ =	sdelay $0x1  }
0xa1: {  	s23 =	simm.s32 $0x1B8B  }
0xa2: {  	_ =	swait.ge [sflag:s23], $0x1  }
0xa3: {  	[sflag:s23] =	ssyncset.done $0x0  }
0xa4: {  	s25 =	simm.s32 $0x1B8E;
	s24 =	sld [smem:$0x3FFE];
	[sflag:s23] =	ssyncadd.s32 $0xFFFFFFFF  }
0xa5: {  	s26 =	simm.s32 $execute0_lowered;
	[smem:$0x3FD2] =	sst s25  }
0xa6: {  	s4 =	sshll.u32 s26, $0x1;
	_ =	strace $0x8000004C;
	[dreg:$0x1] =	wrdreg $0xFFFFFFFF  }
0xa7: {  	s28 =	simm.s32 $_size_execute0_lowered;
	s2 =	sadd.s32 s2, s4;
	[dreg:$0x0] =	wrdreg $0x0  }
0xa8: {  	s4 =	sshll.u32 s28, $0x1;
	[dreg:$0x2] =	wrdreg s2  }
0xa9: {  	[dreg:$0x3] =	wrdreg s4  }
0xaa: {  	[dreg:$0x4] =	wrdreg $0xC0  }
0xab: {  	_ =	task [dreg:s6], $0x5FFFF  }
0xac: {  	[dreg:$0x1] =	wrdreg $0xFFFFFFFF  }
0xad: {  	[dreg:$0x0] =	wrdreg $0x60  }
0xae: {  	[dreg:$0x2] =	wrdreg s24  }
0xaf: {  	[dreg:$0x3] =	wrdreg $0xA8000  }
0xb0: {  	[dreg:$0x4] =	wrdreg $0x9  }
0xb1: {  	_ =	task.clear_ibuf [dreg:s6], $0x5FFFF;
	_ =	strace $0x9000004C  }
0xb2: {  	s29 =	simm.s32 $0x9;
	_ =	strace $0x8000004E  }
0xb3: {  	_ =	swait.ge [sflag:s29], $0x1  }
0xb4: {  	[sflag:s29] =	ssyncadd.s32 $0xFFFFFFFF  }
0xb5: {  	_ =	strace $0x9000004E  }
0xb6: {  	_ =	sfence  }
0xb7: {  	s30 =	sld [smem:$0x0];
	_ =	sdelay $0x2  }
0xb8: {  	s31 =	sshll.u32 s1, $0xD;
	s1 =	sshrl.u32 s1, $0x2  }
0xb9: {  	s3 =	sand.u32 $0x4000, s31;
	s1 =	sadd.s32 s1, s30  }
0xba: {  	s0 =	sor.u32 s3, s0;
	s1 =	sshll.u32 s1, $0x11  }
0xbb: {  	s0 =	sor.u32 s1, s0  }
0xbc: {  	s0 =	sadd.s32 $0x8F2B, s0  }
0xbd: {  	[sflag:s0] =	ssyncadd.remote.s32 $0x1  }
0xbe: {  	_ =	sfence.sel $0xFFFF  }
0xbf: {  	[dreg:$0x0] =	wrdreg $0xFFFFFFFF;
	(pc) =	sbr.abs _section_cstart, $3  }
0xc0: {  	[dreg:$0x1] =	wrdreg $0xFFFFFFFF  }
0xc1: {  	_ =	task.clear_ibuf [dreg:s6], $0x2FFFF;
	_ =	strace $0x9FFFFFFF  }
0xc2: {  	(tm) =	ssettm $0x7FFFFFFF  }
0xc3: {  	_ =	shalt  }
tec
execute0_lowered:
.L_overlay_start_1:
0x0: {  	(tag) =	ssettag $0x1  }
0x1: {  	s6 =	rddreg [dreg:$0x0]  }
0x2: {  	s1 =	rddreg [dreg:$0x1];
	s2 =	srdreg.scid  }
0x3: {  	s0 =	rddreg [dreg:$0x2];
	s3 =	simm.s32 $0x0;
	s17 =	simm.s32 $0x3  }
0x4: {  	s18 =	simm.s32 $0x1400;
	s19 =	simm.s32 $0x80;
	s20 =	simm.s32 $0x6800  }
0x5: {  	s21 =	simm.s32 $0x1;
	s22 =	simm.s32 $0x2;
	s23 =	simm.s32 $0x1380  }
0x6: {  	s24 =	simm.s32 $0x2700;
	s5 =	sand.u32 $0x1, s2;
	s2 =	stileid.u32  }
0x7: {  	s25 =	simm.s32 $0x2780;
	[smem:$0x7FF] =	sst s3;
	s4 =	smul.u32 $0x140000, s5  }
0x8: {  	s12 =	sadd.s32 $0xF000, s6;
	s13 =	sadd.s32 $0x5000, s6;
	s7 =	smul.u32 $0x14000, s2  }
0x9: {  	s8 =	smul.u32 $0x50000, s2;
	s9 =	sshll.u32 s5, $0x4;
	s10 =	ssub.s32 $0x2, s5  }
0xa: {  	_ =	strace $0x8000004D;
	s9 =	sor.u32 s2, s9;
	s31 =	sshrl.u32 s10, $0x1  }
0xb: {  	s7 =	sadd.s32 s7, s4;
	s4 =	sadd.s32 $0x19000, s6;
	s30 =	sshrl.u32 s8, $0x2  }
0xc: {  	s9 =	smul.u32 $0x2800, s9;
	s15 =	ssub.s32 s10, s31;
	s7 =	sshrl.u32 s7, $0x3  }
0xd: {  	s5 =	sadd.s32 s30, s1;
	s15 =	smax.u32 s15, $0x1;
	s14 =	sadd.s32 s7, s6  }
0xe: {  	s6 =	sadd.s32 $0x4000, s5;
	s7 =	sadd.s32 $0x8000, s5;
	s11 =	sshrl.u32 s9, $0x3  }
0xf: {  	s8 =	sadd.s32 $0xC000, s5;
	s9 =	sadd.s32 $0x10000, s5;
	s10 =	sadd.s32 s12, s11  }
0x10: {  	s16 =	sadd.s32 $0x280, s11;
	s11 =	sadd.s32 s13, s11;
	s14 =	sadd.s32 $0x69000, s14  }
0x11: {  	v0 =	vimm.f32 $0.0e+00;
	s12 =	sadd.s32 s12, s16;
	s13 =	sadd.s32 s13, s16;
	s16 =	simm.s32 $0x2800  }
.LBB2_1:
0x12: {  	s26 =	simm.s32 $0x0;
	s28 =	simm.s32 $0x200  }
.LBB2_2:
0x13: {  	p0 =	sne.s32 s28, $0xFE00;
	[tilespmem:s26+$0x2870] =	vst v0  }
0x14: {  	[tilespmem:s26+$0x2800] =	vst v0  }
0x15: {  	[tilespmem:s26+$0x2810] =	vst v0  }
.Ltmp0:
0x16: {  	[tilespmem:s26+$0x2820] =	vst v0;
	(pc) =	sbr.rel @p0 .LBB2_2-.Ltmp0, $4  }
0x17: {  	[tilespmem:s26+$0x2830] =	vst v0  }
0x18: {  	[tilespmem:s26+$0x2840] =	vst v0  }
0x19: {  	[tilespmem:s26+$0x2850] =	vst v0  }
0x1a: {  	[tilespmem:s26+$0x2860] =	vst v0;
	s26 =	sshra.s32 s28, $0x2;
	s28 =	sadd.s32 $0x200, s28  }
0x1b: {  	[tilespmem:s26+$0x2870] =	vst v0  }
0x1c: {  	[tilespmem:s26+$0x2800] =	vst v0  }
0x1d: {  	[tilespmem:s26+$0x2810] =	vst v0  }
0x1e: {  	[tilespmem:s26+$0x2820] =	vst v0  }
0x1f: {  	[tilespmem:s26+$0x2830] =	vst v0  }
0x20: {  	[tilespmem:s26+$0x2840] =	vst v0  }
0x21: {  	[tilespmem:s26+$0x2850] =	vst v0  }
0x22: {  	[tilespmem:s26+$0x2860] =	vst v0  }
0x23: {  	[spmem:s5] =	stream.linear.scatter [tilespmem:s16], [sflag:$0x3], $0x4000, $0x38;
	[tilespmem:$0x1E800] =	vst v63  }
0x24: {  	_ =	swait.ge [sflag:s17], $0x4000  }
0x25: {  	[sflag:s17] =	ssyncset.done $0x0  }
0x26: {  	[sflag:s17] =	ssyncadd.s32 $0xFFFFC000  }
0x27: {  	[spmem:s6] =	stream.linear.scatter [tilespmem:s16], [sflag:$0x3], $0x4000, $0x38;
	[tilespmem:$0x1E800] =	vst v63  }
0x28: {  	_ =	swait.ge [sflag:s17], $0x4000  }
0x29: {  	[sflag:s17] =	ssyncset.done $0x0  }
0x2a: {  	[sflag:s17] =	ssyncadd.s32 $0xFFFFC000  }
0x2b: {  	[spmem:s7] =	stream.linear.scatter [tilespmem:s16], [sflag:$0x3], $0x4000, $0x38;
	[tilespmem:$0x1E800] =	vst v63  }
0x2c: {  	_ =	swait.ge [sflag:s17], $0x4000  }
0x2d: {  	[sflag:s17] =	ssyncset.done $0x0  }
0x2e: {  	[sflag:s17] =	ssyncadd.s32 $0xFFFFC000  }
0x2f: {  	[spmem:s8] =	stream.linear.scatter [tilespmem:s16], [sflag:$0x3], $0x4000, $0x38;
	[tilespmem:$0x1E800] =	vst v63  }
0x30: {  	_ =	swait.ge [sflag:s17], $0x4000  }
0x31: {  	[sflag:s17] =	ssyncset.done $0x0  }
0x32: {  	[sflag:s17] =	ssyncadd.s32 $0xFFFFC000  }
0x33: {  	[spmem:s9] =	stream.linear.scatter [tilespmem:s16], [sflag:$0x3], $0x4000, $0x38;
	[tilespmem:$0x1E800] =	vst v63  }
0x34: {  	_ =	swait.ge [sflag:s17], $0x4000  }
0x35: {  	[sflag:s17] =	ssyncset.done $0x0  }
0x36: {  	[sflag:s17] =	ssyncadd.s32 $0xFFFFC000  }
0x37: {  	s30 =	simm.s32 $0x0;
	[bflag:$0x0] =	sbarrier.arrive $0xFFFF  }
0x38: {  	[tilespmem:s30], [sflag:$0x3] =	stream.linear.gather [hbm4b:s10+s30], $0x1400, $0x38;
	[tilespmem:$0x1E800] =	vst v63  }
0x39: {  	_ =	swait.ge [sflag:s17], $0x1400  }
0x3a: {  	[sflag:s17] =	ssyncset.done $0x0  }
0x3b: {  	[sflag:s17] =	ssyncadd.s32 $0xFFFFEC00  }
0x3c: {  	[tilespmem:s18], [sflag:$0x3] =	stream.linear.gather [hbm4b:s11+s30], $0x1400, $0x38;
	[tilespmem:$0x1E800] =	vst v63  }
0x3d: {  	_ =	swait.ge [sflag:s17], $0x1400  }
0x3e: {  	[sflag:s17] =	ssyncset.done $0x0  }
0x3f: {  	[sflag:s17] =	ssyncadd.s32 $0xFFFFEC00  }
0x40: {  	[tilespmem:s16], [sflag:$0x1] =	stream.indirect.gather [hbm4b:s4+s19], $0x80, s30, s19, $0xb8;
	[tilespmem:$0x1E800] =	vst v63  }
0x41: {  	s31 =	simm.s32 $0x80  }
0x42: {  	[tilespmem:s20], [sflag:$0x2] =	stream.indirect.gather [hbm4b:s4+s19], $0x80, s31, s19, $0xb8;
	[tilespmem:$0x1E800] =	vst v63  }
0x43: {  	_ =	swait.ge [sflag:s21], $0x4000  }
0x44: {  	[sflag:s21] =	ssyncset.done $0x0  }
0x45: {  	s29 =	simm.s32 $0x1400;
	[sflag:s21] =	ssyncadd.s32 $0xFFFFC000  }
0x46: {  	[spmem:s1] =	stream.indirect.scatter.add.f32 [tilespmem:s16], [sflag:$0x3], $0x80, s29, s19, $0xb8;
	[tilespmem:$0x1E800] =	vst v63  }
0x47: {  	_ =	swait.ge [sflag:s17], $0x4000  }
0x48: {  	[sflag:s17] =	ssyncset.done $0x0  }
0x49: {  	s30 =	simm.s32 $0x100;
	[sflag:s17] =	ssyncadd.s32 $0xFFFFC000  }
0x4a: {  	[tilespmem:s16], [sflag:$0x1] =	stream.indirect.gather [hbm4b:s4+s19], $0x80, s30, s19, $0xb8;
	[tilespmem:$0x1E800] =	vst v63  }
0x4b: {  	_ =	swait.ge [sflag:s22], $0x4000  }
0x4c: {  	[sflag:s22] =	ssyncset.done $0x0  }
0x4d: {  	s31 =	simm.s32 $0x1480;
	[sflag:s22] =	ssyncadd.s32 $0xFFFFC000  }
0x4e: {  	[spmem:s1] =	stream.indirect.scatter.add.f32 [tilespmem:s20], [sflag:$0x3], $0x80, s31, s19, $0xb8;
	[tilespmem:$0x1E800] =	vst v63  }
0x4f: {  	_ =	swait.ge [sflag:s17], $0x4000  }
0x50: {  	s28 =	simm.s32 $0x800;
	s26 =	simm.s32 $0x100;
	[sflag:s17] =	ssyncset.done $0x0  }
.LBB2_4:
0x51: {  	s29 =	sadd.s32 $0x80, s26  }
0x52: {  	[sflag:s17] =	ssyncadd.s32 $0xFFFFC000;
	s30 =	smov.u32 s28;
	s31 =	sadd.s32 $0x400, s28  }
0x53: {  	[tilespmem:s20], [sflag:$0x2] =	stream.indirect.gather [hbm4b:s4+s19], $0x80, s29, s19, $0xb8;
	[tilespmem:$0x1E800] =	vst v63  }
0x54: {  	p0 =	sne.s32 s28, $0x4800;
	_ =	swait.ge [sflag:s21], $0x4000  }
0x55: {  	[sflag:s21] =	ssyncset.done $0x0  }
0x56: {  	s28 =	sadd.s32 $0x1400, s26;
	[sflag:s21] =	ssyncadd.s32 $0xFFFFC000  }
0x57: {  	[spmem:s1] =	stream.indirect.scatter.add.f32 [tilespmem:s16], [sflag:$0x3], $0x80, s28, s19, $0xb8;
	[tilespmem:$0x1E800] =	vst v63  }
0x58: {  	_ =	swait.ge [sflag:s17], $0x4000  }
0x59: {  	[sflag:s17] =	ssyncset.done $0x0  }
0x5a: {  	s28 =	sadd.s32 $0x100, s26;
	[sflag:s17] =	ssyncadd.s32 $0xFFFFC000  }
0x5b: {  	[tilespmem:s16], [sflag:$0x1] =	stream.indirect.gather [hbm4b:s4+s19], $0x80, s28, s19, $0xb8;
	[tilespmem:$0x1E800] =	vst v63  }
0x5c: {  	_ =	swait.ge [sflag:s22], $0x4000  }
.Ltmp1:
0x5d: {  	[sflag:s22] =	ssyncset.done $0x0;
	(pc) =	sbr.rel @p0 .LBB2_4-.Ltmp1, $4  }
0x5e: {  	s26 =	sadd.s32 $0x1480, s26;
	[sflag:s22] =	ssyncadd.s32 $0xFFFFC000  }
0x5f: {  	[spmem:s1] =	stream.indirect.scatter.add.f32 [tilespmem:s20], [sflag:$0x3], $0x80, s26, s19, $0xb8;
	[tilespmem:$0x1E800] =	vst v63  }
0x60: {  	_ =	swait.ge [sflag:s17], $0x4000  }
0x61: {  	s28 =	smov.u32 s31;
	s26 =	sshra.s32 s30, $0x2;
	[sflag:s17] =	ssyncset.done $0x0  }
0x62: {  	s28 =	sadd.s32 $0x80, s26;
	[sflag:s17] =	ssyncadd.s32 $0xFFFFC000  }
0x63: {  	[tilespmem:s20], [sflag:$0x2] =	stream.indirect.gather [hbm4b:s4+s19], $0x80, s28, s19, $0xb8;
	[tilespmem:$0x1E800] =	vst v63  }
0x64: {  	_ =	swait.ge [sflag:s21], $0x4000  }
0x65: {  	[sflag:s21] =	ssyncset.done $0x0  }
0x66: {  	s28 =	sadd.s32 $0x1400, s26;
	[sflag:s21] =	ssyncadd.s32 $0xFFFFC000  }
0x67: {  	[spmem:s1] =	stream.indirect.scatter.add.f32 [tilespmem:s16], [sflag:$0x3], $0x80, s28, s19, $0xb8;
	[tilespmem:$0x1E800] =	vst v63  }
0x68: {  	_ =	swait.ge [sflag:s17], $0x4000  }
0x69: {  	[sflag:s17] =	ssyncset.done $0x0  }
0x6a: {  	s28 =	sadd.s32 $0x100, s26;
	[sflag:s17] =	ssyncadd.s32 $0xFFFFC000  }
0x6b: {  	[tilespmem:s16], [sflag:$0x1] =	stream.indirect.gather [hbm4b:s4+s19], $0x80, s28, s19, $0xb8;
	[tilespmem:$0x1E800] =	vst v63  }
0x6c: {  	_ =	swait.ge [sflag:s22], $0x4000  }
0x6d: {  	[sflag:s22] =	ssyncset.done $0x0  }
0x6e: {  	s29 =	sadd.s32 $0x1480, s26;
	[sflag:s22] =	ssyncadd.s32 $0xFFFFC000  }
0x6f: {  	[spmem:s1] =	stream.indirect.scatter.add.f32 [tilespmem:s20], [sflag:$0x3], $0x80, s29, s19, $0xb8;
	[tilespmem:$0x1E800] =	vst v63  }
0x70: {  	_ =	swait.ge [sflag:s17], $0x4000  }
0x71: {  	[sflag:s17] =	ssyncset.done $0x0  }
0x72: {  	[sflag:s17] =	ssyncadd.s32 $0xFFFFC000  }
0x73: {  	[tilespmem:s20], [sflag:$0x2] =	stream.indirect.gather [hbm4b:s4+s19], $0x80, s23, s19, $0xb8;
	[tilespmem:$0x1E800] =	vst v63  }
0x74: {  	_ =	swait.ge [sflag:s21], $0x4000  }
0x75: {  	[sflag:s21] =	ssyncset.done $0x0  }
0x76: {  	[sflag:s21] =	ssyncadd.s32 $0xFFFFC000  }
0x77: {  	[spmem:s1] =	stream.indirect.scatter.add.f32 [tilespmem:s16], [sflag:$0x3], $0x80, s24, s19, $0xb8;
	[tilespmem:$0x1E800] =	vst v63  }
0x78: {  	_ =	swait.ge [sflag:s17], $0x4000  }
0x79: {  	[sflag:s17] =	ssyncset.done $0x0  }
0x7a: {  	[sflag:s17] =	ssyncadd.s32 $0xFFFFC000  }
0x7b: {  	_ =	swait.ge [sflag:s22], $0x4000  }
0x7c: {  	[sflag:s22] =	ssyncset.done $0x0  }
0x7d: {  	[sflag:s22] =	ssyncadd.s32 $0xFFFFC000  }
0x7e: {  	[spmem:s1] =	stream.indirect.scatter.add.f32 [tilespmem:s20], [sflag:$0x3], $0x80, s25, s19, $0xb8;
	[tilespmem:$0x1E800] =	vst v63  }
0x7f: {  	_ =	swait.ge [sflag:s17], $0x4000  }
0x80: {  	[sflag:s17] =	ssyncset.done $0x0  }
0x81: {  	s30 =	simm.s32 $0x0;
	[sflag:s17] =	ssyncadd.s32 $0xFFFFC000  }
0x82: {  	[tilespmem:s30], [sflag:$0x3] =	stream.linear.gather [hbm4b:s12+s30], $0x1400, $0x38;
	[tilespmem:$0x1E800] =	vst v63  }
0x83: {  	_ =	swait.ge [sflag:s17], $0x1400  }
0x84: {  	[sflag:s17] =	ssyncset.done $0x0  }
0x85: {  	[sflag:s17] =	ssyncadd.s32 $0xFFFFEC00  }
0x86: {  	[tilespmem:s18], [sflag:$0x3] =	stream.linear.gather [hbm4b:s13+s30], $0x1400, $0x38;
	[tilespmem:$0x1E800] =	vst v63  }
0x87: {  	_ =	swait.ge [sflag:s17], $0x1400  }
0x88: {  	[sflag:s17] =	ssyncset.done $0x0  }
0x89: {  	[sflag:s17] =	ssyncadd.s32 $0xFFFFEC00  }
0x8a: {  	[tilespmem:s16], [sflag:$0x1] =	stream.indirect.gather [hbm4b:s4+s19], $0x80, s30, s19, $0xb8;
	[tilespmem:$0x1E800] =	vst v63  }
0x8b: {  	s31 =	simm.s32 $0x80  }
0x8c: {  	[tilespmem:s20], [sflag:$0x2] =	stream.indirect.gather [hbm4b:s4+s19], $0x80, s31, s19, $0xb8;
	[tilespmem:$0x1E800] =	vst v63  }
0x8d: {  	_ =	swait.ge [sflag:s21], $0x4000  }
0x8e: {  	[sflag:s21] =	ssyncset.done $0x0  }
0x8f: {  	s29 =	simm.s32 $0x1400;
	[sflag:s21] =	ssyncadd.s32 $0xFFFFC000  }
0x90: {  	[spmem:s1] =	stream.indirect.scatter.add.f32 [tilespmem:s16], [sflag:$0x3], $0x80, s29, s19, $0xb8;
	[tilespmem:$0x1E800] =	vst v63  }
0x91: {  	_ =	swait.ge [sflag:s17], $0x4000  }
0x92: {  	[sflag:s17] =	ssyncset.done $0x0  }
0x93: {  	s30 =	simm.s32 $0x100;
	[sflag:s17] =	ssyncadd.s32 $0xFFFFC000  }
0x94: {  	[tilespmem:s16], [sflag:$0x1] =	stream.indirect.gather [hbm4b:s4+s19], $0x80, s30, s19, $0xb8;
	[tilespmem:$0x1E800] =	vst v63  }
0x95: {  	_ =	swait.ge [sflag:s22], $0x4000  }
0x96: {  	[sflag:s22] =	ssyncset.done $0x0  }
0x97: {  	s31 =	simm.s32 $0x1480;
	[sflag:s22] =	ssyncadd.s32 $0xFFFFC000  }
0x98: {  	[spmem:s1] =	stream.indirect.scatter.add.f32 [tilespmem:s20], [sflag:$0x3], $0x80, s31, s19, $0xb8;
	[tilespmem:$0x1E800] =	vst v63  }
0x99: {  	_ =	swait.ge [sflag:s17], $0x4000  }
0x9a: {  	s26 =	simm.s32 $0x100;
	s28 =	simm.s32 $0x800;
	[sflag:s17] =	ssyncset.done $0x0  }
.LBB2_6:
0x9b: {  	s29 =	sadd.s32 $0x80, s26  }
0x9c: {  	[sflag:s17] =	ssyncadd.s32 $0xFFFFC000;
	s30 =	smov.u32 s28;
	s31 =	sadd.s32 $0x400, s28  }
0x9d: {  	[tilespmem:s20], [sflag:$0x2] =	stream.indirect.gather [hbm4b:s4+s19], $0x80, s29, s19, $0xb8;
	[tilespmem:$0x1E800] =	vst v63  }
0x9e: {  	p0 =	sne.s32 s28, $0x4800;
	_ =	swait.ge [sflag:s21], $0x4000  }
0x9f: {  	[sflag:s21] =	ssyncset.done $0x0  }
0xa0: {  	s28 =	sadd.s32 $0x1400, s26;
	[sflag:s21] =	ssyncadd.s32 $0xFFFFC000  }
0xa1: {  	[spmem:s1] =	stream.indirect.scatter.add.f32 [tilespmem:s16], [sflag:$0x3], $0x80, s28, s19, $0xb8;
	[tilespmem:$0x1E800] =	vst v63  }
0xa2: {  	_ =	swait.ge [sflag:s17], $0x4000  }
0xa3: {  	[sflag:s17] =	ssyncset.done $0x0  }
0xa4: {  	s28 =	sadd.s32 $0x100, s26;
	[sflag:s17] =	ssyncadd.s32 $0xFFFFC000  }
0xa5: {  	[tilespmem:s16], [sflag:$0x1] =	stream.indirect.gather [hbm4b:s4+s19], $0x80, s28, s19, $0xb8;
	[tilespmem:$0x1E800] =	vst v63  }
0xa6: {  	_ =	swait.ge [sflag:s22], $0x4000  }
.Ltmp2:
0xa7: {  	[sflag:s22] =	ssyncset.done $0x0;
	(pc) =	sbr.rel @p0 .LBB2_6-.Ltmp2, $4  }
0xa8: {  	s26 =	sadd.s32 $0x1480, s26;
	[sflag:s22] =	ssyncadd.s32 $0xFFFFC000  }
0xa9: {  	[spmem:s1] =	stream.indirect.scatter.add.f32 [tilespmem:s20], [sflag:$0x3], $0x80, s26, s19, $0xb8;
	[tilespmem:$0x1E800] =	vst v63  }
0xaa: {  	_ =	swait.ge [sflag:s17], $0x4000  }
0xab: {  	s28 =	smov.u32 s31;
	s26 =	sshra.s32 s30, $0x2;
	[sflag:s17] =	ssyncset.done $0x0  }
0xac: {  	s28 =	sadd.s32 $0x80, s26;
	[sflag:s17] =	ssyncadd.s32 $0xFFFFC000  }
0xad: {  	[tilespmem:s20], [sflag:$0x2] =	stream.indirect.gather [hbm4b:s4+s19], $0x80, s28, s19, $0xb8;
	[tilespmem:$0x1E800] =	vst v63  }
0xae: {  	_ =	swait.ge [sflag:s21], $0x4000  }
0xaf: {  	[sflag:s21] =	ssyncset.done $0x0  }
0xb0: {  	s30 =	sadd.s32 $0x1400, s26;
	[sflag:s21] =	ssyncadd.s32 $0xFFFFC000  }
0xb1: {  	[spmem:s1] =	stream.indirect.scatter.add.f32 [tilespmem:s16], [sflag:$0x3], $0x80, s30, s19, $0xb8;
	[tilespmem:$0x1E800] =	vst v63  }
0xb2: {  	_ =	swait.ge [sflag:s17], $0x4000  }
0xb3: {  	[sflag:s17] =	ssyncset.done $0x0  }
0xb4: {  	s31 =	sadd.s32 $0x100, s26;
	[sflag:s17] =	ssyncadd.s32 $0xFFFFC000  }
0xb5: {  	[tilespmem:s16], [sflag:$0x1] =	stream.indirect.gather [hbm4b:s4+s19], $0x80, s31, s19, $0xb8;
	[tilespmem:$0x1E800] =	vst v63  }
0xb6: {  	_ =	swait.ge [sflag:s22], $0x4000  }
0xb7: {  	[sflag:s22] =	ssyncset.done $0x0  }
0xb8: {  	s29 =	sadd.s32 $0x1480, s26;
	[sflag:s22] =	ssyncadd.s32 $0xFFFFC000  }
0xb9: {  	[spmem:s1] =	stream.indirect.scatter.add.f32 [tilespmem:s20], [sflag:$0x3], $0x80, s29, s19, $0xb8;
	[tilespmem:$0x1E800] =	vst v63  }
0xba: {  	_ =	swait.ge [sflag:s17], $0x4000  }
0xbb: {  	[sflag:s17] =	ssyncset.done $0x0  }
0xbc: {  	[sflag:s17] =	ssyncadd.s32 $0xFFFFC000  }
0xbd: {  	[tilespmem:s20], [sflag:$0x2] =	stream.indirect.gather [hbm4b:s4+s19], $0x80, s23, s19, $0xb8;
	[tilespmem:$0x1E800] =	vst v63  }
0xbe: {  	_ =	swait.ge [sflag:s21], $0x4000  }
0xbf: {  	[sflag:s21] =	ssyncset.done $0x0  }
0xc0: {  	[sflag:s21] =	ssyncadd.s32 $0xFFFFC000  }
0xc1: {  	[spmem:s1] =	stream.indirect.scatter.add.f32 [tilespmem:s16], [sflag:$0x3], $0x80, s24, s19, $0xb8;
	[tilespmem:$0x1E800] =	vst v63  }
0xc2: {  	_ =	swait.ge [sflag:s17], $0x4000  }
0xc3: {  	[sflag:s17] =	ssyncset.done $0x0  }
0xc4: {  	[sflag:s17] =	ssyncadd.s32 $0xFFFFC000  }
0xc5: {  	_ =	swait.ge [sflag:s22], $0x4000  }
0xc6: {  	[sflag:s22] =	ssyncset.done $0x0  }
0xc7: {  	[sflag:s22] =	ssyncadd.s32 $0xFFFFC000  }
0xc8: {  	[spmem:s1] =	stream.indirect.scatter.add.f32 [tilespmem:s20], [sflag:$0x3], $0x80, s25, s19, $0xb8;
	[tilespmem:$0x1E800] =	vst v63  }
0xc9: {  	_ =	swait.ge [sflag:s17], $0x4000  }
0xca: {  	s3 =	sadd.s32 $0x1, s3;
	s30 =	sshll.u32 s2, $0x6;
	[sflag:s17] =	ssyncset.done $0x0  }
0xcb: {  	p0 =	sne.s32 s3, s15;
	s26 =	sor.u32 $0x1C03, s30;
	[sflag:s17] =	ssyncadd.s32 $0xFFFFC000  }
.Ltmp3:
0xcc: {  	s31 =	sshrl.u32 s5, $0x3;
	[bflag:$0x0] =	sbarrier.arrive $0xFFFF;
	(pc) =	sbr.rel @p0 .LBB2_1-.Ltmp3, $4  }
0xcd: {  	[hbm:s14], [sflag:s26] =	dma.local [spmem:s31], $0x2800  }
0xce: {  	_ =	swait.ge [sflag:s17], $0x2800  }
0xcf: {  	[sflag:s17] =	ssyncset.done $0x0  }
0xd0: {  	[sflag:s17] =	ssyncadd.s32 $0xFFFFD800  }
0xd1: {  	_ =	sfence.sel $0x180000  }
0xd2: {  	[bflag:$0x0] =	sbarrier.arrive $0xFFFF  }
0xd3: {  	p0 =	sne.s32 s2, $0x0;
	_ =	strace $0x9000004D  }
0xd4: {  	s0 =	sadd.s32 @!p0 $0x100000, s0;
	[bflag:$0x2] =	sbarrier.arrive $0xFFFF  }
0xd5: {  	[sflag:s0] =	ssyncadd.tile.s32 @!p0 $0x1;
	_ =	shalt  }
.Lfunc_end2:
_tile_overlayer_lowered:
.L_overlay_start_2:
0xd6: {  	(tag) =	ssettag $0x2  }
0xd7: {  	s0 =	rddreg [dreg:$0x0];
	s2 =	stileid.u32  }
0xd8: {  	s1 =	rddreg [dreg:$0x1];
	p0 =	sne.s32 s2, $0x0  }
0xd9: {  	s3 =	rddreg [dreg:$0x2];
	[bflag:$0x3] =	sbarrier.arrive $0xFFFF;
	s2 =	simm.s32 @!p0 $0x1C03  }
0xda: {  	[timem:s3], [sflag:s2] =	dma.local @!p0 [hbm:s0], s1  }
0xdb: {  	s0 =	simm.s32 @!p0 $0x3  }
0xdc: {  	_ =	swait.ge @!p0 [sflag:s0], s1  }
0xdd: {  	s1 =	ssub.s32 @!p0 $0x0, s1;
	[sflag:s0] =	ssyncset.done @!p0 $0x0  }
0xde: {  	[sflag:s0] =	ssyncadd.s32 @!p0 s1  }
0xdf: {  	[bflag:$0x3] =	sbarrier.arrive $0xFFFF  }
0xe0: {  	_ =	shalt  }

// kernel: kernel.19.cloned.1.call-start
scs
__scs_entry_jumppad:
0x0: {  	(pc) =	sbr.rel $0x88, $3  }
0x1: {  	(tag) =	ssettag $0x0;
	lr =	simm.s32 $0x1  }
0x2: {  	[smem:$0x3F98] =	sst lr;
	_ =	strace $0xD0000000  }
0x3: {  	_ = 	snop  }
0x4: {  	_ = 	snop  }
0x5: {  	_ = 	snop  }
0x6: {  	_ = 	snop  }
0x7: {  	_ = 	snop  }
__scs_overlays_trampoline_lowered:
0x8: {  	[smem:$0x3FA7] =	sst s0  }
0x9: {  	[smem:$0x3FA8] =	sst s1  }
0xa: {  	[smem:$0x3FA9] =	sst s2  }
0xb: {  	[smem:$0x3FAA] =	sst s3  }
0xc: {  	[smem:$0x3FAB] =	sst s4  }
0xd: {  	[smem:$0x3FAC] =	sst s5  }
0xe: {  	[smem:$0x3FAD] =	sst s6  }
0xf: {  	[smem:$0x3FAE] =	sst s7  }
0x10: {  	[smem:$0x3FAF] =	sst s8  }
0x11: {  	[smem:$0x3FB0] =	sst s9;
	s0 =	simm.s32 @!p0 $0x0  }
0x12: {  	s1 =	sld [smem:$0x3F96];
	s0 =	simm.s32 @p0 $0x1  }
0x13: {  	[smem:$0x3FB1] =	sst s0;
	s0 =	simm.s32 @!p1 $0x0  }
0x14: {  	s2 =	sld [smem:$0x3F95];
	s0 =	simm.s32 @p1 $0x1  }
0x15: {  	[smem:$0x3FB2] =	sst s0;
	s0 =	simm.s32 @!p2 $0x0  }
0x16: {  	s3 =	sld [smem:$0x3FDB];
	s0 =	simm.s32 @p2 $0x1  }
0x17: {  	s4 =	simm.s32 $0x1BF5;
	[smem:$0x3FB4] =	sst s0  }
0x18: {  	s0 =	sld [smem:$0x3F97];
	_ =	swait.ge [sflag:s4], $0x0  }
0x19: {  	s7 =	sld [smem:$0x3F98]  }
0x1a: {  	s8 =	sadd.s32 $0xFFFFE003, lr  }
0x1b: {  	s9 =	sadd.s32 $0xFFFFFEF7, lr;
	s5 =	simm.s32 $0xFFFFFFFF;
	p2 =	slt.u32 s8, $0xFFFFF086  }
0x1c: {  	p1 =	slt.u32 s9, $0xF7A;
	s5 =	simm.s32 @!p2 $0x0  }
0x1d: {  	s5 =	simm.s32 @p1 $0x1;
	p0 =	seq.s32 s7, s2  }
0x1e: {  	s7 =	smul.u32 @!p0 $0xF7A, s2;
	p2 =	seq.s32 @!p0 s5, $0x0  }
0x1f: {  	s9 =	smul.u32 $0xF7A, s1;
	s8 =	simm.s32 @!p0 $0x1BF5;
	p2 =	por !p2, p0  }
0x20: {  	[sflag:s8] =	ssyncset.s32 @!p0 $0xFFFFF086;
	s6 =	sadd.s32 @!p0 s3, s7;
	s7 =	simm.s32 @!p0 $0x108  }
0x21: {  	s3 =	sadd.s32 s3, s9;
	s6 =	sadd.s32 @!p0 $0x88, s6;
	s7 =	simm.s32 @p2 $0x1082  }
0x22: {  	[simem:s7], [sflag:s8] =	dma.local @!p0 [hbm:s6], $0xF7A  }
0x23: {  	s9 =	sor.u32 $0xD0000000, s2;
	s6 =	simm.s32 $0x108;
	_ =	swait.ge @!p0 [sflag:s8], $0x0  }
0x24: {  	s3 =	sadd.s32 $0x88, s3;
	s6 =	simm.s32 @!p1 $0x1082;
	[sflag:s4] =	ssyncset.s32 $0xFFFFF086  }
0x25: {  	[simem:s6], [sflag:s4] =	dma.local [hbm:s3], $0xF7A  }
0x26: {  	[smem:$0x3F98] =	sst s1;
	(tag) =	ssettag s2;
	_ =	strace s9  }
0x27: {  	s1 =	sld [smem:$0x3FA8]  }
0x28: {  	s2 =	sld [smem:$0x3FA9]  }
0x29: {  	s4 =	sld [smem:$0x3FAB]  }
0x2a: {  	p0 =	seq.s32 s5, $0x0;
	s5 =	sld [smem:$0x3FAC]  }
0x2b: {  	s6 =	sld [smem:$0x3FAD]  }
0x2c: {  	s7 =	sld [smem:$0x3FAE]  }
0x2d: {  	s3 =	simm.s32 $0x108;
	s8 =	sld [smem:$0x3FAF]  }
0x2e: {  	s3 =	simm.s32 @!p0 $0x1082;
	s9 =	sld [smem:$0x3FB0]  }
0x2f: {  	lr =	sadd.s32 s0, s3;
	s0 =	sld [smem:$0x3FA7]  }
0x30: {  	s3 =	sld [smem:$0x3FAA]  }
0x31: {  	[smem:$0x3FB3] =	sst s10  }
0x32: {  	s10 =	sld [smem:$0x3FB1];
	_ =	sdelay $0x3  }
0x33: {  	p0 =	seq.s32 s10, $0x1;
	s10 =	sld [smem:$0x3FB3];
	_ =	sdelay $0x3  }
0x34: {  	[smem:$0x3FB3] =	sst s10  }
0x35: {  	s10 =	sld [smem:$0x3FB2];
	_ =	sdelay $0x3  }
0x36: {  	p1 =	seq.s32 s10, $0x1;
	s10 =	sld [smem:$0x3FB3];
	_ =	sdelay $0x3  }
0x37: {  	[smem:$0x3FB3] =	sst s10  }
0x38: {  	s10 =	sld [smem:$0x3FB4]  }
0x39: {  	_ = 	snop;
	(pc) =	sbr.ind lr, $3  }
0x3a: {  	_ = 	snop  }
0x3b: {  	_ = 	snop  }
0x3c: {  	p2 =	seq.s32 s10, $0x1;
	s10 =	sld [smem:$0x3FB3]  }
0x3d: {  	_ =	shalt  }
0x3e: {  	_ =	shalt  }
0x3f: {  	_ =	shalt  }
0x40: {  	_ =	shalt  }
0x41: {  	_ =	shalt  }
0x42: {  	_ =	shalt  }
0x43: {  	_ =	shalt  }
0x44: {  	_ =	shalt  }
0x45: {  	_ =	shalt  }
0x46: {  	_ =	shalt  }
0x47: {  	_ =	shalt  }
0x48: {  	_ =	shalt  }
0x49: {  	_ =	shalt  }
0x4a: {  	_ =	shalt  }
0x4b: {  	_ =	shalt  }
0x4c: {  	_ =	shalt  }
0x4d: {  	_ =	shalt  }
0x4e: {  	_ =	shalt  }
0x4f: {  	_ =	shalt  }
0x50: {  	_ =	shalt  }
0x51: {  	_ =	shalt  }
0x52: {  	_ =	shalt  }
0x53: {  	_ =	shalt  }
0x54: {  	_ =	shalt  }
0x55: {  	_ =	shalt  }
0x56: {  	_ =	shalt  }
0x57: {  	_ =	shalt  }
0x58: {  	_ =	shalt  }
0x59: {  	_ =	shalt  }
0x5a: {  	_ =	shalt  }
0x5b: {  	_ =	shalt  }
0x5c: {  	_ =	shalt  }
0x5d: {  	_ =	shalt  }
0x5e: {  	_ =	shalt  }
0x5f: {  	_ =	shalt  }
0x60: {  	_ =	shalt  }
0x61: {  	_ =	shalt  }
0x62: {  	_ =	shalt  }
0x63: {  	_ =	shalt  }
0x64: {  	_ =	shalt  }
0x65: {  	_ =	shalt  }
0x66: {  	_ =	shalt  }
0x67: {  	_ =	shalt  }
0x68: {  	_ =	shalt  }
0x69: {  	_ =	shalt  }
0x6a: {  	_ =	shalt  }
0x6b: {  	_ =	shalt  }
0x6c: {  	_ =	shalt  }
0x6d: {  	_ =	shalt  }
0x6e: {  	_ =	shalt  }
0x6f: {  	_ =	shalt  }
0x70: {  	_ =	shalt  }
0x71: {  	_ =	shalt  }
0x72: {  	_ =	shalt  }
0x73: {  	_ =	shalt  }
0x74: {  	_ =	shalt  }
0x75: {  	_ =	shalt  }
0x76: {  	_ =	shalt  }
0x77: {  	_ =	shalt  }
0x78: {  	_ =	shalt  }
0x79: {  	_ =	shalt  }
0x7a: {  	_ =	shalt  }
0x7b: {  	_ =	shalt  }
0x7c: {  	_ =	shalt  }
0x7d: {  	_ =	shalt  }
0x7e: {  	_ =	shalt  }
0x7f: {  	_ =	shalt  }
0x80: {  	_ =	shalt  }
0x81: {  	_ =	shalt  }
0x82: {  	_ =	shalt  }
0x83: {  	_ =	shalt  }
0x84: {  	_ =	shalt  }
0x85: {  	_ =	shalt  }
0x86: {  	_ =	shalt  }
0x87: {  	_ =	shalt  }
.Lfunc_end0:
.L_simem_size_0:
called_computation.3_lowered:
.L_overlay_start_0:
0x88: {  	s2 =	sld [smem:$0x3FD9]  }
0x89: {  	s3 =	sld [smem:$0x3FFE];
	_ =	sdelay $0x1  }
0x8a: {  	s1 =	srdreg.scid  }
0x8b: {  	s0 =	sand.u32 $0x1, s1  }
0x8c: {  	s16 =	sshll.u32 s0, $0xA;
	s2 =	sadd.s32 s3, s2  }
0x8d: {  	s2 =	sadd.s32 s2, s16  }
0x8e: {  	[smem:$0x3FBF] =	sst s2  }
0x8f: {  	_ = 	snop  }
0x90: {  	(tm) =	ssettm $0x1  }
0x91: {  	s17 =	sld [smem:$0x3FFB];
	_ =	sdelay $0x3  }
0x92: {  	_ =	strace s17  }
0x93: {  	s2 =	sld [smem:$0x3FFC];
	_ =	sdelay $0x3  }
0x94: {  	_ =	strace s2  }
0x95: {  	s2 =	sld [smem:$0x3FFD];
	_ =	sdelay $0x3  }
0x96: {  	_ =	strace s2  }
0x97: {  	_ =	strace $0x8FFFFFFF  }
0x98: {  	s18 =	sld [smem:$0x3FDB];
	_ =	sdelay $0x1  }
0x99: {  	s19 =	simm.s32 $_scs_section_size  }
0x9a: {  	s4 =	simm.s32 $_size__tile_overlayer_lowered;
	s5 =	simm.s32 $_tile_overlayer_lowered  }
0x9b: {  	s22 =	simm.s32 $0x1BFF;
	s21 =	sshll.u32 s5, $0x1;
	s2 =	sadd.s32 s19, s18  }
0x9c: {  	s6 =	simm.s32 $0x0;
	s20 =	sshll.u32 s4, $0x1;
	s4 =	sadd.s32 s21, s2  }
0x9d: {  	[timem:s6], [sflag:s22] =	dma.local [hbm:s4], s20  }
0x9e: {  	_ =	swait.ge [sflag:s22], s20  }
0x9f: {  	s3 =	ssub.s32 $0x0, s20;
	[sflag:s22] =	ssyncset.done $0x0  }
0xa0: {  	[sflag:s22] =	ssyncadd.s32 s3;
	_ =	sdelay $0x1  }
0xa1: {  	s23 =	simm.s32 $0x1B8B  }
0xa2: {  	_ =	swait.ge [sflag:s23], $0x1  }
0xa3: {  	[sflag:s23] =	ssyncset.done $0x0  }
0xa4: {  	s25 =	simm.s32 $0x1B8E;
	s24 =	sld [smem:$0x3FFE];
	[sflag:s23] =	ssyncadd.s32 $0xFFFFFFFF  }
0xa5: {  	s26 =	simm.s32 $execute0_lowered;
	[smem:$0x3FD2] =	sst s25  }
0xa6: {  	s4 =	sshll.u32 s26, $0x1;
	_ =	strace $0x8000004F;
	[dreg:$0x1] =	wrdreg $0xFFFFFFFF  }
0xa7: {  	s28 =	simm.s32 $_size_execute0_lowered;
	s2 =	sadd.s32 s2, s4;
	[dreg:$0x0] =	wrdreg $0x0  }
0xa8: {  	s4 =	sshll.u32 s28, $0x1;
	[dreg:$0x2] =	wrdreg s2  }
0xa9: {  	[dreg:$0x3] =	wrdreg s4  }
0xaa: {  	[dreg:$0x4] =	wrdreg $0xC0  }
0xab: {  	_ =	task [dreg:s6], $0x5FFFF  }
0xac: {  	[dreg:$0x1] =	wrdreg $0xFFFFFFFF  }
0xad: {  	[dreg:$0x0] =	wrdreg $0x60  }
0xae: {  	[dreg:$0x2] =	wrdreg s24  }
0xaf: {  	[dreg:$0x3] =	wrdreg $0xA8000  }
0xb0: {  	[dreg:$0x4] =	wrdreg $0x9  }
0xb1: {  	_ =	task.clear_ibuf [dreg:s6], $0x5FFFF;
	_ =	strace $0x9000004F  }
0xb2: {  	s29 =	simm.s32 $0x9;
	_ =	strace $0x80000051  }
0xb3: {  	_ =	swait.ge [sflag:s29], $0x1  }
0xb4: {  	[sflag:s29] =	ssyncadd.s32 $0xFFFFFFFF  }
0xb5: {  	_ =	strace $0x90000051  }
0xb6: {  	_ =	sfence  }
0xb7: {  	s30 =	sld [smem:$0x0];
	_ =	sdelay $0x2  }
0xb8: {  	s31 =	sshll.u32 s1, $0xD;
	s1 =	sshrl.u32 s1, $0x2  }
0xb9: {  	s3 =	sand.u32 $0x4000, s31;
	s1 =	sadd.s32 s1, s30  }
0xba: {  	s0 =	sor.u32 s3, s0;
	s1 =	sshll.u32 s1, $0x11  }
0xbb: {  	s0 =	sor.u32 s1, s0  }
0xbc: {  	s0 =	sadd.s32 $0x8F2B, s0  }
0xbd: {  	[sflag:s0] =	ssyncadd.remote.s32 $0x1  }
0xbe: {  	_ =	sfence.sel $0xFFFF  }
0xbf: {  	[dreg:$0x0] =	wrdreg $0xFFFFFFFF;
	(pc) =	sbr.abs _section_cstart, $3  }
0xc0: {  	[dreg:$0x1] =	wrdreg $0xFFFFFFFF  }
0xc1: {  	_ =	task.clear_ibuf [dreg:s6], $0x2FFFF;
	_ =	strace $0x9FFFFFFF  }
0xc2: {  	(tm) =	ssettm $0x7FFFFFFF  }
0xc3: {  	_ =	shalt  }
tec
execute0_lowered:
.L_overlay_start_1:
0x0: {  	(tag) =	ssettag $0x1  }
0x1: {  	s6 =	rddreg [dreg:$0x0]  }
0x2: {  	s1 =	rddreg [dreg:$0x1];
	s2 =	srdreg.scid  }
0x3: {  	s0 =	rddreg [dreg:$0x2];
	s3 =	simm.s32 $0x0;
	s17 =	simm.s32 $0x3  }
0x4: {  	s18 =	simm.s32 $0x1400;
	s19 =	simm.s32 $0x80;
	s20 =	simm.s32 $0x6800  }
0x5: {  	s21 =	simm.s32 $0x1;
	s22 =	simm.s32 $0x2;
	s23 =	simm.s32 $0x1380  }
0x6: {  	s24 =	simm.s32 $0x2700;
	s5 =	sand.u32 $0x1, s2;
	s2 =	stileid.u32  }
0x7: {  	s25 =	simm.s32 $0x2780;
	[smem:$0x7FF] =	sst s3;
	s4 =	smul.u32 $0x140000, s5  }
0x8: {  	s12 =	sadd.s32 $0xF000, s6;
	s13 =	sadd.s32 $0x5000, s6;
	s7 =	smul.u32 $0x14000, s2  }
0x9: {  	s8 =	smul.u32 $0x50000, s2;
	s9 =	sshll.u32 s5, $0x4;
	s10 =	ssub.s32 $0x2, s5  }
0xa: {  	_ =	strace $0x80000050;
	s9 =	sor.u32 s2, s9;
	s31 =	sshrl.u32 s10, $0x1  }
0xb: {  	s7 =	sadd.s32 s7, s4;
	s4 =	sadd.s32 $0x19000, s6;
	s30 =	sshrl.u32 s8, $0x2  }
0xc: {  	s9 =	smul.u32 $0x2800, s9;
	s15 =	ssub.s32 s10, s31;
	s7 =	sshrl.u32 s7, $0x3  }
0xd: {  	s5 =	sadd.s32 s30, s1;
	s15 =	smax.u32 s15, $0x1;
	s14 =	sadd.s32 s7, s6  }
0xe: {  	s6 =	sadd.s32 $0x4000, s5;
	s7 =	sadd.s32 $0x8000, s5;
	s11 =	sshrl.u32 s9, $0x3  }
0xf: {  	s8 =	sadd.s32 $0xC000, s5;
	s9 =	sadd.s32 $0x10000, s5;
	s10 =	sadd.s32 s12, s11  }
0x10: {  	s16 =	sadd.s32 $0x280, s11;
	s11 =	sadd.s32 s13, s11;
	s14 =	sadd.s32 $0x69000, s14  }
0x11: {  	v0 =	vimm.f32 $0.0e+00;
	s12 =	sadd.s32 s12, s16;
	s13 =	sadd.s32 s13, s16;
	s16 =	simm.s32 $0x2800  }
.LBB2_1:
0x12: {  	s26 =	simm.s32 $0x0;
	s28 =	simm.s32 $0x200  }
.LBB2_2:
0x13: {  	p0 =	sne.s32 s28, $0xFE00;
	[tilespmem:s26+$0x2870] =	vst v0  }
0x14: {  	[tilespmem:s26+$0x2800] =	vst v0  }
0x15: {  	[tilespmem:s26+$0x2810] =	vst v0  }
.Ltmp0:
0x16: {  	[tilespmem:s26+$0x2820] =	vst v0;
	(pc) =	sbr.rel @p0 .LBB2_2-.Ltmp0, $4  }
0x17: {  	[tilespmem:s26+$0x2830] =	vst v0  }
0x18: {  	[tilespmem:s26+$0x2840] =	vst v0  }
0x19: {  	[tilespmem:s26+$0x2850] =	vst v0  }
0x1a: {  	[tilespmem:s26+$0x2860] =	vst v0;
	s26 =	sshra.s32 s28, $0x2;
	s28 =	sadd.s32 $0x200, s28  }
0x1b: {  	[tilespmem:s26+$0x2870] =	vst v0  }
0x1c: {  	[tilespmem:s26+$0x2800] =	vst v0  }
0x1d: {  	[tilespmem:s26+$0x2810] =	vst v0  }
0x1e: {  	[tilespmem:s26+$0x2820] =	vst v0  }
0x1f: {  	[tilespmem:s26+$0x2830] =	vst v0  }
0x20: {  	[tilespmem:s26+$0x2840] =	vst v0  }
0x21: {  	[tilespmem:s26+$0x2850] =	vst v0  }
0x22: {  	[tilespmem:s26+$0x2860] =	vst v0  }
0x23: {  	[spmem:s5] =	stream.linear.scatter [tilespmem:s16], [sflag:$0x3], $0x4000, $0x38;
	[tilespmem:$0x1E800] =	vst v63  }
0x24: {  	_ =	swait.ge [sflag:s17], $0x4000  }
0x25: {  	[sflag:s17] =	ssyncset.done $0x0  }
0x26: {  	[sflag:s17] =	ssyncadd.s32 $0xFFFFC000  }
0x27: {  	[spmem:s6] =	stream.linear.scatter [tilespmem:s16], [sflag:$0x3], $0x4000, $0x38;
	[tilespmem:$0x1E800] =	vst v63  }
0x28: {  	_ =	swait.ge [sflag:s17], $0x4000  }
0x29: {  	[sflag:s17] =	ssyncset.done $0x0  }
0x2a: {  	[sflag:s17] =	ssyncadd.s32 $0xFFFFC000  }
0x2b: {  	[spmem:s7] =	stream.linear.scatter [tilespmem:s16], [sflag:$0x3], $0x4000, $0x38;
	[tilespmem:$0x1E800] =	vst v63  }
0x2c: {  	_ =	swait.ge [sflag:s17], $0x4000  }
0x2d: {  	[sflag:s17] =	ssyncset.done $0x0  }
0x2e: {  	[sflag:s17] =	ssyncadd.s32 $0xFFFFC000  }
0x2f: {  	[spmem:s8] =	stream.linear.scatter [tilespmem:s16], [sflag:$0x3], $0x4000, $0x38;
	[tilespmem:$0x1E800] =	vst v63  }
0x30: {  	_ =	swait.ge [sflag:s17], $0x4000  }
0x31: {  	[sflag:s17] =	ssyncset.done $0x0  }
0x32: {  	[sflag:s17] =	ssyncadd.s32 $0xFFFFC000  }
0x33: {  	[spmem:s9] =	stream.linear.scatter [tilespmem:s16], [sflag:$0x3], $0x4000, $0x38;
	[tilespmem:$0x1E800] =	vst v63  }
0x34: {  	_ =	swait.ge [sflag:s17], $0x4000  }
0x35: {  	[sflag:s17] =	ssyncset.done $0x0  }
0x36: {  	[sflag:s17] =	ssyncadd.s32 $0xFFFFC000  }
0x37: {  	s30 =	simm.s32 $0x0;
	[bflag:$0x0] =	sbarrier.arrive $0xFFFF  }
0x38: {  	[tilespmem:s30], [sflag:$0x3] =	stream.linear.gather [hbm4b:s10+s30], $0x1400, $0x38;
	[tilespmem:$0x1E800] =	vst v63  }
0x39: {  	_ =	swait.ge [sflag:s17], $0x1400  }
0x3a: {  	[sflag:s17] =	ssyncset.done $0x0  }
0x3b: {  	[sflag:s17] =	ssyncadd.s32 $0xFFFFEC00  }
0x3c: {  	[tilespmem:s18], [sflag:$0x3] =	stream.linear.gather [hbm4b:s11+s30], $0x1400, $0x38;
	[tilespmem:$0x1E800] =	vst v63  }
0x3d: {  	_ =	swait.ge [sflag:s17], $0x1400  }
0x3e: {  	[sflag:s17] =	ssyncset.done $0x0  }
0x3f: {  	[sflag:s17] =	ssyncadd.s32 $0xFFFFEC00  }
0x40: {  	[tilespmem:s16], [sflag:$0x1] =	stream.indirect.gather [hbm4b:s4+s19], $0x80, s30, s19, $0xb8;
	[tilespmem:$0x1E800] =	vst v63  }
0x41: {  	s31 =	simm.s32 $0x80  }
0x42: {  	[tilespmem:s20], [sflag:$0x2] =	stream.indirect.gather [hbm4b:s4+s19], $0x80, s31, s19, $0xb8;
	[tilespmem:$0x1E800] =	vst v63  }
0x43: {  	_ =	swait.ge [sflag:s21], $0x4000  }
0x44: {  	[sflag:s21] =	ssyncset.done $0x0  }
0x45: {  	s29 =	simm.s32 $0x1400;
	[sflag:s21] =	ssyncadd.s32 $0xFFFFC000  }
0x46: {  	[spmem:s1] =	stream.indirect.scatter.add.f32 [tilespmem:s16], [sflag:$0x3], $0x80, s29, s19, $0xb8;
	[tilespmem:$0x1E800] =	vst v63  }
0x47: {  	_ =	swait.ge [sflag:s17], $0x4000  }
0x48: {  	[sflag:s17] =	ssyncset.done $0x0  }
0x49: {  	s30 =	simm.s32 $0x100;
	[sflag:s17] =	ssyncadd.s32 $0xFFFFC000  }
0x4a: {  	[tilespmem:s16], [sflag:$0x1] =	stream.indirect.gather [hbm4b:s4+s19], $0x80, s30, s19, $0xb8;
	[tilespmem:$0x1E800] =	vst v63  }
0x4b: {  	_ =	swait.ge [sflag:s22], $0x4000  }
0x4c: {  	[sflag:s22] =	ssyncset.done $0x0  }
0x4d: {  	s31 =	simm.s32 $0x1480;
	[sflag:s22] =	ssyncadd.s32 $0xFFFFC000  }
0x4e: {  	[spmem:s1] =	stream.indirect.scatter.add.f32 [tilespmem:s20], [sflag:$0x3], $0x80, s31, s19, $0xb8;
	[tilespmem:$0x1E800] =	vst v63  }
0x4f: {  	_ =	swait.ge [sflag:s17], $0x4000  }
0x50: {  	s28 =	simm.s32 $0x800;
	s26 =	simm.s32 $0x100;
	[sflag:s17] =	ssyncset.done $0x0  }
.LBB2_4:
0x51: {  	s29 =	sadd.s32 $0x80, s26  }
0x52: {  	[sflag:s17] =	ssyncadd.s32 $0xFFFFC000;
	s30 =	smov.u32 s28;
	s31 =	sadd.s32 $0x400, s28  }
0x53: {  	[tilespmem:s20], [sflag:$0x2] =	stream.indirect.gather [hbm4b:s4+s19], $0x80, s29, s19, $0xb8;
	[tilespmem:$0x1E800] =	vst v63  }
0x54: {  	p0 =	sne.s32 s28, $0x4800;
	_ =	swait.ge [sflag:s21], $0x4000  }
0x55: {  	[sflag:s21] =	ssyncset.done $0x0  }
0x56: {  	s28 =	sadd.s32 $0x1400, s26;
	[sflag:s21] =	ssyncadd.s32 $0xFFFFC000  }
0x57: {  	[spmem:s1] =	stream.indirect.scatter.add.f32 [tilespmem:s16], [sflag:$0x3], $0x80, s28, s19, $0xb8;
	[tilespmem:$0x1E800] =	vst v63  }
0x58: {  	_ =	swait.ge [sflag:s17], $0x4000  }
0x59: {  	[sflag:s17] =	ssyncset.done $0x0  }
0x5a: {  	s28 =	sadd.s32 $0x100, s26;
	[sflag:s17] =	ssyncadd.s32 $0xFFFFC000  }
0x5b: {  	[tilespmem:s16], [sflag:$0x1] =	stream.indirect.gather [hbm4b:s4+s19], $0x80, s28, s19, $0xb8;
	[tilespmem:$0x1E800] =	vst v63  }
0x5c: {  	_ =	swait.ge [sflag:s22], $0x4000  }
.Ltmp1:
0x5d: {  	[sflag:s22] =	ssyncset.done $0x0;
	(pc) =	sbr.rel @p0 .LBB2_4-.Ltmp1, $4  }
0x5e: {  	s26 =	sadd.s32 $0x1480, s26;
	[sflag:s22] =	ssyncadd.s32 $0xFFFFC000  }
0x5f: {  	[spmem:s1] =	stream.indirect.scatter.add.f32 [tilespmem:s20], [sflag:$0x3], $0x80, s26, s19, $0xb8;
	[tilespmem:$0x1E800] =	vst v63  }
0x60: {  	_ =	swait.ge [sflag:s17], $0x4000  }
0x61: {  	s28 =	smov.u32 s31;
	s26 =	sshra.s32 s30, $0x2;
	[sflag:s17] =	ssyncset.done $0x0  }
0x62: {  	s28 =	sadd.s32 $0x80, s26;
	[sflag:s17] =	ssyncadd.s32 $0xFFFFC000  }
0x63: {  	[tilespmem:s20], [sflag:$0x2] =	stream.indirect.gather [hbm4b:s4+s19], $0x80, s28, s19, $0xb8;
	[tilespmem:$0x1E800] =	vst v63  }
0x64: {  	_ =	swait.ge [sflag:s21], $0x4000  }
0x65: {  	[sflag:s21] =	ssyncset.done $0x0  }
0x66: {  	s28 =	sadd.s32 $0x1400, s26;
	[sflag:s21] =	ssyncadd.s32 $0xFFFFC000  }
0x67: {  	[spmem:s1] =	stream.indirect.scatter.add.f32 [tilespmem:s16], [sflag:$0x3], $0x80, s28, s19, $0xb8;
	[tilespmem:$0x1E800] =	vst v63  }
0x68: {  	_ =	swait.ge [sflag:s17], $0x4000  }
0x69: {  	[sflag:s17] =	ssyncset.done $0x0  }
0x6a: {  	s28 =	sadd.s32 $0x100, s26;
	[sflag:s17] =	ssyncadd.s32 $0xFFFFC000  }
0x6b: {  	[tilespmem:s16], [sflag:$0x1] =	stream.indirect.gather [hbm4b:s4+s19], $0x80, s28, s19, $0xb8;
	[tilespmem:$0x1E800] =	vst v63  }
0x6c: {  	_ =	swait.ge [sflag:s22], $0x4000  }
0x6d: {  	[sflag:s22] =	ssyncset.done $0x0  }
0x6e: {  	s29 =	sadd.s32 $0x1480, s26;
	[sflag:s22] =	ssyncadd.s32 $0xFFFFC000  }
0x6f: {  	[spmem:s1] =	stream.indirect.scatter.add.f32 [tilespmem:s20], [sflag:$0x3], $0x80, s29, s19, $0xb8;
	[tilespmem:$0x1E800] =	vst v63  }
0x70: {  	_ =	swait.ge [sflag:s17], $0x4000  }
0x71: {  	[sflag:s17] =	ssyncset.done $0x0  }
0x72: {  	[sflag:s17] =	ssyncadd.s32 $0xFFFFC000  }
0x73: {  	[tilespmem:s20], [sflag:$0x2] =	stream.indirect.gather [hbm4b:s4+s19], $0x80, s23, s19, $0xb8;
	[tilespmem:$0x1E800] =	vst v63  }
0x74: {  	_ =	swait.ge [sflag:s21], $0x4000  }
0x75: {  	[sflag:s21] =	ssyncset.done $0x0  }
0x76: {  	[sflag:s21] =	ssyncadd.s32 $0xFFFFC000  }
0x77: {  	[spmem:s1] =	stream.indirect.scatter.add.f32 [tilespmem:s16], [sflag:$0x3], $0x80, s24, s19, $0xb8;
	[tilespmem:$0x1E800] =	vst v63  }
0x78: {  	_ =	swait.ge [sflag:s17], $0x4000  }
0x79: {  	[sflag:s17] =	ssyncset.done $0x0  }
0x7a: {  	[sflag:s17] =	ssyncadd.s32 $0xFFFFC000  }
0x7b: {  	_ =	swait.ge [sflag:s22], $0x4000  }
0x7c: {  	[sflag:s22] =	ssyncset.done $0x0  }
0x7d: {  	[sflag:s22] =	ssyncadd.s32 $0xFFFFC000  }
0x7e: {  	[spmem:s1] =	stream.indirect.scatter.add.f32 [tilespmem:s20], [sflag:$0x3], $0x80, s25, s19, $0xb8;
	[tilespmem:$0x1E800] =	vst v63  }
0x7f: {  	_ =	swait.ge [sflag:s17], $0x4000  }
0x80: {  	[sflag:s17] =	ssyncset.done $0x0  }
0x81: {  	s30 =	simm.s32 $0x0;
	[sflag:s17] =	ssyncadd.s32 $0xFFFFC000  }
0x82: {  	[tilespmem:s30], [sflag:$0x3] =	stream.linear.gather [hbm4b:s12+s30], $0x1400, $0x38;
	[tilespmem:$0x1E800] =	vst v63  }
0x83: {  	_ =	swait.ge [sflag:s17], $0x1400  }
0x84: {  	[sflag:s17] =	ssyncset.done $0x0  }
0x85: {  	[sflag:s17] =	ssyncadd.s32 $0xFFFFEC00  }
0x86: {  	[tilespmem:s18], [sflag:$0x3] =	stream.linear.gather [hbm4b:s13+s30], $0x1400, $0x38;
	[tilespmem:$0x1E800] =	vst v63  }
0x87: {  	_ =	swait.ge [sflag:s17], $0x1400  }
0x88: {  	[sflag:s17] =	ssyncset.done $0x0  }
0x89: {  	[sflag:s17] =	ssyncadd.s32 $0xFFFFEC00  }
0x8a: {  	[tilespmem:s16], [sflag:$0x1] =	stream.indirect.gather [hbm4b:s4+s19], $0x80, s30, s19, $0xb8;
	[tilespmem:$0x1E800] =	vst v63  }
0x8b: {  	s31 =	simm.s32 $0x80  }
0x8c: {  	[tilespmem:s20], [sflag:$0x2] =	stream.indirect.gather [hbm4b:s4+s19], $0x80, s31, s19, $0xb8;
	[tilespmem:$0x1E800] =	vst v63  }
0x8d: {  	_ =	swait.ge [sflag:s21], $0x4000  }
0x8e: {  	[sflag:s21] =	ssyncset.done $0x0  }
0x8f: {  	s29 =	simm.s32 $0x1400;
	[sflag:s21] =	ssyncadd.s32 $0xFFFFC000  }
0x90: {  	[spmem:s1] =	stream.indirect.scatter.add.f32 [tilespmem:s16], [sflag:$0x3], $0x80, s29, s19, $0xb8;
	[tilespmem:$0x1E800] =	vst v63  }
0x91: {  	_ =	swait.ge [sflag:s17], $0x4000  }
0x92: {  	[sflag:s17] =	ssyncset.done $0x0  }
0x93: {  	s30 =	simm.s32 $0x100;
	[sflag:s17] =	ssyncadd.s32 $0xFFFFC000  }
0x94: {  	[tilespmem:s16], [sflag:$0x1] =	stream.indirect.gather [hbm4b:s4+s19], $0x80, s30, s19, $0xb8;
	[tilespmem:$0x1E800] =	vst v63  }
0x95: {  	_ =	swait.ge [sflag:s22], $0x4000  }
0x96: {  	[sflag:s22] =	ssyncset.done $0x0  }
0x97: {  	s31 =	simm.s32 $0x1480;
	[sflag:s22] =	ssyncadd.s32 $0xFFFFC000  }
0x98: {  	[spmem:s1] =	stream.indirect.scatter.add.f32 [tilespmem:s20], [sflag:$0x3], $0x80, s31, s19, $0xb8;
	[tilespmem:$0x1E800] =	vst v63  }
0x99: {  	_ =	swait.ge [sflag:s17], $0x4000  }
0x9a: {  	s26 =	simm.s32 $0x100;
	s28 =	simm.s32 $0x800;
	[sflag:s17] =	ssyncset.done $0x0  }
.LBB2_6:
0x9b: {  	s29 =	sadd.s32 $0x80, s26  }
0x9c: {  	[sflag:s17] =	ssyncadd.s32 $0xFFFFC000;
	s30 =	smov.u32 s28;
	s31 =	sadd.s32 $0x400, s28  }
0x9d: {  	[tilespmem:s20], [sflag:$0x2] =	stream.indirect.gather [hbm4b:s4+s19], $0x80, s29, s19, $0xb8;
	[tilespmem:$0x1E800] =	vst v63  }
0x9e: {  	p0 =	sne.s32 s28, $0x4800;
	_ =	swait.ge [sflag:s21], $0x4000  }
0x9f: {  	[sflag:s21] =	ssyncset.done $0x0  }
0xa0: {  	s28 =	sadd.s32 $0x1400, s26;
	[sflag:s21] =	ssyncadd.s32 $0xFFFFC000  }
0xa1: {  	[spmem:s1] =	stream.indirect.scatter.add.f32 [tilespmem:s16], [sflag:$0x3], $0x80, s28, s19, $0xb8;
	[tilespmem:$0x1E800] =	vst v63  }
0xa2: {  	_ =	swait.ge [sflag:s17], $0x4000  }
0xa3: {  	[sflag:s17] =	ssyncset.done $0x0  }
0xa4: {  	s28 =	sadd.s32 $0x100, s26;
	[sflag:s17] =	ssyncadd.s32 $0xFFFFC000  }
0xa5: {  	[tilespmem:s16], [sflag:$0x1] =	stream.indirect.gather [hbm4b:s4+s19], $0x80, s28, s19, $0xb8;
	[tilespmem:$0x1E800] =	vst v63  }
0xa6: {  	_ =	swait.ge [sflag:s22], $0x4000  }
.Ltmp2:
0xa7: {  	[sflag:s22] =	ssyncset.done $0x0;
	(pc) =	sbr.rel @p0 .LBB2_6-.Ltmp2, $4  }
0xa8: {  	s26 =	sadd.s32 $0x1480, s26;
	[sflag:s22] =	ssyncadd.s32 $0xFFFFC000  }
0xa9: {  	[spmem:s1] =	stream.indirect.scatter.add.f32 [tilespmem:s20], [sflag:$0x3], $0x80, s26, s19, $0xb8;
	[tilespmem:$0x1E800] =	vst v63  }
0xaa: {  	_ =	swait.ge [sflag:s17], $0x4000  }
0xab: {  	s28 =	smov.u32 s31;
	s26 =	sshra.s32 s30, $0x2;
	[sflag:s17] =	ssyncset.done $0x0  }
0xac: {  	s28 =	sadd.s32 $0x80, s26;
	[sflag:s17] =	ssyncadd.s32 $0xFFFFC000  }
0xad: {  	[tilespmem:s20], [sflag:$0x2] =	stream.indirect.gather [hbm4b:s4+s19], $0x80, s28, s19, $0xb8;
	[tilespmem:$0x1E800] =	vst v63  }
0xae: {  	_ =	swait.ge [sflag:s21], $0x4000  }
0xaf: {  	[sflag:s21] =	ssyncset.done $0x0  }
0xb0: {  	s30 =	sadd.s32 $0x1400, s26;
	[sflag:s21] =	ssyncadd.s32 $0xFFFFC000  }
0xb1: {  	[spmem:s1] =	stream.indirect.scatter.add.f32 [tilespmem:s16], [sflag:$0x3], $0x80, s30, s19, $0xb8;
	[tilespmem:$0x1E800] =	vst v63  }
0xb2: {  	_ =	swait.ge [sflag:s17], $0x4000  }
0xb3: {  	[sflag:s17] =	ssyncset.done $0x0  }
0xb4: {  	s31 =	sadd.s32 $0x100, s26;
	[sflag:s17] =	ssyncadd.s32 $0xFFFFC000  }
0xb5: {  	[tilespmem:s16], [sflag:$0x1] =	stream.indirect.gather [hbm4b:s4+s19], $0x80, s31, s19, $0xb8;
	[tilespmem:$0x1E800] =	vst v63  }
0xb6: {  	_ =	swait.ge [sflag:s22], $0x4000  }
0xb7: {  	[sflag:s22] =	ssyncset.done $0x0  }
0xb8: {  	s29 =	sadd.s32 $0x1480, s26;
	[sflag:s22] =	ssyncadd.s32 $0xFFFFC000  }
0xb9: {  	[spmem:s1] =	stream.indirect.scatter.add.f32 [tilespmem:s20], [sflag:$0x3], $0x80, s29, s19, $0xb8;
	[tilespmem:$0x1E800] =	vst v63  }
0xba: {  	_ =	swait.ge [sflag:s17], $0x4000  }
0xbb: {  	[sflag:s17] =	ssyncset.done $0x0  }
0xbc: {  	[sflag:s17] =	ssyncadd.s32 $0xFFFFC000  }
0xbd: {  	[tilespmem:s20], [sflag:$0x2] =	stream.indirect.gather [hbm4b:s4+s19], $0x80, s23, s19, $0xb8;
	[tilespmem:$0x1E800] =	vst v63  }
0xbe: {  	_ =	swait.ge [sflag:s21], $0x4000  }
0xbf: {  	[sflag:s21] =	ssyncset.done $0x0  }
0xc0: {  	[sflag:s21] =	ssyncadd.s32 $0xFFFFC000  }
0xc1: {  	[spmem:s1] =	stream.indirect.scatter.add.f32 [tilespmem:s16], [sflag:$0x3], $0x80, s24, s19, $0xb8;
	[tilespmem:$0x1E800] =	vst v63  }
0xc2: {  	_ =	swait.ge [sflag:s17], $0x4000  }
0xc3: {  	[sflag:s17] =	ssyncset.done $0x0  }
0xc4: {  	[sflag:s17] =	ssyncadd.s32 $0xFFFFC000  }
0xc5: {  	_ =	swait.ge [sflag:s22], $0x4000  }
0xc6: {  	[sflag:s22] =	ssyncset.done $0x0  }
0xc7: {  	[sflag:s22] =	ssyncadd.s32 $0xFFFFC000  }
0xc8: {  	[spmem:s1] =	stream.indirect.scatter.add.f32 [tilespmem:s20], [sflag:$0x3], $0x80, s25, s19, $0xb8;
	[tilespmem:$0x1E800] =	vst v63  }
0xc9: {  	_ =	swait.ge [sflag:s17], $0x4000  }
0xca: {  	s3 =	sadd.s32 $0x1, s3;
	s30 =	sshll.u32 s2, $0x6;
	[sflag:s17] =	ssyncset.done $0x0  }
0xcb: {  	p0 =	sne.s32 s3, s15;
	s26 =	sor.u32 $0x1C03, s30;
	[sflag:s17] =	ssyncadd.s32 $0xFFFFC000  }
.Ltmp3:
0xcc: {  	s31 =	sshrl.u32 s5, $0x3;
	[bflag:$0x0] =	sbarrier.arrive $0xFFFF;
	(pc) =	sbr.rel @p0 .LBB2_1-.Ltmp3, $4  }
0xcd: {  	[hbm:s14], [sflag:s26] =	dma.local [spmem:s31], $0x2800  }
0xce: {  	_ =	swait.ge [sflag:s17], $0x2800  }
0xcf: {  	[sflag:s17] =	ssyncset.done $0x0  }
0xd0: {  	[sflag:s17] =	ssyncadd.s32 $0xFFFFD800  }
0xd1: {  	_ =	sfence.sel $0x180000  }
0xd2: {  	[bflag:$0x0] =	sbarrier.arrive $0xFFFF  }
0xd3: {  	p0 =	sne.s32 s2, $0x0;
	_ =	strace $0x90000050  }
0xd4: {  	s0 =	sadd.s32 @!p0 $0x100000, s0;
	[bflag:$0x2] =	sbarrier.arrive $0xFFFF  }
0xd5: {  	[sflag:s0] =	ssyncadd.tile.s32 @!p0 $0x1;
	_ =	shalt  }
.Lfunc_end2:
_tile_overlayer_lowered:
.L_overlay_start_2:
0xd6: {  	(tag) =	ssettag $0x2  }
0xd7: {  	s0 =	rddreg [dreg:$0x0];
	s2 =	stileid.u32  }
0xd8: {  	s1 =	rddreg [dreg:$0x1];
	p0 =	sne.s32 s2, $0x0  }
0xd9: {  	s3 =	rddreg [dreg:$0x2];
	[bflag:$0x3] =	sbarrier.arrive $0xFFFF;
	s2 =	simm.s32 @!p0 $0x1C03  }
0xda: {  	[timem:s3], [sflag:s2] =	dma.local @!p0 [hbm:s0], s1  }
0xdb: {  	s0 =	simm.s32 @!p0 $0x3  }
0xdc: {  	_ =	swait.ge @!p0 [sflag:s0], s1  }
0xdd: {  	s1 =	ssub.s32 @!p0 $0x0, s1;
	[sflag:s0] =	ssyncset.done @!p0 $0x0  }
0xde: {  	[sflag:s0] =	ssyncadd.s32 @!p0 s1  }
0xdf: {  	[bflag:$0x3] =	sbarrier.arrive $0xFFFF  }
0xe0: {  	_ =	shalt  }

</sc_bundles>
